<compile_context>
chip_gen: v7x
topology: tpu7x:2x2x1
jax: 0.10.2.dev20260603
libtpu: 0.0.44.dev20260713+nightly
codegen_flags: <defaults>
</compile_context>

<pallas_src>
import functools

import jax
import jax.numpy as jnp
from jax import lax
from jax.experimental import pallas as pl
from jax.experimental.pallas import tpu as pltpu
from jax.experimental.pallas import tpu_sc as plsc

BLK = 8192
NW = 32
G = 128
K = 8


def _zt_pool_body(nnz, nb, x_ref, w0_ref, zt_ref, pooled_ref, acc_ref):
    i = pl.program_id(0)
    x = x_ref[...]

    def masked(v):
        col = i * BLK + lax.broadcasted_iota(jnp.int32, v.shape, 1)
        return jnp.where(col < nnz, v, 0.0)

    x = lax.cond(i == nb - 1, masked, lambda v: v, x)
    zt_ref[...] = lax.dot_general(
        x, w0_ref[...], (((0,), (0,)), ((), ())),
        preferred_element_type=jnp.float32)
    ones = jnp.full((BLK, 1), 1.0, dtype=jnp.float32)
    part = lax.dot_general(x, ones, (((1,), (0,)), ((), ())),
                           preferred_element_type=jnp.float32)

    @pl.when(i == 0)
    def _():
        acc_ref[...] = part

    @pl.when(i > 0)
    def _():
        acc_ref[...] += part

    pooled_ref[...] = acc_ref[...]


def _out_body(gt_ref, pooled_ref, w1_ref, bias_ref, y_ref):
    gt = gt_ref[...]
    eye = (lax.broadcasted_iota(jnp.int32, (16, 16), 0) ==
           lax.broadcasted_iota(jnp.int32, (16, 16), 1)).astype(jnp.float32)
    yt = lax.dot_general(eye, gt, (((0,), (1,)), ((), ())),
                         preferred_element_type=jnp.float32)
    c = lax.dot_general(w1_ref[...], pooled_ref[...], (((0,), (0,)), ((), ())),
                        preferred_element_type=jnp.float32)
    y_ref[...] = yt + c + jnp.sum(bias_ref[...])


XC = 2048
TINNER = 1024
SSTRIDE = 128
IMAX = 0x7FFFFFFF


def _make_sc_align_gather(npad, nnz, nsamp):
    wpw = npad // NW
    lb = wpw // 16
    ng = wpw // G
    nbs = max(int(nsamp - 1).bit_length(), 1)
    mesh = plsc.VectorSubcoreMesh(core_axis_name="c", subcore_axis_name="s")

    @functools.partial(
        pl.kernel,
        out_type=jax.ShapeDtypeStruct((npad, 16), jnp.float32),
        mesh=mesh,
        compiler_params=pltpu.CompilerParams(use_tc_tiling_on_sc=False, needs_layout_passes=False),
        scratch_types=[
            pltpu.VMEM((wpw,), jnp.int32),
            pltpu.VMEM((wpw,), jnp.int32),
            pltpu.VMEM((nsamp,), jnp.int32),
            pltpu.VMEM((16 * XC,), jnp.int32),
            pltpu.VMEM((K * G, 16), jnp.float32),
            pltpu.SemaphoreType.DMA,
            pltpu.SemaphoreType.DMA,
        ],
    )
    def sc_align_gather(oi_hbm, xi_hbm, samp_hbm, zt_hbm, gt_hbm,
                        obuf, posbuf, sampbuf, xwin, rows, sem, sem2):
        i32 = jnp.int32
        wid = lax.axis_index("s") * i32(2) + lax.axis_index("c")
        base = wid * i32(wpw)
        pltpu.sync_copy(oi_hbm.at[pl.ds(base, wpw)], obuf)
        pltpu.sync_copy(samp_hbm, sampbuf)

        lane = lax.iota(jnp.int32, 16)
        keys = plsc.load_gather(obuf, [lane * i32(lb)])

        lo = jnp.zeros((16,), jnp.int32)
        hi = jnp.full((16,), nsamp, jnp.int32)

        def bs_body(_, c):
            blo, bhi = c
            mid = jnp.minimum((blo + bhi) >> 1, i32(nsamp - 1))
            v = plsc.load_gather(sampbuf, [mid])
            big = v < keys
            return (jnp.where(big, mid + i32(1), blo),
                    jnp.where(big, mid, bhi))

        lo, hi = lax.fori_loop(i32(0), i32(nbs), bs_body, (lo, hi),
                               unroll=False)
        p = jnp.maximum(lo - i32(1), i32(0)) * i32(SSTRIDE)
        p = jnp.minimum(p, i32(nnz))
        o = lane * i32(lb)
        oend = (lane + i32(1)) * i32(lb)

        def superstep(state):
            sp, so = state
            cb = jnp.minimum(sp & i32(~7), i32(nnz - XC))
            act = (so < oend).astype(jnp.int32)
            cbs = [jnp.max(jnp.where(lane == i32(L), cb, i32(0))).astype(i32)
                   for L in range(16)]
            acts = [jnp.max(jnp.where(lane == i32(L), act, i32(0)))
                    for L in range(16)]
            for L in range(16):
                @pl.when(acts[L] > i32(0))
                def _(L=L):
                    pltpu.async_copy(xi_hbm.at[pl.ds(pl.multiple_of(cbs[L], 8), XC)],
                                     xwin.at[pl.ds(L * XC, XC)], sem2)
            for L in range(16):
                @pl.when(acts[L] > i32(0))
                def _(L=L):
                    pltpu.make_async_copy(xi_hbm.at[pl.ds(pl.multiple_of(cbs[L], 8), XC)],
                                          xwin.at[pl.ds(L * XC, XC)], sem2).wait()

            def inner(_, st):
                p_, o_ = st
                xrel = p_ - cb
                inw = xrel < i32(XC)
                xg = plsc.load_gather(
                    xwin,
                    [lane * i32(XC) + jnp.minimum(xrel, i32(XC - 1))])
                ended = p_ >= i32(nnz)
                xv = jnp.where(ended, i32(IMAX), xg)
                og = plsc.load_gather(obuf, [jnp.minimum(o_, i32(wpw - 1))])
                active = o_ < oend
                sent = og == i32(IMAX)
                less = (((p_ + o_) & i32(1)) == i32(0)) | (
                    (xv + og) < i32(-2000000000))
                adv = active & less & inw & (~ended) & (~sent)
                emit = active & (~adv)
                pospv = jnp.where((xv == og) & (~sent), p_, i32(nnz))
                plsc.store_scatter(posbuf, [jnp.where(emit, o_, i32(0))],
                                   pospv, mask=emit)
                return (p_ + adv.astype(jnp.int32),
                        o_ + emit.astype(jnp.int32))

            return lax.fori_loop(i32(0), i32(TINNER), inner, (sp, so),
                                 unroll=False)

        def not_done(state):
            _, so = state
            return jnp.max((so < oend).astype(jnp.int32)) > i32(0)

        lax.while_loop(not_done, superstep, (p, o))

        def filld(j, c):
            flane = lax.iota(jnp.int32, 16)
            posbuf[pl.ds(j * i32(16), 16)] = (j * i32(16) + flane) & i32((1 << 19) - 1)
            return c

        lax.fori_loop(i32(0), i32(wpw // 16), filld, i32(0), unroll=False)

        def super_body(s, carry):
            g0 = s * i32(K)
            handles = []
            for k in range(K):
                idx = posbuf.at[pl.ds((g0 + i32(k)) * i32(G), G)]
                handles.append(
                    pltpu.async_copy(zt_hbm.at[idx], rows.at[pl.ds(k * G, G)],
                                     sem))
            for h in handles:
                h.wait()
            pltpu.sync_copy(rows, gt_hbm.at[pl.ds(base + g0 * i32(G), K * G)])
            return carry

        lax.fori_loop(i32(0), i32(ng // K), super_body, i32(0), unroll=False)

    return sc_align_gather


def kernel(x_values, x_indices, out_indices, weights, bias):
    in_dim, nnz = x_values.shape
    nnz_out = out_indices.shape[0]
    npad = 1 << 20

    xi = x_indices.astype(jnp.int32)
    oi = out_indices.astype(jnp.int32)

    oi_pad = jnp.pad(oi, (0, npad - nnz_out), constant_values=IMAX)
    samp = xi[::SSTRIDE]
    nsamp_real = samp.shape[0]
    nsamp = ((nsamp_real + 8) // 8) * 8
    samp = jnp.pad(samp, (0, nsamp - nsamp_real), constant_values=IMAX)

    nb = pl.cdiv(nnz + 8, BLK)
    zt, pooled = pl.pallas_call(
        functools.partial(_zt_pool_body, nnz, nb),
        grid=(nb,),
        in_specs=[
            pl.BlockSpec((in_dim, BLK), lambda i: (i * 0, i)),
            pl.BlockSpec((16, 16), lambda i: (i * 0, i * 0)),
        ],
        out_specs=[
            pl.BlockSpec((BLK, 16), lambda i: (i, i * 0)),
            pl.BlockSpec((16, 1), lambda i: (i * 0, i * 0)),
        ],
        out_shape=[
            jax.ShapeDtypeStruct((nnz + 8, 16), jnp.float32),
            jax.ShapeDtypeStruct((16, 1), jnp.float32),
        ],
        scratch_shapes=[pltpu.VMEM((16, 1), jnp.float32)],
    )(x_values, weights[0])

    gt = _make_sc_align_gather(npad, nnz, nsamp)(oi_pad, xi, samp, zt)

    nb2 = pl.cdiv(nnz_out, BLK)
    y = pl.pallas_call(
        _out_body,
        grid=(nb2,),
        in_specs=[
            pl.BlockSpec((BLK, 16), lambda i: (i, i * 0)),
            pl.BlockSpec((16, 1), lambda i: (i * 0, i * 0)),
            pl.BlockSpec((16, 16), lambda i: (i * 0, i * 0)),
            pl.BlockSpec((2, 1), lambda i: (i * 0, i * 0)),
        ],
        out_specs=pl.BlockSpec((16, BLK), lambda i: (i * 0, i)),
        out_shape=jax.ShapeDtypeStruct((16, nnz_out), jnp.float32),
    )(gt, pooled, weights[1], bias.reshape(2, 1))
    return y

# --- scband reference (transcript-rebuilt; emitter-appended) ---
"""Pipeline reference for scband-sparse-equivariant-layer-block-73718818668668 (READ-ONLY COPY).

The authoritative reference and input builder live on the scoring server;
editing this copy changes nothing except your own understanding.
"""

import jax
from jax import config
config.update('jax_enable_x64', True)
import jax.numpy as jnp
import numpy as np

IN_DIM = 16
OUT_DIM = 16
NNZ = 1000000
N_INSTANCES = 10000000
N_PARAMS = 2  # Bell(2): rank-1 relation -> rank-1 relation equivariant basis (identity, pool-broadcast)


def setup_inputs(seed: int = 0):
    key = jax.random.key(seed)
    k1, k2, k3, k4 = jax.random.split(key, 4)
    x_values = jax.random.normal(k1, (IN_DIM, NNZ), dtype=jnp.float32)
    x_indices = jnp.sort(jax.random.randint(k2, (NNZ,), 0, N_INSTANCES, dtype=jnp.int64))
    out_indices = jnp.sort(jax.random.randint(k3, (NNZ,), 0, N_INSTANCES, dtype=jnp.int64))
    stdv = 0.1 / np.sqrt(IN_DIM)
    weights = jax.random.uniform(k4, (N_PARAMS, IN_DIM, OUT_DIM), minval=-stdv, maxval=stdv, dtype=jnp.float32)
    bias = jnp.ones((N_PARAMS,), dtype=jnp.float32)
    return {"x_values": x_values, "x_indices": x_indices, "out_indices": out_indices, "weights": weights, "bias": bias}


def reference(x_values, x_indices, out_indices, weights, bias):
    # Sparse equivariant layer block for unary (rank-1) relation_in -> relation_out.
    # Two equality partitions of {in_dim, out_dim}:
    #   partition 0: {in0 == out0}  -> identity op: align input nnz entries to output nnz entries
    #   partition 1: {in0}, {out0}  -> pool over all input entries then broadcast to every output entry
    # Each op applies its own [in_dim, out_dim] channel-mixing weight; scalar bias per param added to Y.
    nnz_in = x_indices.shape[0]
    # --- param 0: diag/identity with sparse index alignment (broadcast onto X_out pattern) ---
    pos = jnp.searchsorted(x_indices, out_indices)
    pos = jnp.clip(pos, 0, nnz_in - 1)
    match = (x_indices[pos] == out_indices).astype(x_values.dtype)
    gathered = jnp.take(x_values, pos, axis=1) * match[None, :]  # [in_dim, nnz_out]
    y0 = jnp.einsum('io,in->on', weights[0], gathered)  # [out_dim, nnz_out]
    # --- param 1: pool over the sparse entity dimension, broadcast to output indices ---
    pooled = jnp.sum(x_values, axis=1)  # [in_dim]
    y1 = jnp.einsum('io,i->o', weights[1], pooled)[:, None]  # [out_dim, 1] broadcast over nnz_out
    y = y0 + y1 + bias[0] + bias[1]
    return y  # values of output sparse tensor on X_out's index pattern, shape [out_dim, nnz_out]

if __name__ == "__main__":
    import jax
    _d = setup_inputs()
    print(jax.jit(kernel)(*tuple(_d.values())))

</pallas_src>

<mosaic_0001>
#map = affine_map<(d0, d1) -> (0)>
#map1 = affine_map<(d0, d1) -> (0, 0)>
module attributes {stable_mosaic.version = 14 : i64} {
  func.func @sc_align_gather(%arg0: i32, %arg1: i32, %arg2: memref<1048576xi32, #tpu.memory_space<hbm>>, %arg3: memref<1000000xi32, #tpu.memory_space<hbm>>, %arg4: memref<7816xi32, #tpu.memory_space<hbm>>, %arg5: memref<1000008x16xf32, #tpu.memory_space<hbm>>, %arg6: memref<1048576x16xf32, #tpu.memory_space<hbm>>, %arg7: memref<32768xi32, #tpu.memory_space<vmem>>, %arg8: memref<32768xi32, #tpu.memory_space<vmem>>, %arg9: memref<7816xi32, #tpu.memory_space<vmem>>, %arg10: memref<32768xi32, #tpu.memory_space<vmem>>, %arg11: memref<1024x16xf32, #tpu.memory_space<vmem>>, %arg12: memref<!tpu.dma_semaphore, #tpu.memory_space<semaphore_mem>>, %arg13: memref<!tpu.dma_semaphore, #tpu.memory_space<semaphore_mem>>) attributes {dimension_semantics = [#tpu.dimension_semantics<core_parallel>, #tpu.dimension_semantics<subcore_parallel>], iteration_bounds = array<i64: 2, 16>, scalar_prefetch = 0 : i64, scratch_operands = 7 : i64, tpu.core_type = #tpu.core_type<sc_vector_subcore>, window_params = [{transform_indices = #map}, {transform_indices = #map}, {transform_indices = #map}, {transform_indices = #map1}, {transform_indices = #map1}]} {
    %mul3A = arith.constant 2 : i32
    %mul3A_0 = arith.muli %arg1, %mul3A : i32
    %add3A = arith.addi %mul3A_0, %arg0 : i32
    %mul3A_1 = arith.constant 32768 : i32
    %mul3A_2 = arith.muli %add3A, %mul3A_1 : i32
    "tpu.region"() ({
      %run_scoped3A = tpu.sem_alloc : memref<!tpu.dma_semaphore, #tpu.memory_space<semaphore_mem>>
      %dma_start3A = tpu.memref_slice %arg2[%mul3A_2] : memref<1048576xi32, #tpu.memory_space<hbm>> -> memref<32768xi32, #tpu.memory_space<hbm>>
      %dma_start3A_61 = tpu.memref_slice %arg2[%mul3A_2] : memref<1048576xi32, #tpu.memory_space<hbm>> -> memref<32768xi32, #tpu.memory_space<hbm>>
      tpu.enqueue_dma source(%dma_start3A_61 : memref<32768xi32, #tpu.memory_space<hbm>>) target(%arg7 : memref<32768xi32, #tpu.memory_space<vmem>>) target_semaphore(%run_scoped3A : memref<!tpu.dma_semaphore, #tpu.memory_space<semaphore_mem>>)
      %dma_wait3A = tpu.memref_slice %arg2[%mul3A_2] : memref<1048576xi32, #tpu.memory_space<hbm>> -> memref<32768xi32, #tpu.memory_space<hbm>>
      %dma_wait3A_62 = tpu.memref_slice %arg2[%mul3A_2] : memref<1048576xi32, #tpu.memory_space<hbm>> -> memref<32768xi32, #tpu.memory_space<hbm>>
      tpu.wait_dma2 semaphore(%run_scoped3A : memref<!tpu.dma_semaphore, #tpu.memory_space<semaphore_mem>>) src(%dma_wait3A_62 : memref<32768xi32, #tpu.memory_space<hbm>>) dst(%arg7 : memref<32768xi32, #tpu.memory_space<vmem>>)
      tpu.yield
    }) : () -> ()
    "tpu.region"() ({
      %run_scoped3A = tpu.sem_alloc : memref<!tpu.dma_semaphore, #tpu.memory_space<semaphore_mem>>
      tpu.enqueue_dma source(%arg4 : memref<7816xi32, #tpu.memory_space<hbm>>) target(%arg9 : memref<7816xi32, #tpu.memory_space<vmem>>) target_semaphore(%run_scoped3A : memref<!tpu.dma_semaphore, #tpu.memory_space<semaphore_mem>>)
      tpu.wait_dma2 semaphore(%run_scoped3A : memref<!tpu.dma_semaphore, #tpu.memory_space<semaphore_mem>>) src(%arg4 : memref<7816xi32, #tpu.memory_space<hbm>>) dst(%arg9 : memref<7816xi32, #tpu.memory_space<vmem>>)
      tpu.yield
    }) : () -> ()
    %iota3A = tpu.iota {dimensions = array<i32: 0>} : vector<16xi32>
    %mul3A_3 = arith.constant 2048 : i32
    %mul3A_4 = vector.broadcast %mul3A_3 : i32 to vector<16xi32>
    %mul3A_5 = arith.muli %iota3A, %mul3A_4 : vector<16xi32>
    %gather3A = tpu.vector_load_idx %arg7[%mul3A_5] : memref<32768xi32, #tpu.memory_space<vmem>>[vector<16xi32>], vector<16xi32>,
    %broadcast_in_dim3A = arith.constant 0 : i32
    %broadcast_in_dim3A_6 = vector.broadcast %broadcast_in_dim3A : i32 to vector<16xi32>
    %broadcast_in_dim3A_7 = arith.constant 7816 : i32
    %broadcast_in_dim3A_8 = vector.broadcast %broadcast_in_dim3A_7 : i32 to vector<16xi32>
    %while3A = arith.constant 0 : i32
    %while3A_9 = arith.constant 13 : i32
    %while3A_10 = arith.subi %while3A_9, %while3A : i32
    %while3A_11 = arith.addi %while3A, %while3A_10 : i32
    %while3A_12 = arith.constant 1 : i32
    %while3A_13 = arith.divsi %while3A_10, %while3A_12 : i32
    %while3A_14 = arith.muli %while3A_13, %while3A_12 : i32
    %while3A_15 = arith.addi %while3A, %while3A_14 : i32
    %while3A_16 = arith.constant 1 : i32
    %while3A_17:2 = scf.for %while3A_61 = %while3A to %while3A_15 step %while3A_16 iter_args(%while3A_62 = %broadcast_in_dim3A_6, %while3A_63 = %broadcast_in_dim3A_8) -> (vector<16xi32>, vector<16xi32>)  : i32 {
      %add3A_64 = arith.addi %while3A_62, %while3A_63 : vector<16xi32>
      %shift_right_arithmetic3A = arith.constant 1 : i32
      %shift_right_arithmetic3A_65 = vector.broadcast %shift_right_arithmetic3A : i32 to vector<16xi32>
      %shift_right_arithmetic3A_66 = arith.shrsi %add3A_64, %shift_right_arithmetic3A_65 : vector<16xi32>
      %min3A_67 = arith.constant 7815 : i32
      %min3A_68 = vector.broadcast %min3A_67 : i32 to vector<16xi32>
      %min3A_69 = arith.minsi %shift_right_arithmetic3A_66, %min3A_68 : vector<16xi32>
      %gather3A_70 = tpu.vector_load_idx %arg9[%min3A_69] : memref<7816xi32, #tpu.memory_space<vmem>>[vector<16xi32>], vector<16xi32>,
      %lt3A = arith.cmpi slt, %gather3A_70, %gather3A : vector<16xi32>
      %add3A_71 = arith.constant 1 : i32
      %add3A_72 = vector.broadcast %add3A_71 : i32 to vector<16xi32>
      %add3A_73 = arith.addi %min3A_69, %add3A_72 : vector<16xi32>
      %select_n3A = arith.select %lt3A, %add3A_73, %while3A_62 : vector<16xi1>, vector<16xi32>
      %select_n3A_74 = arith.select %lt3A, %min3A_69, %while3A_63 : vector<16xi1>, vector<16xi32>
      scf.yield %select_n3A, %select_n3A_74 : vector<16xi32>, vector<16xi32>
    }
    %while3A_18 = arith.constant 1 : i32
    %while3A_19:2 = scf.for %while3A_61 = %while3A_15 to %while3A_11 step %while3A_18 iter_args(%while3A_62 = %while3A_17#0, %while3A_63 = %while3A_17#1) -> (vector<16xi32>, vector<16xi32>)  : i32 {
      %add3A_64 = arith.addi %while3A_62, %while3A_63 : vector<16xi32>
      %shift_right_arithmetic3A = arith.constant 1 : i32
      %shift_right_arithmetic3A_65 = vector.broadcast %shift_right_arithmetic3A : i32 to vector<16xi32>
      %shift_right_arithmetic3A_66 = arith.shrsi %add3A_64, %shift_right_arithmetic3A_65 : vector<16xi32>
      %min3A_67 = arith.constant 7815 : i32
      %min3A_68 = vector.broadcast %min3A_67 : i32 to vector<16xi32>
      %min3A_69 = arith.minsi %shift_right_arithmetic3A_66, %min3A_68 : vector<16xi32>
      %gather3A_70 = tpu.vector_load_idx %arg9[%min3A_69] : memref<7816xi32, #tpu.memory_space<vmem>>[vector<16xi32>], vector<16xi32>,
      %lt3A = arith.cmpi slt, %gather3A_70, %gather3A : vector<16xi32>
      %add3A_71 = arith.constant 1 : i32
      %add3A_72 = vector.broadcast %add3A_71 : i32 to vector<16xi32>
      %add3A_73 = arith.addi %min3A_69, %add3A_72 : vector<16xi32>
      %select_n3A = arith.select %lt3A, %add3A_73, %while3A_62 : vector<16xi1>, vector<16xi32>
      %select_n3A_74 = arith.select %lt3A, %min3A_69, %while3A_63 : vector<16xi1>, vector<16xi32>
      scf.yield %select_n3A, %select_n3A_74 : vector<16xi32>, vector<16xi32>
    }
    %sub3A = arith.constant 1 : i32
    %sub3A_20 = vector.broadcast %sub3A : i32 to vector<16xi32>
    %sub3A_21 = arith.subi %while3A_19#0, %sub3A_20 : vector<16xi32>
    %max3A = arith.constant 0 : i32
    %max3A_22 = vector.broadcast %max3A : i32 to vector<16xi32>
    %max3A_23 = arith.maxsi %sub3A_21, %max3A_22 : vector<16xi32>
    %mul3A_24 = arith.constant 128 : i32
    %mul3A_25 = vector.broadcast %mul3A_24 : i32 to vector<16xi32>
    %mul3A_26 = arith.muli %max3A_23, %mul3A_25 : vector<16xi32>
    %min3A = arith.constant 1000000 : i32
    %min3A_27 = vector.broadcast %min3A : i32 to vector<16xi32>
    %min3A_28 = arith.minsi %mul3A_26, %min3A_27 : vector<16xi32>
    %mul3A_29 = arith.constant 2048 : i32
    %mul3A_30 = vector.broadcast %mul3A_29 : i32 to vector<16xi32>
    %mul3A_31 = arith.muli %iota3A, %mul3A_30 : vector<16xi32>
    %add3A_32 = arith.constant 1 : i32
    %add3A_33 = vector.broadcast %add3A_32 : i32 to vector<16xi32>
    %add3A_34 = arith.addi %iota3A, %add3A_33 : vector<16xi32>
    %mul3A_35 = arith.constant 2048 : i32
    %mul3A_36 = vector.broadcast %mul3A_35 : i32 to vector<16xi32>
    %mul3A_37 = arith.muli %add3A_34, %mul3A_36 : vector<16xi32>
    %while3A_38:2 = scf.while (%while3A_61 = %min3A_28, %while3A_62 = %mul3A_31) : (vector<16xi32>, vector<16xi32>) -> (vector<16xi32>, vector<16xi32>) {
      %lt3A = arith.cmpi slt, %while3A_62, %mul3A_37 : vector<16xi32>
      %convert_element_type3A = arith.extui %lt3A : vector<16xi1> to vector<16xi32>
      %reduce_max3A = arith.constant true
      %reduce_max3A_63 = vector.broadcast %reduce_max3A : i1 to vector<16xi1>
      %reduce_max3A_64 = arith.constant -2147483648 : i32
      %reduce_max3A_65 = vector.broadcast %reduce_max3A_64 : i32 to vector<16xi32>
      %reduce_max3A_66 = arith.xori %convert_element_type3A, %reduce_max3A_65 : vector<16xi32>
      %reduce_max3A_67 = tpu.scan <max>, %reduce_max3A_66 masked %reduce_max3A_63 : vector<16xi32>, vector<16xi1> -> vector<16xi32>
      %reduce_max3A_68 = arith.xori %reduce_max3A_67, %reduce_max3A_65 : vector<16xi32>
      %reduce_max3A_69 = vector.extract %reduce_max3A_68[15] : i32 from vector<16xi32>
      %gt3A = arith.constant 0 : i32
      %gt3A_70 = arith.cmpi sgt, %reduce_max3A_69, %gt3A : i32
      scf.condition(%gt3A_70) %while3A_61, %while3A_62 : vector<16xi32>, vector<16xi32>
    } do {
    ^bb0(%while3A_61: vector<16xi32>, %while3A_62: vector<16xi32>):
      %and3A = arith.constant -8 : i32
      %and3A_63 = vector.broadcast %and3A : i32 to vector<16xi32>
      %and3A_64 = arith.andi %while3A_61, %and3A_63 : vector<16xi32>
      %min3A_65 = arith.constant 997952 : i32
      %min3A_66 = vector.broadcast %min3A_65 : i32 to vector<16xi32>
      %min3A_67 = arith.minsi %and3A_64, %min3A_66 : vector<16xi32>
      %lt3A = arith.cmpi slt, %while3A_62, %mul3A_37 : vector<16xi32>
      %convert_element_type3A = arith.extui %lt3A : vector<16xi1> to vector<16xi32>
      %eq3A = arith.constant 0 : i32
      %eq3A_68 = vector.broadcast %eq3A : i32 to vector<16xi32>
      %eq3A_69 = arith.cmpi eq, %iota3A, %eq3A_68 : vector<16xi32>
      %jit3A = arith.constant 0 : i32
      %broadcast_in_dim3A_70 = vector.broadcast %jit3A : i32 to vector<16xi32>
      %select_n3A = arith.select %eq3A_69, %min3A_67, %broadcast_in_dim3A_70 : vector<16xi1>, vector<16xi32>
      %reduce_max3A = arith.constant true
      %reduce_max3A_71 = vector.broadcast %reduce_max3A : i1 to vector<16xi1>
      %reduce_max3A_72 = arith.constant -2147483648 : i32
      %reduce_max3A_73 = vector.broadcast %reduce_max3A_72 : i32 to vector<16xi32>
      %reduce_max3A_74 = arith.xori %select_n3A, %reduce_max3A_73 : vector<16xi32>
      %reduce_max3A_75 = tpu.scan <max>, %reduce_max3A_74 masked %reduce_max3A_71 : vector<16xi32>, vector<16xi1> -> vector<16xi32>
      %reduce_max3A_76 = arith.xori %reduce_max3A_75, %reduce_max3A_73 : vector<16xi32>
      %reduce_max3A_77 = vector.extract %reduce_max3A_76[15] : i32 from vector<16xi32>
      %eq3A_78 = arith.constant 1 : i32
      %eq3A_79 = vector.broadcast %eq3A_78 : i32 to vector<16xi32>
      %eq3A_80 = arith.cmpi eq, %iota3A, %eq3A_79 : vector<16xi32>
      %jit3A_81 = arith.constant 0 : i32
      %broadcast_in_dim3A_82 = vector.broadcast %jit3A_81 : i32 to vector<16xi32>
      %select_n3A_83 = arith.select %eq3A_80, %min3A_67, %broadcast_in_dim3A_82 : vector<16xi1>, vector<16xi32>
      %reduce_max3A_84 = arith.constant true
      %reduce_max3A_85 = vector.broadcast %reduce_max3A_84 : i1 to vector<16xi1>
      %reduce_max3A_86 = arith.constant -2147483648 : i32
      %reduce_max3A_87 = vector.broadcast %reduce_max3A_86 : i32 to vector<16xi32>
      %reduce_max3A_88 = arith.xori %select_n3A_83, %reduce_max3A_87 : vector<16xi32>
      %reduce_max3A_89 = tpu.scan <max>, %reduce_max3A_88 masked %reduce_max3A_85 : vector<16xi32>, vector<16xi1> -> vector<16xi32>
      %reduce_max3A_90 = arith.xori %reduce_max3A_89, %reduce_max3A_87 : vector<16xi32>
      %reduce_max3A_91 = vector.extract %reduce_max3A_90[15] : i32 from vector<16xi32>
      %eq3A_92 = arith.constant 2 : i32
      %eq3A_93 = vector.broadcast %eq3A_92 : i32 to vector<16xi32>
      %eq3A_94 = arith.cmpi eq, %iota3A, %eq3A_93 : vector<16xi32>
      %jit3A_95 = arith.constant 0 : i32
      %broadcast_in_dim3A_96 = vector.broadcast %jit3A_95 : i32 to vector<16xi32>
      %select_n3A_97 = arith.select %eq3A_94, %min3A_67, %broadcast_in_dim3A_96 : vector<16xi1>, vector<16xi32>
      %reduce_max3A_98 = arith.constant true
      %reduce_max3A_99 = vector.broadcast %reduce_max3A_98 : i1 to vector<16xi1>
      %reduce_max3A_100 = arith.constant -2147483648 : i32
      %reduce_max3A_101 = vector.broadcast %reduce_max3A_100 : i32 to vector<16xi32>
      %reduce_max3A_102 = arith.xori %select_n3A_97, %reduce_max3A_101 : vector<16xi32>
      %reduce_max3A_103 = tpu.scan <max>, %reduce_max3A_102 masked %reduce_max3A_99 : vector<16xi32>, vector<16xi1> -> vector<16xi32>
      %reduce_max3A_104 = arith.xori %reduce_max3A_103, %reduce_max3A_101 : vector<16xi32>
      %reduce_max3A_105 = vector.extract %reduce_max3A_104[15] : i32 from vector<16xi32>
      %eq3A_106 = arith.constant 3 : i32
      %eq3A_107 = vector.broadcast %eq3A_106 : i32 to vector<16xi32>
      %eq3A_108 = arith.cmpi eq, %iota3A, %eq3A_107 : vector<16xi32>
      %jit3A_109 = arith.constant 0 : i32
      %broadcast_in_dim3A_110 = vector.broadcast %jit3A_109 : i32 to vector<16xi32>
      %select_n3A_111 = arith.select %eq3A_108, %min3A_67, %broadcast_in_dim3A_110 : vector<16xi1>, vector<16xi32>
      %reduce_max3A_112 = arith.constant true
      %reduce_max3A_113 = vector.broadcast %reduce_max3A_112 : i1 to vector<16xi1>
      %reduce_max3A_114 = arith.constant -2147483648 : i32
      %reduce_max3A_115 = vector.broadcast %reduce_max3A_114 : i32 to vector<16xi32>
      %reduce_max3A_116 = arith.xori %select_n3A_111, %reduce_max3A_115 : vector<16xi32>
      %reduce_max3A_117 = tpu.scan <max>, %reduce_max3A_116 masked %reduce_max3A_113 : vector<16xi32>, vector<16xi1> -> vector<16xi32>
      %reduce_max3A_118 = arith.xori %reduce_max3A_117, %reduce_max3A_115 : vector<16xi32>
      %reduce_max3A_119 = vector.extract %reduce_max3A_118[15] : i32 from vector<16xi32>
      %eq3A_120 = arith.constant 4 : i32
      %eq3A_121 = vector.broadcast %eq3A_120 : i32 to vector<16xi32>
      %eq3A_122 = arith.cmpi eq, %iota3A, %eq3A_121 : vector<16xi32>
      %jit3A_123 = arith.constant 0 : i32
      %broadcast_in_dim3A_124 = vector.broadcast %jit3A_123 : i32 to vector<16xi32>
      %select_n3A_125 = arith.select %eq3A_122, %min3A_67, %broadcast_in_dim3A_124 : vector<16xi1>, vector<16xi32>
      %reduce_max3A_126 = arith.constant true
      %reduce_max3A_127 = vector.broadcast %reduce_max3A_126 : i1 to vector<16xi1>
      %reduce_max3A_128 = arith.constant -2147483648 : i32
      %reduce_max3A_129 = vector.broadcast %reduce_max3A_128 : i32 to vector<16xi32>
      %reduce_max3A_130 = arith.xori %select_n3A_125, %reduce_max3A_129 : vector<16xi32>
      %reduce_max3A_131 = tpu.scan <max>, %reduce_max3A_130 masked %reduce_max3A_127 : vector<16xi32>, vector<16xi1> -> vector<16xi32>
      %reduce_max3A_132 = arith.xori %reduce_max3A_131, %reduce_max3A_129 : vector<16xi32>
      %reduce_max3A_133 = vector.extract %reduce_max3A_132[15] : i32 from vector<16xi32>
      %eq3A_134 = arith.constant 5 : i32
      %eq3A_135 = vector.broadcast %eq3A_134 : i32 to vector<16xi32>
      %eq3A_136 = arith.cmpi eq, %iota3A, %eq3A_135 : vector<16xi32>
      %jit3A_137 = arith.constant 0 : i32
      %broadcast_in_dim3A_138 = vector.broadcast %jit3A_137 : i32 to vector<16xi32>
      %select_n3A_139 = arith.select %eq3A_136, %min3A_67, %broadcast_in_dim3A_138 : vector<16xi1>, vector<16xi32>
      %reduce_max3A_140 = arith.constant true
      %reduce_max3A_141 = vector.broadcast %reduce_max3A_140 : i1 to vector<16xi1>
      %reduce_max3A_142 = arith.constant -2147483648 : i32
      %reduce_max3A_143 = vector.broadcast %reduce_max3A_142 : i32 to vector<16xi32>
      %reduce_max3A_144 = arith.xori %select_n3A_139, %reduce_max3A_143 : vector<16xi32>
      %reduce_max3A_145 = tpu.scan <max>, %reduce_max3A_144 masked %reduce_max3A_141 : vector<16xi32>, vector<16xi1> -> vector<16xi32>
      %reduce_max3A_146 = arith.xori %reduce_max3A_145, %reduce_max3A_143 : vector<16xi32>
      %reduce_max3A_147 = vector.extract %reduce_max3A_146[15] : i32 from vector<16xi32>
      %eq3A_148 = arith.constant 6 : i32
      %eq3A_149 = vector.broadcast %eq3A_148 : i32 to vector<16xi32>
      %eq3A_150 = arith.cmpi eq, %iota3A, %eq3A_149 : vector<16xi32>
      %jit3A_151 = arith.constant 0 : i32
      %broadcast_in_dim3A_152 = vector.broadcast %jit3A_151 : i32 to vector<16xi32>
      %select_n3A_153 = arith.select %eq3A_150, %min3A_67, %broadcast_in_dim3A_152 : vector<16xi1>, vector<16xi32>
      %reduce_max3A_154 = arith.constant true
      %reduce_max3A_155 = vector.broadcast %reduce_max3A_154 : i1 to vector<16xi1>
      %reduce_max3A_156 = arith.constant -2147483648 : i32
      %reduce_max3A_157 = vector.broadcast %reduce_max3A_156 : i32 to vector<16xi32>
      %reduce_max3A_158 = arith.xori %select_n3A_153, %reduce_max3A_157 : vector<16xi32>
      %reduce_max3A_159 = tpu.scan <max>, %reduce_max3A_158 masked %reduce_max3A_155 : vector<16xi32>, vector<16xi1> -> vector<16xi32>
      %reduce_max3A_160 = arith.xori %reduce_max3A_159, %reduce_max3A_157 : vector<16xi32>
      %reduce_max3A_161 = vector.extract %reduce_max3A_160[15] : i32 from vector<16xi32>
      %eq3A_162 = arith.constant 7 : i32
      %eq3A_163 = vector.broadcast %eq3A_162 : i32 to vector<16xi32>
      %eq3A_164 = arith.cmpi eq, %iota3A, %eq3A_163 : vector<16xi32>
      %jit3A_165 = arith.constant 0 : i32
      %broadcast_in_dim3A_166 = vector.broadcast %jit3A_165 : i32 to vector<16xi32>
      %select_n3A_167 = arith.select %eq3A_164, %min3A_67, %broadcast_in_dim3A_166 : vector<16xi1>, vector<16xi32>
      %reduce_max3A_168 = arith.constant true
      %reduce_max3A_169 = vector.broadcast %reduce_max3A_168 : i1 to vector<16xi1>
      %reduce_max3A_170 = arith.constant -2147483648 : i32
      %reduce_max3A_171 = vector.broadcast %reduce_max3A_170 : i32 to vector<16xi32>
      %reduce_max3A_172 = arith.xori %select_n3A_167, %reduce_max3A_171 : vector<16xi32>
      %reduce_max3A_173 = tpu.scan <max>, %reduce_max3A_172 masked %reduce_max3A_169 : vector<16xi32>, vector<16xi1> -> vector<16xi32>
      %reduce_max3A_174 = arith.xori %reduce_max3A_173, %reduce_max3A_171 : vector<16xi32>
      %reduce_max3A_175 = vector.extract %reduce_max3A_174[15] : i32 from vector<16xi32>
      %eq3A_176 = arith.constant 8 : i32
      %eq3A_177 = vector.broadcast %eq3A_176 : i32 to vector<16xi32>
      %eq3A_178 = arith.cmpi eq, %iota3A, %eq3A_177 : vector<16xi32>
      %jit3A_179 = arith.constant 0 : i32
      %broadcast_in_dim3A_180 = vector.broadcast %jit3A_179 : i32 to vector<16xi32>
      %select_n3A_181 = arith.select %eq3A_178, %min3A_67, %broadcast_in_dim3A_180 : vector<16xi1>, vector<16xi32>
      %reduce_max3A_182 = arith.constant true
      %reduce_max3A_183 = vector.broadcast %reduce_max3A_182 : i1 to vector<16xi1>
      %reduce_max3A_184 = arith.constant -2147483648 : i32
      %reduce_max3A_185 = vector.broadcast %reduce_max3A_184 : i32 to vector<16xi32>
      %reduce_max3A_186 = arith.xori %select_n3A_181, %reduce_max3A_185 : vector<16xi32>
      %reduce_max3A_187 = tpu.scan <max>, %reduce_max3A_186 masked %reduce_max3A_183 : vector<16xi32>, vector<16xi1> -> vector<16xi32>
      %reduce_max3A_188 = arith.xori %reduce_max3A_187, %reduce_max3A_185 : vector<16xi32>
      %reduce_max3A_189 = vector.extract %reduce_max3A_188[15] : i32 from vector<16xi32>
      %eq3A_190 = arith.constant 9 : i32
      %eq3A_191 = vector.broadcast %eq3A_190 : i32 to vector<16xi32>
      %eq3A_192 = arith.cmpi eq, %iota3A, %eq3A_191 : vector<16xi32>
      %jit3A_193 = arith.constant 0 : i32
      %broadcast_in_dim3A_194 = vector.broadcast %jit3A_193 : i32 to vector<16xi32>
      %select_n3A_195 = arith.select %eq3A_192, %min3A_67, %broadcast_in_dim3A_194 : vector<16xi1>, vector<16xi32>
      %reduce_max3A_196 = arith.constant true
      %reduce_max3A_197 = vector.broadcast %reduce_max3A_196 : i1 to vector<16xi1>
      %reduce_max3A_198 = arith.constant -2147483648 : i32
      %reduce_max3A_199 = vector.broadcast %reduce_max3A_198 : i32 to vector<16xi32>
      %reduce_max3A_200 = arith.xori %select_n3A_195, %reduce_max3A_199 : vector<16xi32>
      %reduce_max3A_201 = tpu.scan <max>, %reduce_max3A_200 masked %reduce_max3A_197 : vector<16xi32>, vector<16xi1> -> vector<16xi32>
      %reduce_max3A_202 = arith.xori %reduce_max3A_201, %reduce_max3A_199 : vector<16xi32>
      %reduce_max3A_203 = vector.extract %reduce_max3A_202[15] : i32 from vector<16xi32>
      %eq3A_204 = arith.constant 10 : i32
      %eq3A_205 = vector.broadcast %eq3A_204 : i32 to vector<16xi32>
      %eq3A_206 = arith.cmpi eq, %iota3A, %eq3A_205 : vector<16xi32>
      %jit3A_207 = arith.constant 0 : i32
      %broadcast_in_dim3A_208 = vector.broadcast %jit3A_207 : i32 to vector<16xi32>
      %select_n3A_209 = arith.select %eq3A_206, %min3A_67, %broadcast_in_dim3A_208 : vector<16xi1>, vector<16xi32>
      %reduce_max3A_210 = arith.constant true
      %reduce_max3A_211 = vector.broadcast %reduce_max3A_210 : i1 to vector<16xi1>
      %reduce_max3A_212 = arith.constant -2147483648 : i32
      %reduce_max3A_213 = vector.broadcast %reduce_max3A_212 : i32 to vector<16xi32>
      %reduce_max3A_214 = arith.xori %select_n3A_209, %reduce_max3A_213 : vector<16xi32>
      %reduce_max3A_215 = tpu.scan <max>, %reduce_max3A_214 masked %reduce_max3A_211 : vector<16xi32>, vector<16xi1> -> vector<16xi32>
      %reduce_max3A_216 = arith.xori %reduce_max3A_215, %reduce_max3A_213 : vector<16xi32>
      %reduce_max3A_217 = vector.extract %reduce_max3A_216[15] : i32 from vector<16xi32>
      %eq3A_218 = arith.constant 11 : i32
      %eq3A_219 = vector.broadcast %eq3A_218 : i32 to vector<16xi32>
      %eq3A_220 = arith.cmpi eq, %iota3A, %eq3A_219 : vector<16xi32>
      %jit3A_221 = arith.constant 0 : i32
      %broadcast_in_dim3A_222 = vector.broadcast %jit3A_221 : i32 to vector<16xi32>
      %select_n3A_223 = arith.select %eq3A_220, %min3A_67, %broadcast_in_dim3A_222 : vector<16xi1>, vector<16xi32>
      %reduce_max3A_224 = arith.constant true
      %reduce_max3A_225 = vector.broadcast %reduce_max3A_224 : i1 to vector<16xi1>
      %reduce_max3A_226 = arith.constant -2147483648 : i32
      %reduce_max3A_227 = vector.broadcast %reduce_max3A_226 : i32 to vector<16xi32>
      %reduce_max3A_228 = arith.xori %select_n3A_223, %reduce_max3A_227 : vector<16xi32>
      %reduce_max3A_229 = tpu.scan <max>, %reduce_max3A_228 masked %reduce_max3A_225 : vector<16xi32>, vector<16xi1> -> vector<16xi32>
      %reduce_max3A_230 = arith.xori %reduce_max3A_229, %reduce_max3A_227 : vector<16xi32>
      %reduce_max3A_231 = vector.extract %reduce_max3A_230[15] : i32 from vector<16xi32>
      %eq3A_232 = arith.constant 12 : i32
      %eq3A_233 = vector.broadcast %eq3A_232 : i32 to vector<16xi32>
      %eq3A_234 = arith.cmpi eq, %iota3A, %eq3A_233 : vector<16xi32>
      %jit3A_235 = arith.constant 0 : i32
      %broadcast_in_dim3A_236 = vector.broadcast %jit3A_235 : i32 to vector<16xi32>
      %select_n3A_237 = arith.select %eq3A_234, %min3A_67, %broadcast_in_dim3A_236 : vector<16xi1>, vector<16xi32>
      %reduce_max3A_238 = arith.constant true
      %reduce_max3A_239 = vector.broadcast %reduce_max3A_238 : i1 to vector<16xi1>
      %reduce_max3A_240 = arith.constant -2147483648 : i32
      %reduce_max3A_241 = vector.broadcast %reduce_max3A_240 : i32 to vector<16xi32>
      %reduce_max3A_242 = arith.xori %select_n3A_237, %reduce_max3A_241 : vector<16xi32>
      %reduce_max3A_243 = tpu.scan <max>, %reduce_max3A_242 masked %reduce_max3A_239 : vector<16xi32>, vector<16xi1> -> vector<16xi32>
      %reduce_max3A_244 = arith.xori %reduce_max3A_243, %reduce_max3A_241 : vector<16xi32>
      %reduce_max3A_245 = vector.extract %reduce_max3A_244[15] : i32 from vector<16xi32>
      %eq3A_246 = arith.constant 13 : i32
      %eq3A_247 = vector.broadcast %eq3A_246 : i32 to vector<16xi32>
      %eq3A_248 = arith.cmpi eq, %iota3A, %eq3A_247 : vector<16xi32>
      %jit3A_249 = arith.constant 0 : i32
      %broadcast_in_dim3A_250 = vector.broadcast %jit3A_249 : i32 to vector<16xi32>
      %select_n3A_251 = arith.select %eq3A_248, %min3A_67, %broadcast_in_dim3A_250 : vector<16xi1>, vector<16xi32>
      %reduce_max3A_252 = arith.constant true
      %reduce_max3A_253 = vector.broadcast %reduce_max3A_252 : i1 to vector<16xi1>
      %reduce_max3A_254 = arith.constant -2147483648 : i32
      %reduce_max3A_255 = vector.broadcast %reduce_max3A_254 : i32 to vector<16xi32>
      %reduce_max3A_256 = arith.xori %select_n3A_251, %reduce_max3A_255 : vector<16xi32>
      %reduce_max3A_257 = tpu.scan <max>, %reduce_max3A_256 masked %reduce_max3A_253 : vector<16xi32>, vector<16xi1> -> vector<16xi32>
      %reduce_max3A_258 = arith.xori %reduce_max3A_257, %reduce_max3A_255 : vector<16xi32>
      %reduce_max3A_259 = vector.extract %reduce_max3A_258[15] : i32 from vector<16xi32>
      %eq3A_260 = arith.constant 14 : i32
      %eq3A_261 = vector.broadcast %eq3A_260 : i32 to vector<16xi32>
      %eq3A_262 = arith.cmpi eq, %iota3A, %eq3A_261 : vector<16xi32>
      %jit3A_263 = arith.constant 0 : i32
      %broadcast_in_dim3A_264 = vector.broadcast %jit3A_263 : i32 to vector<16xi32>
      %select_n3A_265 = arith.select %eq3A_262, %min3A_67, %broadcast_in_dim3A_264 : vector<16xi1>, vector<16xi32>
      %reduce_max3A_266 = arith.constant true
      %reduce_max3A_267 = vector.broadcast %reduce_max3A_266 : i1 to vector<16xi1>
      %reduce_max3A_268 = arith.constant -2147483648 : i32
      %reduce_max3A_269 = vector.broadcast %reduce_max3A_268 : i32 to vector<16xi32>
      %reduce_max3A_270 = arith.xori %select_n3A_265, %reduce_max3A_269 : vector<16xi32>
      %reduce_max3A_271 = tpu.scan <max>, %reduce_max3A_270 masked %reduce_max3A_267 : vector<16xi32>, vector<16xi1> -> vector<16xi32>
      %reduce_max3A_272 = arith.xori %reduce_max3A_271, %reduce_max3A_269 : vector<16xi32>
      %reduce_max3A_273 = vector.extract %reduce_max3A_272[15] : i32 from vector<16xi32>
      %eq3A_274 = arith.constant 15 : i32
      %eq3A_275 = vector.broadcast %eq3A_274 : i32 to vector<16xi32>
      %eq3A_276 = arith.cmpi eq, %iota3A, %eq3A_275 : vector<16xi32>
      %jit3A_277 = arith.constant 0 : i32
      %broadcast_in_dim3A_278 = vector.broadcast %jit3A_277 : i32 to vector<16xi32>
      %select_n3A_279 = arith.select %eq3A_276, %min3A_67, %broadcast_in_dim3A_278 : vector<16xi1>, vector<16xi32>
      %reduce_max3A_280 = arith.constant true
      %reduce_max3A_281 = vector.broadcast %reduce_max3A_280 : i1 to vector<16xi1>
      %reduce_max3A_282 = arith.constant -2147483648 : i32
      %reduce_max3A_283 = vector.broadcast %reduce_max3A_282 : i32 to vector<16xi32>
      %reduce_max3A_284 = arith.xori %select_n3A_279, %reduce_max3A_283 : vector<16xi32>
      %reduce_max3A_285 = tpu.scan <max>, %reduce_max3A_284 masked %reduce_max3A_281 : vector<16xi32>, vector<16xi1> -> vector<16xi32>
      %reduce_max3A_286 = arith.xori %reduce_max3A_285, %reduce_max3A_283 : vector<16xi32>
      %reduce_max3A_287 = vector.extract %reduce_max3A_286[15] : i32 from vector<16xi32>
      %eq3A_288 = arith.constant 0 : i32
      %eq3A_289 = vector.broadcast %eq3A_288 : i32 to vector<16xi32>
      %eq3A_290 = arith.cmpi eq, %iota3A, %eq3A_289 : vector<16xi32>
      %jit3A_291 = arith.constant 0 : i32
      %broadcast_in_dim3A_292 = vector.broadcast %jit3A_291 : i32 to vector<16xi32>
      %select_n3A_293 = arith.select %eq3A_290, %convert_element_type3A, %broadcast_in_dim3A_292 : vector<16xi1>, vector<16xi32>
      %reduce_max3A_294 = arith.constant true
      %reduce_max3A_295 = vector.broadcast %reduce_max3A_294 : i1 to vector<16xi1>
      %reduce_max3A_296 = arith.constant -2147483648 : i32
      %reduce_max3A_297 = vector.broadcast %reduce_max3A_296 : i32 to vector<16xi32>
      %reduce_max3A_298 = arith.xori %select_n3A_293, %reduce_max3A_297 : vector<16xi32>
      %reduce_max3A_299 = tpu.scan <max>, %reduce_max3A_298 masked %reduce_max3A_295 : vector<16xi32>, vector<16xi1> -> vector<16xi32>
      %reduce_max3A_300 = arith.xori %reduce_max3A_299, %reduce_max3A_297 : vector<16xi32>
      %reduce_max3A_301 = vector.extract %reduce_max3A_300[15] : i32 from vector<16xi32>
      %eq3A_302 = arith.constant 1 : i32
      %eq3A_303 = vector.broadcast %eq3A_302 : i32 to vector<16xi32>
      %eq3A_304 = arith.cmpi eq, %iota3A, %eq3A_303 : vector<16xi32>
      %jit3A_305 = arith.constant 0 : i32
      %broadcast_in_dim3A_306 = vector.broadcast %jit3A_305 : i32 to vector<16xi32>
      %select_n3A_307 = arith.select %eq3A_304, %convert_element_type3A, %broadcast_in_dim3A_306 : vector<16xi1>, vector<16xi32>
      %reduce_max3A_308 = arith.constant true
      %reduce_max3A_309 = vector.broadcast %reduce_max3A_308 : i1 to vector<16xi1>
      %reduce_max3A_310 = arith.constant -2147483648 : i32
      %reduce_max3A_311 = vector.broadcast %reduce_max3A_310 : i32 to vector<16xi32>
      %reduce_max3A_312 = arith.xori %select_n3A_307, %reduce_max3A_311 : vector<16xi32>
      %reduce_max3A_313 = tpu.scan <max>, %reduce_max3A_312 masked %reduce_max3A_309 : vector<16xi32>, vector<16xi1> -> vector<16xi32>
      %reduce_max3A_314 = arith.xori %reduce_max3A_313, %reduce_max3A_311 : vector<16xi32>
      %reduce_max3A_315 = vector.extract %reduce_max3A_314[15] : i32 from vector<16xi32>
      %eq3A_316 = arith.constant 2 : i32
      %eq3A_317 = vector.broadcast %eq3A_316 : i32 to vector<16xi32>
      %eq3A_318 = arith.cmpi eq, %iota3A, %eq3A_317 : vector<16xi32>
      %jit3A_319 = arith.constant 0 : i32
      %broadcast_in_dim3A_320 = vector.broadcast %jit3A_319 : i32 to vector<16xi32>
      %select_n3A_321 = arith.select %eq3A_318, %convert_element_type3A, %broadcast_in_dim3A_320 : vector<16xi1>, vector<16xi32>
      %reduce_max3A_322 = arith.constant true
      %reduce_max3A_323 = vector.broadcast %reduce_max3A_322 : i1 to vector<16xi1>
      %reduce_max3A_324 = arith.constant -2147483648 : i32
      %reduce_max3A_325 = vector.broadcast %reduce_max3A_324 : i32 to vector<16xi32>
      %reduce_max3A_326 = arith.xori %select_n3A_321, %reduce_max3A_325 : vector<16xi32>
      %reduce_max3A_327 = tpu.scan <max>, %reduce_max3A_326 masked %reduce_max3A_323 : vector<16xi32>, vector<16xi1> -> vector<16xi32>
      %reduce_max3A_328 = arith.xori %reduce_max3A_327, %reduce_max3A_325 : vector<16xi32>
      %reduce_max3A_329 = vector.extract %reduce_max3A_328[15] : i32 from vector<16xi32>
      %eq3A_330 = arith.constant 3 : i32
      %eq3A_331 = vector.broadcast %eq3A_330 : i32 to vector<16xi32>
      %eq3A_332 = arith.cmpi eq, %iota3A, %eq3A_331 : vector<16xi32>
      %jit3A_333 = arith.constant 0 : i32
      %broadcast_in_dim3A_334 = vector.broadcast %jit3A_333 : i32 to vector<16xi32>
      %select_n3A_335 = arith.select %eq3A_332, %convert_element_type3A, %broadcast_in_dim3A_334 : vector<16xi1>, vector<16xi32>
      %reduce_max3A_336 = arith.constant true
      %reduce_max3A_337 = vector.broadcast %reduce_max3A_336 : i1 to vector<16xi1>
      %reduce_max3A_338 = arith.constant -2147483648 : i32
      %reduce_max3A_339 = vector.broadcast %reduce_max3A_338 : i32 to vector<16xi32>
      %reduce_max3A_340 = arith.xori %select_n3A_335, %reduce_max3A_339 : vector<16xi32>
      %reduce_max3A_341 = tpu.scan <max>, %reduce_max3A_340 masked %reduce_max3A_337 : vector<16xi32>, vector<16xi1> -> vector<16xi32>
      %reduce_max3A_342 = arith.xori %reduce_max3A_341, %reduce_max3A_339 : vector<16xi32>
      %reduce_max3A_343 = vector.extract %reduce_max3A_342[15] : i32 from vector<16xi32>
      %eq3A_344 = arith.constant 4 : i32
      %eq3A_345 = vector.broadcast %eq3A_344 : i32 to vector<16xi32>
      %eq3A_346 = arith.cmpi eq, %iota3A, %eq3A_345 : vector<16xi32>
      %jit3A_347 = arith.constant 0 : i32
      %broadcast_in_dim3A_348 = vector.broadcast %jit3A_347 : i32 to vector<16xi32>
      %select_n3A_349 = arith.select %eq3A_346, %convert_element_type3A, %broadcast_in_dim3A_348 : vector<16xi1>, vector<16xi32>
      %reduce_max3A_350 = arith.constant true
      %reduce_max3A_351 = vector.broadcast %reduce_max3A_350 : i1 to vector<16xi1>
      %reduce_max3A_352 = arith.constant -2147483648 : i32
      %reduce_max3A_353 = vector.broadcast %reduce_max3A_352 : i32 to vector<16xi32>
      %reduce_max3A_354 = arith.xori %select_n3A_349, %reduce_max3A_353 : vector<16xi32>
      %reduce_max3A_355 = tpu.scan <max>, %reduce_max3A_354 masked %reduce_max3A_351 : vector<16xi32>, vector<16xi1> -> vector<16xi32>
      %reduce_max3A_356 = arith.xori %reduce_max3A_355, %reduce_max3A_353 : vector<16xi32>
      %reduce_max3A_357 = vector.extract %reduce_max3A_356[15] : i32 from vector<16xi32>
      %eq3A_358 = arith.constant 5 : i32
      %eq3A_359 = vector.broadcast %eq3A_358 : i32 to vector<16xi32>
      %eq3A_360 = arith.cmpi eq, %iota3A, %eq3A_359 : vector<16xi32>
      %jit3A_361 = arith.constant 0 : i32
      %broadcast_in_dim3A_362 = vector.broadcast %jit3A_361 : i32 to vector<16xi32>
      %select_n3A_363 = arith.select %eq3A_360, %convert_element_type3A, %broadcast_in_dim3A_362 : vector<16xi1>, vector<16xi32>
      %reduce_max3A_364 = arith.constant true
      %reduce_max3A_365 = vector.broadcast %reduce_max3A_364 : i1 to vector<16xi1>
      %reduce_max3A_366 = arith.constant -2147483648 : i32
      %reduce_max3A_367 = vector.broadcast %reduce_max3A_366 : i32 to vector<16xi32>
      %reduce_max3A_368 = arith.xori %select_n3A_363, %reduce_max3A_367 : vector<16xi32>
      %reduce_max3A_369 = tpu.scan <max>, %reduce_max3A_368 masked %reduce_max3A_365 : vector<16xi32>, vector<16xi1> -> vector<16xi32>
      %reduce_max3A_370 = arith.xori %reduce_max3A_369, %reduce_max3A_367 : vector<16xi32>
      %reduce_max3A_371 = vector.extract %reduce_max3A_370[15] : i32 from vector<16xi32>
      %eq3A_372 = arith.constant 6 : i32
      %eq3A_373 = vector.broadcast %eq3A_372 : i32 to vector<16xi32>
      %eq3A_374 = arith.cmpi eq, %iota3A, %eq3A_373 : vector<16xi32>
      %jit3A_375 = arith.constant 0 : i32
      %broadcast_in_dim3A_376 = vector.broadcast %jit3A_375 : i32 to vector<16xi32>
      %select_n3A_377 = arith.select %eq3A_374, %convert_element_type3A, %broadcast_in_dim3A_376 : vector<16xi1>, vector<16xi32>
      %reduce_max3A_378 = arith.constant true
      %reduce_max3A_379 = vector.broadcast %reduce_max3A_378 : i1 to vector<16xi1>
      %reduce_max3A_380 = arith.constant -2147483648 : i32
      %reduce_max3A_381 = vector.broadcast %reduce_max3A_380 : i32 to vector<16xi32>
      %reduce_max3A_382 = arith.xori %select_n3A_377, %reduce_max3A_381 : vector<16xi32>
      %reduce_max3A_383 = tpu.scan <max>, %reduce_max3A_382 masked %reduce_max3A_379 : vector<16xi32>, vector<16xi1> -> vector<16xi32>
      %reduce_max3A_384 = arith.xori %reduce_max3A_383, %reduce_max3A_381 : vector<16xi32>
      %reduce_max3A_385 = vector.extract %reduce_max3A_384[15] : i32 from vector<16xi32>
      %eq3A_386 = arith.constant 7 : i32
      %eq3A_387 = vector.broadcast %eq3A_386 : i32 to vector<16xi32>
      %eq3A_388 = arith.cmpi eq, %iota3A, %eq3A_387 : vector<16xi32>
      %jit3A_389 = arith.constant 0 : i32
      %broadcast_in_dim3A_390 = vector.broadcast %jit3A_389 : i32 to vector<16xi32>
      %select_n3A_391 = arith.select %eq3A_388, %convert_element_type3A, %broadcast_in_dim3A_390 : vector<16xi1>, vector<16xi32>
      %reduce_max3A_392 = arith.constant true
      %reduce_max3A_393 = vector.broadcast %reduce_max3A_392 : i1 to vector<16xi1>
      %reduce_max3A_394 = arith.constant -2147483648 : i32
      %reduce_max3A_395 = vector.broadcast %reduce_max3A_394 : i32 to vector<16xi32>
      %reduce_max3A_396 = arith.xori %select_n3A_391, %reduce_max3A_395 : vector<16xi32>
      %reduce_max3A_397 = tpu.scan <max>, %reduce_max3A_396 masked %reduce_max3A_393 : vector<16xi32>, vector<16xi1> -> vector<16xi32>
      %reduce_max3A_398 = arith.xori %reduce_max3A_397, %reduce_max3A_395 : vector<16xi32>
      %reduce_max3A_399 = vector.extract %reduce_max3A_398[15] : i32 from vector<16xi32>
      %eq3A_400 = arith.constant 8 : i32
      %eq3A_401 = vector.broadcast %eq3A_400 : i32 to vector<16xi32>
      %eq3A_402 = arith.cmpi eq, %iota3A, %eq3A_401 : vector<16xi32>
      %jit3A_403 = arith.constant 0 : i32
      %broadcast_in_dim3A_404 = vector.broadcast %jit3A_403 : i32 to vector<16xi32>
      %select_n3A_405 = arith.select %eq3A_402, %convert_element_type3A, %broadcast_in_dim3A_404 : vector<16xi1>, vector<16xi32>
      %reduce_max3A_406 = arith.constant true
      %reduce_max3A_407 = vector.broadcast %reduce_max3A_406 : i1 to vector<16xi1>
      %reduce_max3A_408 = arith.constant -2147483648 : i32
      %reduce_max3A_409 = vector.broadcast %reduce_max3A_408 : i32 to vector<16xi32>
      %reduce_max3A_410 = arith.xori %select_n3A_405, %reduce_max3A_409 : vector<16xi32>
      %reduce_max3A_411 = tpu.scan <max>, %reduce_max3A_410 masked %reduce_max3A_407 : vector<16xi32>, vector<16xi1> -> vector<16xi32>
      %reduce_max3A_412 = arith.xori %reduce_max3A_411, %reduce_max3A_409 : vector<16xi32>
      %reduce_max3A_413 = vector.extract %reduce_max3A_412[15] : i32 from vector<16xi32>
      %eq3A_414 = arith.constant 9 : i32
      %eq3A_415 = vector.broadcast %eq3A_414 : i32 to vector<16xi32>
      %eq3A_416 = arith.cmpi eq, %iota3A, %eq3A_415 : vector<16xi32>
      %jit3A_417 = arith.constant 0 : i32
      %broadcast_in_dim3A_418 = vector.broadcast %jit3A_417 : i32 to vector<16xi32>
      %select_n3A_419 = arith.select %eq3A_416, %convert_element_type3A, %broadcast_in_dim3A_418 : vector<16xi1>, vector<16xi32>
      %reduce_max3A_420 = arith.constant true
      %reduce_max3A_421 = vector.broadcast %reduce_max3A_420 : i1 to vector<16xi1>
      %reduce_max3A_422 = arith.constant -2147483648 : i32
      %reduce_max3A_423 = vector.broadcast %reduce_max3A_422 : i32 to vector<16xi32>
      %reduce_max3A_424 = arith.xori %select_n3A_419, %reduce_max3A_423 : vector<16xi32>
      %reduce_max3A_425 = tpu.scan <max>, %reduce_max3A_424 masked %reduce_max3A_421 : vector<16xi32>, vector<16xi1> -> vector<16xi32>
      %reduce_max3A_426 = arith.xori %reduce_max3A_425, %reduce_max3A_423 : vector<16xi32>
      %reduce_max3A_427 = vector.extract %reduce_max3A_426[15] : i32 from vector<16xi32>
      %eq3A_428 = arith.constant 10 : i32
      %eq3A_429 = vector.broadcast %eq3A_428 : i32 to vector<16xi32>
      %eq3A_430 = arith.cmpi eq, %iota3A, %eq3A_429 : vector<16xi32>
      %jit3A_431 = arith.constant 0 : i32
      %broadcast_in_dim3A_432 = vector.broadcast %jit3A_431 : i32 to vector<16xi32>
      %select_n3A_433 = arith.select %eq3A_430, %convert_element_type3A, %broadcast_in_dim3A_432 : vector<16xi1>, vector<16xi32>
      %reduce_max3A_434 = arith.constant true
      %reduce_max3A_435 = vector.broadcast %reduce_max3A_434 : i1 to vector<16xi1>
      %reduce_max3A_436 = arith.constant -2147483648 : i32
      %reduce_max3A_437 = vector.broadcast %reduce_max3A_436 : i32 to vector<16xi32>
      %reduce_max3A_438 = arith.xori %select_n3A_433, %reduce_max3A_437 : vector<16xi32>
      %reduce_max3A_439 = tpu.scan <max>, %reduce_max3A_438 masked %reduce_max3A_435 : vector<16xi32>, vector<16xi1> -> vector<16xi32>
      %reduce_max3A_440 = arith.xori %reduce_max3A_439, %reduce_max3A_437 : vector<16xi32>
      %reduce_max3A_441 = vector.extract %reduce_max3A_440[15] : i32 from vector<16xi32>
      %eq3A_442 = arith.constant 11 : i32
      %eq3A_443 = vector.broadcast %eq3A_442 : i32 to vector<16xi32>
      %eq3A_444 = arith.cmpi eq, %iota3A, %eq3A_443 : vector<16xi32>
      %jit3A_445 = arith.constant 0 : i32
      %broadcast_in_dim3A_446 = vector.broadcast %jit3A_445 : i32 to vector<16xi32>
      %select_n3A_447 = arith.select %eq3A_444, %convert_element_type3A, %broadcast_in_dim3A_446 : vector<16xi1>, vector<16xi32>
      %reduce_max3A_448 = arith.constant true
      %reduce_max3A_449 = vector.broadcast %reduce_max3A_448 : i1 to vector<16xi1>
      %reduce_max3A_450 = arith.constant -2147483648 : i32
      %reduce_max3A_451 = vector.broadcast %reduce_max3A_450 : i32 to vector<16xi32>
      %reduce_max3A_452 = arith.xori %select_n3A_447, %reduce_max3A_451 : vector<16xi32>
      %reduce_max3A_453 = tpu.scan <max>, %reduce_max3A_452 masked %reduce_max3A_449 : vector<16xi32>, vector<16xi1> -> vector<16xi32>
      %reduce_max3A_454 = arith.xori %reduce_max3A_453, %reduce_max3A_451 : vector<16xi32>
      %reduce_max3A_455 = vector.extract %reduce_max3A_454[15] : i32 from vector<16xi32>
      %eq3A_456 = arith.constant 12 : i32
      %eq3A_457 = vector.broadcast %eq3A_456 : i32 to vector<16xi32>
      %eq3A_458 = arith.cmpi eq, %iota3A, %eq3A_457 : vector<16xi32>
      %jit3A_459 = arith.constant 0 : i32
      %broadcast_in_dim3A_460 = vector.broadcast %jit3A_459 : i32 to vector<16xi32>
      %select_n3A_461 = arith.select %eq3A_458, %convert_element_type3A, %broadcast_in_dim3A_460 : vector<16xi1>, vector<16xi32>
      %reduce_max3A_462 = arith.constant true
      %reduce_max3A_463 = vector.broadcast %reduce_max3A_462 : i1 to vector<16xi1>
      %reduce_max3A_464 = arith.constant -2147483648 : i32
      %reduce_max3A_465 = vector.broadcast %reduce_max3A_464 : i32 to vector<16xi32>
      %reduce_max3A_466 = arith.xori %select_n3A_461, %reduce_max3A_465 : vector<16xi32>
      %reduce_max3A_467 = tpu.scan <max>, %reduce_max3A_466 masked %reduce_max3A_463 : vector<16xi32>, vector<16xi1> -> vector<16xi32>
      %reduce_max3A_468 = arith.xori %reduce_max3A_467, %reduce_max3A_465 : vector<16xi32>
      %reduce_max3A_469 = vector.extract %reduce_max3A_468[15] : i32 from vector<16xi32>
      %eq3A_470 = arith.constant 13 : i32
      %eq3A_471 = vector.broadcast %eq3A_470 : i32 to vector<16xi32>
      %eq3A_472 = arith.cmpi eq, %iota3A, %eq3A_471 : vector<16xi32>
      %jit3A_473 = arith.constant 0 : i32
      %broadcast_in_dim3A_474 = vector.broadcast %jit3A_473 : i32 to vector<16xi32>
      %select_n3A_475 = arith.select %eq3A_472, %convert_element_type3A, %broadcast_in_dim3A_474 : vector<16xi1>, vector<16xi32>
      %reduce_max3A_476 = arith.constant true
      %reduce_max3A_477 = vector.broadcast %reduce_max3A_476 : i1 to vector<16xi1>
      %reduce_max3A_478 = arith.constant -2147483648 : i32
      %reduce_max3A_479 = vector.broadcast %reduce_max3A_478 : i32 to vector<16xi32>
      %reduce_max3A_480 = arith.xori %select_n3A_475, %reduce_max3A_479 : vector<16xi32>
      %reduce_max3A_481 = tpu.scan <max>, %reduce_max3A_480 masked %reduce_max3A_477 : vector<16xi32>, vector<16xi1> -> vector<16xi32>
      %reduce_max3A_482 = arith.xori %reduce_max3A_481, %reduce_max3A_479 : vector<16xi32>
      %reduce_max3A_483 = vector.extract %reduce_max3A_482[15] : i32 from vector<16xi32>
      %eq3A_484 = arith.constant 14 : i32
      %eq3A_485 = vector.broadcast %eq3A_484 : i32 to vector<16xi32>
      %eq3A_486 = arith.cmpi eq, %iota3A, %eq3A_485 : vector<16xi32>
      %jit3A_487 = arith.constant 0 : i32
      %broadcast_in_dim3A_488 = vector.broadcast %jit3A_487 : i32 to vector<16xi32>
      %select_n3A_489 = arith.select %eq3A_486, %convert_element_type3A, %broadcast_in_dim3A_488 : vector<16xi1>, vector<16xi32>
      %reduce_max3A_490 = arith.constant true
      %reduce_max3A_491 = vector.broadcast %reduce_max3A_490 : i1 to vector<16xi1>
      %reduce_max3A_492 = arith.constant -2147483648 : i32
      %reduce_max3A_493 = vector.broadcast %reduce_max3A_492 : i32 to vector<16xi32>
      %reduce_max3A_494 = arith.xori %select_n3A_489, %reduce_max3A_493 : vector<16xi32>
      %reduce_max3A_495 = tpu.scan <max>, %reduce_max3A_494 masked %reduce_max3A_491 : vector<16xi32>, vector<16xi1> -> vector<16xi32>
      %reduce_max3A_496 = arith.xori %reduce_max3A_495, %reduce_max3A_493 : vector<16xi32>
      %reduce_max3A_497 = vector.extract %reduce_max3A_496[15] : i32 from vector<16xi32>
      %eq3A_498 = arith.constant 15 : i32
      %eq3A_499 = vector.broadcast %eq3A_498 : i32 to vector<16xi32>
      %eq3A_500 = arith.cmpi eq, %iota3A, %eq3A_499 : vector<16xi32>
      %jit3A_501 = arith.constant 0 : i32
      %broadcast_in_dim3A_502 = vector.broadcast %jit3A_501 : i32 to vector<16xi32>
      %select_n3A_503 = arith.select %eq3A_500, %convert_element_type3A, %broadcast_in_dim3A_502 : vector<16xi1>, vector<16xi32>
      %reduce_max3A_504 = arith.constant true
      %reduce_max3A_505 = vector.broadcast %reduce_max3A_504 : i1 to vector<16xi1>
      %reduce_max3A_506 = arith.constant -2147483648 : i32
      %reduce_max3A_507 = vector.broadcast %reduce_max3A_506 : i32 to vector<16xi32>
      %reduce_max3A_508 = arith.xori %select_n3A_503, %reduce_max3A_507 : vector<16xi32>
      %reduce_max3A_509 = tpu.scan <max>, %reduce_max3A_508 masked %reduce_max3A_505 : vector<16xi32>, vector<16xi1> -> vector<16xi32>
      %reduce_max3A_510 = arith.xori %reduce_max3A_509, %reduce_max3A_507 : vector<16xi32>
      %reduce_max3A_511 = vector.extract %reduce_max3A_510[15] : i32 from vector<16xi32>
      %gt3A = arith.constant 0 : i32
      %gt3A_512 = arith.cmpi sgt, %reduce_max3A_301, %gt3A : i32
      %convert_element_type3A_513 = arith.extui %gt3A_512 : i1 to i32
      %cond3A = arith.constant 0 : i32
      %cond3A_514 = arith.cmpi ne, %convert_element_type3A_513, %cond3A : i32
      scf.if %cond3A_514 {
        %multiple_of3A = tpu.assume_multiple %reduce_max3A_77, 8 : i32
        %dma_start3A = arith.constant 0 : i32
        %dma_start3A_682 = tpu.memref_slice %arg10[%dma_start3A] : memref<32768xi32, #tpu.memory_space<vmem>> -> memref<2048xi32, #tpu.memory_space<vmem>>
        %dma_start3A_683 = tpu.memref_slice %arg3[%multiple_of3A] : memref<1000000xi32, #tpu.memory_space<hbm>> -> memref<2048xi32, #tpu.memory_space<hbm>>
        %dma_start3A_684 = arith.constant 0 : i32
        %dma_start3A_685 = tpu.memref_slice %arg10[%dma_start3A_684] : memref<32768xi32, #tpu.memory_space<vmem>> -> memref<2048xi32, #tpu.memory_space<vmem>>
        %dma_start3A_686 = tpu.memref_slice %arg3[%multiple_of3A] : memref<1000000xi32, #tpu.memory_space<hbm>> -> memref<2048xi32, #tpu.memory_space<hbm>>
        tpu.enqueue_dma source(%dma_start3A_686 : memref<2048xi32, #tpu.memory_space<hbm>>) target(%dma_start3A_685 : memref<2048xi32, #tpu.memory_space<vmem>>) target_semaphore(%arg13 : memref<!tpu.dma_semaphore, #tpu.memory_space<semaphore_mem>>)
      } else {
      }
      %gt3A_515 = arith.constant 0 : i32
      %gt3A_516 = arith.cmpi sgt, %reduce_max3A_315, %gt3A_515 : i32
      %convert_element_type3A_517 = arith.extui %gt3A_516 : i1 to i32
      %cond3A_518 = arith.constant 0 : i32
      %cond3A_519 = arith.cmpi ne, %convert_element_type3A_517, %cond3A_518 : i32
      scf.if %cond3A_519 {
        %multiple_of3A = tpu.assume_multiple %reduce_max3A_91, 8 : i32
        %dma_start3A = arith.constant 2048 : i32
        %dma_start3A_682 = tpu.memref_slice %arg10[%dma_start3A] : memref<32768xi32, #tpu.memory_space<vmem>> -> memref<2048xi32, #tpu.memory_space<vmem>>
        %dma_start3A_683 = tpu.memref_slice %arg3[%multiple_of3A] : memref<1000000xi32, #tpu.memory_space<hbm>> -> memref<2048xi32, #tpu.memory_space<hbm>>
        %dma_start3A_684 = arith.constant 2048 : i32
        %dma_start3A_685 = tpu.memref_slice %arg10[%dma_start3A_684] : memref<32768xi32, #tpu.memory_space<vmem>> -> memref<2048xi32, #tpu.memory_space<vmem>>
        %dma_start3A_686 = tpu.memref_slice %arg3[%multiple_of3A] : memref<1000000xi32, #tpu.memory_space<hbm>> -> memref<2048xi32, #tpu.memory_space<hbm>>
        tpu.enqueue_dma source(%dma_start3A_686 : memref<2048xi32, #tpu.memory_space<hbm>>) target(%dma_start3A_685 : memref<2048xi32, #tpu.memory_space<vmem>>) target_semaphore(%arg13 : memref<!tpu.dma_semaphore, #tpu.memory_space<semaphore_mem>>)
      } else {
      }
      %gt3A_520 = arith.constant 0 : i32
      %gt3A_521 = arith.cmpi sgt, %reduce_max3A_329, %gt3A_520 : i32
      %convert_element_type3A_522 = arith.extui %gt3A_521 : i1 to i32
      %cond3A_523 = arith.constant 0 : i32
      %cond3A_524 = arith.cmpi ne, %convert_element_type3A_522, %cond3A_523 : i32
      scf.if %cond3A_524 {
        %multiple_of3A = tpu.assume_multiple %reduce_max3A_105, 8 : i32
        %dma_start3A = arith.constant 4096 : i32
        %dma_start3A_682 = tpu.memref_slice %arg10[%dma_start3A] : memref<32768xi32, #tpu.memory_space<vmem>> -> memref<2048xi32, #tpu.memory_space<vmem>>
        %dma_start3A_683 = tpu.memref_slice %arg3[%multiple_of3A] : memref<1000000xi32, #tpu.memory_space<hbm>> -> memref<2048xi32, #tpu.memory_space<hbm>>
        %dma_start3A_684 = arith.constant 4096 : i32
        %dma_start3A_685 = tpu.memref_slice %arg10[%dma_start3A_684] : memref<32768xi32, #tpu.memory_space<vmem>> -> memref<2048xi32, #tpu.memory_space<vmem>>
        %dma_start3A_686 = tpu.memref_slice %arg3[%multiple_of3A] : memref<1000000xi32, #tpu.memory_space<hbm>> -> memref<2048xi32, #tpu.memory_space<hbm>>
        tpu.enqueue_dma source(%dma_start3A_686 : memref<2048xi32, #tpu.memory_space<hbm>>) target(%dma_start3A_685 : memref<2048xi32, #tpu.memory_space<vmem>>) target_semaphore(%arg13 : memref<!tpu.dma_semaphore, #tpu.memory_space<semaphore_mem>>)
      } else {
      }
      %gt3A_525 = arith.constant 0 : i32
      %gt3A_526 = arith.cmpi sgt, %reduce_max3A_343, %gt3A_525 : i32
      %convert_element_type3A_527 = arith.extui %gt3A_526 : i1 to i32
      %cond3A_528 = arith.constant 0 : i32
      %cond3A_529 = arith.cmpi ne, %convert_element_type3A_527, %cond3A_528 : i32
      scf.if %cond3A_529 {
        %multiple_of3A = tpu.assume_multiple %reduce_max3A_119, 8 : i32
        %dma_start3A = arith.constant 6144 : i32
        %dma_start3A_682 = tpu.memref_slice %arg10[%dma_start3A] : memref<32768xi32, #tpu.memory_space<vmem>> -> memref<2048xi32, #tpu.memory_space<vmem>>
        %dma_start3A_683 = tpu.memref_slice %arg3[%multiple_of3A] : memref<1000000xi32, #tpu.memory_space<hbm>> -> memref<2048xi32, #tpu.memory_space<hbm>>
        %dma_start3A_684 = arith.constant 6144 : i32
        %dma_start3A_685 = tpu.memref_slice %arg10[%dma_start3A_684] : memref<32768xi32, #tpu.memory_space<vmem>> -> memref<2048xi32, #tpu.memory_space<vmem>>
        %dma_start3A_686 = tpu.memref_slice %arg3[%multiple_of3A] : memref<1000000xi32, #tpu.memory_space<hbm>> -> memref<2048xi32, #tpu.memory_space<hbm>>
        tpu.enqueue_dma source(%dma_start3A_686 : memref<2048xi32, #tpu.memory_space<hbm>>) target(%dma_start3A_685 : memref<2048xi32, #tpu.memory_space<vmem>>) target_semaphore(%arg13 : memref<!tpu.dma_semaphore, #tpu.memory_space<semaphore_mem>>)
      } else {
      }
      %gt3A_530 = arith.constant 0 : i32
      %gt3A_531 = arith.cmpi sgt, %reduce_max3A_357, %gt3A_530 : i32
      %convert_element_type3A_532 = arith.extui %gt3A_531 : i1 to i32
      %cond3A_533 = arith.constant 0 : i32
      %cond3A_534 = arith.cmpi ne, %convert_element_type3A_532, %cond3A_533 : i32
      scf.if %cond3A_534 {
        %multiple_of3A = tpu.assume_multiple %reduce_max3A_133, 8 : i32
        %dma_start3A = arith.constant 8192 : i32
        %dma_start3A_682 = tpu.memref_slice %arg10[%dma_start3A] : memref<32768xi32, #tpu.memory_space<vmem>> -> memref<2048xi32, #tpu.memory_space<vmem>>
        %dma_start3A_683 = tpu.memref_slice %arg3[%multiple_of3A] : memref<1000000xi32, #tpu.memory_space<hbm>> -> memref<2048xi32, #tpu.memory_space<hbm>>
        %dma_start3A_684 = arith.constant 8192 : i32
        %dma_start3A_685 = tpu.memref_slice %arg10[%dma_start3A_684] : memref<32768xi32, #tpu.memory_space<vmem>> -> memref<2048xi32, #tpu.memory_space<vmem>>
        %dma_start3A_686 = tpu.memref_slice %arg3[%multiple_of3A] : memref<1000000xi32, #tpu.memory_space<hbm>> -> memref<2048xi32, #tpu.memory_space<hbm>>
        tpu.enqueue_dma source(%dma_start3A_686 : memref<2048xi32, #tpu.memory_space<hbm>>) target(%dma_start3A_685 : memref<2048xi32, #tpu.memory_space<vmem>>) target_semaphore(%arg13 : memref<!tpu.dma_semaphore, #tpu.memory_space<semaphore_mem>>)
      } else {
      }
      %gt3A_535 = arith.constant 0 : i32
      %gt3A_536 = arith.cmpi sgt, %reduce_max3A_371, %gt3A_535 : i32
      %convert_element_type3A_537 = arith.extui %gt3A_536 : i1 to i32
      %cond3A_538 = arith.constant 0 : i32
      %cond3A_539 = arith.cmpi ne, %convert_element_type3A_537, %cond3A_538 : i32
      scf.if %cond3A_539 {
        %multiple_of3A = tpu.assume_multiple %reduce_max3A_147, 8 : i32
        %dma_start3A = arith.constant 10240 : i32
        %dma_start3A_682 = tpu.memref_slice %arg10[%dma_start3A] : memref<32768xi32, #tpu.memory_space<vmem>> -> memref<2048xi32, #tpu.memory_space<vmem>>
        %dma_start3A_683 = tpu.memref_slice %arg3[%multiple_of3A] : memref<1000000xi32, #tpu.memory_space<hbm>> -> memref<2048xi32, #tpu.memory_space<hbm>>
        %dma_start3A_684 = arith.constant 10240 : i32
        %dma_start3A_685 = tpu.memref_slice %arg10[%dma_start3A_684] : memref<32768xi32, #tpu.memory_space<vmem>> -> memref<2048xi32, #tpu.memory_space<vmem>>
        %dma_start3A_686 = tpu.memref_slice %arg3[%multiple_of3A] : memref<1000000xi32, #tpu.memory_space<hbm>> -> memref<2048xi32, #tpu.memory_space<hbm>>
        tpu.enqueue_dma source(%dma_start3A_686 : memref<2048xi32, #tpu.memory_space<hbm>>) target(%dma_start3A_685 : memref<2048xi32, #tpu.memory_space<vmem>>) target_semaphore(%arg13 : memref<!tpu.dma_semaphore, #tpu.memory_space<semaphore_mem>>)
      } else {
      }
      %gt3A_540 = arith.constant 0 : i32
      %gt3A_541 = arith.cmpi sgt, %reduce_max3A_385, %gt3A_540 : i32
      %convert_element_type3A_542 = arith.extui %gt3A_541 : i1 to i32
      %cond3A_543 = arith.constant 0 : i32
      %cond3A_544 = arith.cmpi ne, %convert_element_type3A_542, %cond3A_543 : i32
      scf.if %cond3A_544 {
        %multiple_of3A = tpu.assume_multiple %reduce_max3A_161, 8 : i32
        %dma_start3A = arith.constant 12288 : i32
        %dma_start3A_682 = tpu.memref_slice %arg10[%dma_start3A] : memref<32768xi32, #tpu.memory_space<vmem>> -> memref<2048xi32, #tpu.memory_space<vmem>>
        %dma_start3A_683 = tpu.memref_slice %arg3[%multiple_of3A] : memref<1000000xi32, #tpu.memory_space<hbm>> -> memref<2048xi32, #tpu.memory_space<hbm>>
        %dma_start3A_684 = arith.constant 12288 : i32
        %dma_start3A_685 = tpu.memref_slice %arg10[%dma_start3A_684] : memref<32768xi32, #tpu.memory_space<vmem>> -> memref<2048xi32, #tpu.memory_space<vmem>>
        %dma_start3A_686 = tpu.memref_slice %arg3[%multiple_of3A] : memref<1000000xi32, #tpu.memory_space<hbm>> -> memref<2048xi32, #tpu.memory_space<hbm>>
        tpu.enqueue_dma source(%dma_start3A_686 : memref<2048xi32, #tpu.memory_space<hbm>>) target(%dma_start3A_685 : memref<2048xi32, #tpu.memory_space<vmem>>) target_semaphore(%arg13 : memref<!tpu.dma_semaphore, #tpu.memory_space<semaphore_mem>>)
      } else {
      }
      %gt3A_545 = arith.constant 0 : i32
      %gt3A_546 = arith.cmpi sgt, %reduce_max3A_399, %gt3A_545 : i32
      %convert_element_type3A_547 = arith.extui %gt3A_546 : i1 to i32
      %cond3A_548 = arith.constant 0 : i32
      %cond3A_549 = arith.cmpi ne, %convert_element_type3A_547, %cond3A_548 : i32
      scf.if %cond3A_549 {
        %multiple_of3A = tpu.assume_multiple %reduce_max3A_175, 8 : i32
        %dma_start3A = arith.constant 14336 : i32
        %dma_start3A_682 = tpu.memref_slice %arg10[%dma_start3A] : memref<32768xi32, #tpu.memory_space<vmem>> -> memref<2048xi32, #tpu.memory_space<vmem>>
        %dma_start3A_683 = tpu.memref_slice %arg3[%multiple_of3A] : memref<1000000xi32, #tpu.memory_space<hbm>> -> memref<2048xi32, #tpu.memory_space<hbm>>
        %dma_start3A_684 = arith.constant 14336 : i32
        %dma_start3A_685 = tpu.memref_slice %arg10[%dma_start3A_684] : memref<32768xi32, #tpu.memory_space<vmem>> -> memref<2048xi32, #tpu.memory_space<vmem>>
        %dma_start3A_686 = tpu.memref_slice %arg3[%multiple_of3A] : memref<1000000xi32, #tpu.memory_space<hbm>> -> memref<2048xi32, #tpu.memory_space<hbm>>
        tpu.enqueue_dma source(%dma_start3A_686 : memref<2048xi32, #tpu.memory_space<hbm>>) target(%dma_start3A_685 : memref<2048xi32, #tpu.memory_space<vmem>>) target_semaphore(%arg13 : memref<!tpu.dma_semaphore, #tpu.memory_space<semaphore_mem>>)
      } else {
      }
      %gt3A_550 = arith.constant 0 : i32
      %gt3A_551 = arith.cmpi sgt, %reduce_max3A_413, %gt3A_550 : i32
      %convert_element_type3A_552 = arith.extui %gt3A_551 : i1 to i32
      %cond3A_553 = arith.constant 0 : i32
      %cond3A_554 = arith.cmpi ne, %convert_element_type3A_552, %cond3A_553 : i32
      scf.if %cond3A_554 {
        %multiple_of3A = tpu.assume_multiple %reduce_max3A_189, 8 : i32
        %dma_start3A = arith.constant 16384 : i32
        %dma_start3A_682 = tpu.memref_slice %arg10[%dma_start3A] : memref<32768xi32, #tpu.memory_space<vmem>> -> memref<2048xi32, #tpu.memory_space<vmem>>
        %dma_start3A_683 = tpu.memref_slice %arg3[%multiple_of3A] : memref<1000000xi32, #tpu.memory_space<hbm>> -> memref<2048xi32, #tpu.memory_space<hbm>>
        %dma_start3A_684 = arith.constant 16384 : i32
        %dma_start3A_685 = tpu.memref_slice %arg10[%dma_start3A_684] : memref<32768xi32, #tpu.memory_space<vmem>> -> memref<2048xi32, #tpu.memory_space<vmem>>
        %dma_start3A_686 = tpu.memref_slice %arg3[%multiple_of3A] : memref<1000000xi32, #tpu.memory_space<hbm>> -> memref<2048xi32, #tpu.memory_space<hbm>>
        tpu.enqueue_dma source(%dma_start3A_686 : memref<2048xi32, #tpu.memory_space<hbm>>) target(%dma_start3A_685 : memref<2048xi32, #tpu.memory_space<vmem>>) target_semaphore(%arg13 : memref<!tpu.dma_semaphore, #tpu.memory_space<semaphore_mem>>)
      } else {
      }
      %gt3A_555 = arith.constant 0 : i32
      %gt3A_556 = arith.cmpi sgt, %reduce_max3A_427, %gt3A_555 : i32
      %convert_element_type3A_557 = arith.extui %gt3A_556 : i1 to i32
      %cond3A_558 = arith.constant 0 : i32
      %cond3A_559 = arith.cmpi ne, %convert_element_type3A_557, %cond3A_558 : i32
      scf.if %cond3A_559 {
        %multiple_of3A = tpu.assume_multiple %reduce_max3A_203, 8 : i32
        %dma_start3A = arith.constant 18432 : i32
        %dma_start3A_682 = tpu.memref_slice %arg10[%dma_start3A] : memref<32768xi32, #tpu.memory_space<vmem>> -> memref<2048xi32, #tpu.memory_space<vmem>>
        %dma_start3A_683 = tpu.memref_slice %arg3[%multiple_of3A] : memref<1000000xi32, #tpu.memory_space<hbm>> -> memref<2048xi32, #tpu.memory_space<hbm>>
        %dma_start3A_684 = arith.constant 18432 : i32
        %dma_start3A_685 = tpu.memref_slice %arg10[%dma_start3A_684] : memref<32768xi32, #tpu.memory_space<vmem>> -> memref<2048xi32, #tpu.memory_space<vmem>>
        %dma_start3A_686 = tpu.memref_slice %arg3[%multiple_of3A] : memref<1000000xi32, #tpu.memory_space<hbm>> -> memref<2048xi32, #tpu.memory_space<hbm>>
        tpu.enqueue_dma source(%dma_start3A_686 : memref<2048xi32, #tpu.memory_space<hbm>>) target(%dma_start3A_685 : memref<2048xi32, #tpu.memory_space<vmem>>) target_semaphore(%arg13 : memref<!tpu.dma_semaphore, #tpu.memory_space<semaphore_mem>>)
      } else {
      }
      %gt3A_560 = arith.constant 0 : i32
      %gt3A_561 = arith.cmpi sgt, %reduce_max3A_441, %gt3A_560 : i32
      %convert_element_type3A_562 = arith.extui %gt3A_561 : i1 to i32
      %cond3A_563 = arith.constant 0 : i32
      %cond3A_564 = arith.cmpi ne, %convert_element_type3A_562, %cond3A_563 : i32
      scf.if %cond3A_564 {
        %multiple_of3A = tpu.assume_multiple %reduce_max3A_217, 8 : i32
        %dma_start3A = arith.constant 20480 : i32
        %dma_start3A_682 = tpu.memref_slice %arg10[%dma_start3A] : memref<32768xi32, #tpu.memory_space<vmem>> -> memref<2048xi32, #tpu.memory_space<vmem>>
        %dma_start3A_683 = tpu.memref_slice %arg3[%multiple_of3A] : memref<1000000xi32, #tpu.memory_space<hbm>> -> memref<2048xi32, #tpu.memory_space<hbm>>
        %dma_start3A_684 = arith.constant 20480 : i32
        %dma_start3A_685 = tpu.memref_slice %arg10[%dma_start3A_684] : memref<32768xi32, #tpu.memory_space<vmem>> -> memref<2048xi32, #tpu.memory_space<vmem>>
        %dma_start3A_686 = tpu.memref_slice %arg3[%multiple_of3A] : memref<1000000xi32, #tpu.memory_space<hbm>> -> memref<2048xi32, #tpu.memory_space<hbm>>
        tpu.enqueue_dma source(%dma_start3A_686 : memref<2048xi32, #tpu.memory_space<hbm>>) target(%dma_start3A_685 : memref<2048xi32, #tpu.memory_space<vmem>>) target_semaphore(%arg13 : memref<!tpu.dma_semaphore, #tpu.memory_space<semaphore_mem>>)
      } else {
      }
      %gt3A_565 = arith.constant 0 : i32
      %gt3A_566 = arith.cmpi sgt, %reduce_max3A_455, %gt3A_565 : i32
      %convert_element_type3A_567 = arith.extui %gt3A_566 : i1 to i32
      %cond3A_568 = arith.constant 0 : i32
      %cond3A_569 = arith.cmpi ne, %convert_element_type3A_567, %cond3A_568 : i32
      scf.if %cond3A_569 {
        %multiple_of3A = tpu.assume_multiple %reduce_max3A_231, 8 : i32
        %dma_start3A = arith.constant 22528 : i32
        %dma_start3A_682 = tpu.memref_slice %arg10[%dma_start3A] : memref<32768xi32, #tpu.memory_space<vmem>> -> memref<2048xi32, #tpu.memory_space<vmem>>
        %dma_start3A_683 = tpu.memref_slice %arg3[%multiple_of3A] : memref<1000000xi32, #tpu.memory_space<hbm>> -> memref<2048xi32, #tpu.memory_space<hbm>>
        %dma_start3A_684 = arith.constant 22528 : i32
        %dma_start3A_685 = tpu.memref_slice %arg10[%dma_start3A_684] : memref<32768xi32, #tpu.memory_space<vmem>> -> memref<2048xi32, #tpu.memory_space<vmem>>
        %dma_start3A_686 = tpu.memref_slice %arg3[%multiple_of3A] : memref<1000000xi32, #tpu.memory_space<hbm>> -> memref<2048xi32, #tpu.memory_space<hbm>>
        tpu.enqueue_dma source(%dma_start3A_686 : memref<2048xi32, #tpu.memory_space<hbm>>) target(%dma_start3A_685 : memref<2048xi32, #tpu.memory_space<vmem>>) target_semaphore(%arg13 : memref<!tpu.dma_semaphore, #tpu.memory_space<semaphore_mem>>)
      } else {
      }
      %gt3A_570 = arith.constant 0 : i32
      %gt3A_571 = arith.cmpi sgt, %reduce_max3A_469, %gt3A_570 : i32
      %convert_element_type3A_572 = arith.extui %gt3A_571 : i1 to i32
      %cond3A_573 = arith.constant 0 : i32
      %cond3A_574 = arith.cmpi ne, %convert_element_type3A_572, %cond3A_573 : i32
      scf.if %cond3A_574 {
        %multiple_of3A = tpu.assume_multiple %reduce_max3A_245, 8 : i32
        %dma_start3A = arith.constant 24576 : i32
        %dma_start3A_682 = tpu.memref_slice %arg10[%dma_start3A] : memref<32768xi32, #tpu.memory_space<vmem>> -> memref<2048xi32, #tpu.memory_space<vmem>>
        %dma_start3A_683 = tpu.memref_slice %arg3[%multiple_of3A] : memref<1000000xi32, #tpu.memory_space<hbm>> -> memref<2048xi32, #tpu.memory_space<hbm>>
        %dma_start3A_684 = arith.constant 24576 : i32
        %dma_start3A_685 = tpu.memref_slice %arg10[%dma_start3A_684] : memref<32768xi32, #tpu.memory_space<vmem>> -> memref<2048xi32, #tpu.memory_space<vmem>>
        %dma_start3A_686 = tpu.memref_slice %arg3[%multiple_of3A] : memref<1000000xi32, #tpu.memory_space<hbm>> -> memref<2048xi32, #tpu.memory_space<hbm>>
        tpu.enqueue_dma source(%dma_start3A_686 : memref<2048xi32, #tpu.memory_space<hbm>>) target(%dma_start3A_685 : memref<2048xi32, #tpu.memory_space<vmem>>) target_semaphore(%arg13 : memref<!tpu.dma_semaphore, #tpu.memory_space<semaphore_mem>>)
      } else {
      }
      %gt3A_575 = arith.constant 0 : i32
      %gt3A_576 = arith.cmpi sgt, %reduce_max3A_483, %gt3A_575 : i32
      %convert_element_type3A_577 = arith.extui %gt3A_576 : i1 to i32
      %cond3A_578 = arith.constant 0 : i32
      %cond3A_579 = arith.cmpi ne, %convert_element_type3A_577, %cond3A_578 : i32
      scf.if %cond3A_579 {
        %multiple_of3A = tpu.assume_multiple %reduce_max3A_259, 8 : i32
        %dma_start3A = arith.constant 26624 : i32
        %dma_start3A_682 = tpu.memref_slice %arg10[%dma_start3A] : memref<32768xi32, #tpu.memory_space<vmem>> -> memref<2048xi32, #tpu.memory_space<vmem>>
        %dma_start3A_683 = tpu.memref_slice %arg3[%multiple_of3A] : memref<1000000xi32, #tpu.memory_space<hbm>> -> memref<2048xi32, #tpu.memory_space<hbm>>
        %dma_start3A_684 = arith.constant 26624 : i32
        %dma_start3A_685 = tpu.memref_slice %arg10[%dma_start3A_684] : memref<32768xi32, #tpu.memory_space<vmem>> -> memref<2048xi32, #tpu.memory_space<vmem>>
        %dma_start3A_686 = tpu.memref_slice %arg3[%multiple_of3A] : memref<1000000xi32, #tpu.memory_space<hbm>> -> memref<2048xi32, #tpu.memory_space<hbm>>
        tpu.enqueue_dma source(%dma_start3A_686 : memref<2048xi32, #tpu.memory_space<hbm>>) target(%dma_start3A_685 : memref<2048xi32, #tpu.memory_space<vmem>>) target_semaphore(%arg13 : memref<!tpu.dma_semaphore, #tpu.memory_space<semaphore_mem>>)
      } else {
      }
      %gt3A_580 = arith.constant 0 : i32
      %gt3A_581 = arith.cmpi sgt, %reduce_max3A_497, %gt3A_580 : i32
      %convert_element_type3A_582 = arith.extui %gt3A_581 : i1 to i32
      %cond3A_583 = arith.constant 0 : i32
      %cond3A_584 = arith.cmpi ne, %convert_element_type3A_582, %cond3A_583 : i32
      scf.if %cond3A_584 {
        %multiple_of3A = tpu.assume_multiple %reduce_max3A_273, 8 : i32
        %dma_start3A = arith.constant 28672 : i32
        %dma_start3A_682 = tpu.memref_slice %arg10[%dma_start3A] : memref<32768xi32, #tpu.memory_space<vmem>> -> memref<2048xi32, #tpu.memory_space<vmem>>
        %dma_start3A_683 = tpu.memref_slice %arg3[%multiple_of3A] : memref<1000000xi32, #tpu.memory_space<hbm>> -> memref<2048xi32, #tpu.memory_space<hbm>>
        %dma_start3A_684 = arith.constant 28672 : i32
        %dma_start3A_685 = tpu.memref_slice %arg10[%dma_start3A_684] : memref<32768xi32, #tpu.memory_space<vmem>> -> memref<2048xi32, #tpu.memory_space<vmem>>
        %dma_start3A_686 = tpu.memref_slice %arg3[%multiple_of3A] : memref<1000000xi32, #tpu.memory_space<hbm>> -> memref<2048xi32, #tpu.memory_space<hbm>>
        tpu.enqueue_dma source(%dma_start3A_686 : memref<2048xi32, #tpu.memory_space<hbm>>) target(%dma_start3A_685 : memref<2048xi32, #tpu.memory_space<vmem>>) target_semaphore(%arg13 : memref<!tpu.dma_semaphore, #tpu.memory_space<semaphore_mem>>)
      } else {
      }
      %gt3A_585 = arith.constant 0 : i32
      %gt3A_586 = arith.cmpi sgt, %reduce_max3A_511, %gt3A_585 : i32
      %convert_element_type3A_587 = arith.extui %gt3A_586 : i1 to i32
      %cond3A_588 = arith.constant 0 : i32
      %cond3A_589 = arith.cmpi ne, %convert_element_type3A_587, %cond3A_588 : i32
      scf.if %cond3A_589 {
        %multiple_of3A = tpu.assume_multiple %reduce_max3A_287, 8 : i32
        %dma_start3A = arith.constant 30720 : i32
        %dma_start3A_682 = tpu.memref_slice %arg10[%dma_start3A] : memref<32768xi32, #tpu.memory_space<vmem>> -> memref<2048xi32, #tpu.memory_space<vmem>>
        %dma_start3A_683 = tpu.memref_slice %arg3[%multiple_of3A] : memref<1000000xi32, #tpu.memory_space<hbm>> -> memref<2048xi32, #tpu.memory_space<hbm>>
        %dma_start3A_684 = arith.constant 30720 : i32
        %dma_start3A_685 = tpu.memref_slice %arg10[%dma_start3A_684] : memref<32768xi32, #tpu.memory_space<vmem>> -> memref<2048xi32, #tpu.memory_space<vmem>>
        %dma_start3A_686 = tpu.memref_slice %arg3[%multiple_of3A] : memref<1000000xi32, #tpu.memory_space<hbm>> -> memref<2048xi32, #tpu.memory_space<hbm>>
        tpu.enqueue_dma source(%dma_start3A_686 : memref<2048xi32, #tpu.memory_space<hbm>>) target(%dma_start3A_685 : memref<2048xi32, #tpu.memory_space<vmem>>) target_semaphore(%arg13 : memref<!tpu.dma_semaphore, #tpu.memory_space<semaphore_mem>>)
      } else {
      }
      %gt3A_590 = arith.constant 0 : i32
      %gt3A_591 = arith.cmpi sgt, %reduce_max3A_301, %gt3A_590 : i32
      %convert_element_type3A_592 = arith.extui %gt3A_591 : i1 to i32
      %cond3A_593 = arith.constant 0 : i32
      %cond3A_594 = arith.cmpi ne, %convert_element_type3A_592, %cond3A_593 : i32
      scf.if %cond3A_594 {
        %multiple_of3A = tpu.assume_multiple %reduce_max3A_77, 8 : i32
        %dma_wait3A = arith.constant 0 : i32
        %dma_wait3A_682 = tpu.memref_slice %arg10[%dma_wait3A] : memref<32768xi32, #tpu.memory_space<vmem>> -> memref<2048xi32, #tpu.memory_space<vmem>>
        %dma_wait3A_683 = tpu.memref_slice %arg3[%multiple_of3A] : memref<1000000xi32, #tpu.memory_space<hbm>> -> memref<2048xi32, #tpu.memory_space<hbm>>
        %dma_wait3A_684 = arith.constant 0 : i32
        %dma_wait3A_685 = tpu.memref_slice %arg10[%dma_wait3A_684] : memref<32768xi32, #tpu.memory_space<vmem>> -> memref<2048xi32, #tpu.memory_space<vmem>>
        %dma_wait3A_686 = tpu.memref_slice %arg3[%multiple_of3A] : memref<1000000xi32, #tpu.memory_space<hbm>> -> memref<2048xi32, #tpu.memory_space<hbm>>
        tpu.wait_dma2 semaphore(%arg13 : memref<!tpu.dma_semaphore, #tpu.memory_space<semaphore_mem>>) src(%dma_wait3A_686 : memref<2048xi32, #tpu.memory_space<hbm>>) dst(%dma_wait3A_685 : memref<2048xi32, #tpu.memory_space<vmem>>)
      } else {
      }
      %gt3A_595 = arith.constant 0 : i32
      %gt3A_596 = arith.cmpi sgt, %reduce_max3A_315, %gt3A_595 : i32
      %convert_element_type3A_597 = arith.extui %gt3A_596 : i1 to i32
      %cond3A_598 = arith.constant 0 : i32
      %cond3A_599 = arith.cmpi ne, %convert_element_type3A_597, %cond3A_598 : i32
      scf.if %cond3A_599 {
        %multiple_of3A = tpu.assume_multiple %reduce_max3A_91, 8 : i32
        %dma_wait3A = arith.constant 2048 : i32
        %dma_wait3A_682 = tpu.memref_slice %arg10[%dma_wait3A] : memref<32768xi32, #tpu.memory_space<vmem>> -> memref<2048xi32, #tpu.memory_space<vmem>>
        %dma_wait3A_683 = tpu.memref_slice %arg3[%multiple_of3A] : memref<1000000xi32, #tpu.memory_space<hbm>> -> memref<2048xi32, #tpu.memory_space<hbm>>
        %dma_wait3A_684 = arith.constant 2048 : i32
        %dma_wait3A_685 = tpu.memref_slice %arg10[%dma_wait3A_684] : memref<32768xi32, #tpu.memory_space<vmem>> -> memref<2048xi32, #tpu.memory_space<vmem>>
        %dma_wait3A_686 = tpu.memref_slice %arg3[%multiple_of3A] : memref<1000000xi32, #tpu.memory_space<hbm>> -> memref<2048xi32, #tpu.memory_space<hbm>>
        tpu.wait_dma2 semaphore(%arg13 : memref<!tpu.dma_semaphore, #tpu.memory_space<semaphore_mem>>) src(%dma_wait3A_686 : memref<2048xi32, #tpu.memory_space<hbm>>) dst(%dma_wait3A_685 : memref<2048xi32, #tpu.memory_space<vmem>>)
      } else {
      }
      %gt3A_600 = arith.constant 0 : i32
      %gt3A_601 = arith.cmpi sgt, %reduce_max3A_329, %gt3A_600 : i32
      %convert_element_type3A_602 = arith.extui %gt3A_601 : i1 to i32
      %cond3A_603 = arith.constant 0 : i32
      %cond3A_604 = arith.cmpi ne, %convert_element_type3A_602, %cond3A_603 : i32
      scf.if %cond3A_604 {
        %multiple_of3A = tpu.assume_multiple %reduce_max3A_105, 8 : i32
        %dma_wait3A = arith.constant 4096 : i32
        %dma_wait3A_682 = tpu.memref_slice %arg10[%dma_wait3A] : memref<32768xi32, #tpu.memory_space<vmem>> -> memref<2048xi32, #tpu.memory_space<vmem>>
        %dma_wait3A_683 = tpu.memref_slice %arg3[%multiple_of3A] : memref<1000000xi32, #tpu.memory_space<hbm>> -> memref<2048xi32, #tpu.memory_space<hbm>>
        %dma_wait3A_684 = arith.constant 4096 : i32
        %dma_wait3A_685 = tpu.memref_slice %arg10[%dma_wait3A_684] : memref<32768xi32, #tpu.memory_space<vmem>> -> memref<2048xi32, #tpu.memory_space<vmem>>
        %dma_wait3A_686 = tpu.memref_slice %arg3[%multiple_of3A] : memref<1000000xi32, #tpu.memory_space<hbm>> -> memref<2048xi32, #tpu.memory_space<hbm>>
        tpu.wait_dma2 semaphore(%arg13 : memref<!tpu.dma_semaphore, #tpu.memory_space<semaphore_mem>>) src(%dma_wait3A_686 : memref<2048xi32, #tpu.memory_space<hbm>>) dst(%dma_wait3A_685 : memref<2048xi32, #tpu.memory_space<vmem>>)
      } else {
      }
      %gt3A_605 = arith.constant 0 : i32
      %gt3A_606 = arith.cmpi sgt, %reduce_max3A_343, %gt3A_605 : i32
      %convert_element_type3A_607 = arith.extui %gt3A_606 : i1 to i32
      %cond3A_608 = arith.constant 0 : i32
      %cond3A_609 = arith.cmpi ne, %convert_element_type3A_607, %cond3A_608 : i32
      scf.if %cond3A_609 {
        %multiple_of3A = tpu.assume_multiple %reduce_max3A_119, 8 : i32
        %dma_wait3A = arith.constant 6144 : i32
        %dma_wait3A_682 = tpu.memref_slice %arg10[%dma_wait3A] : memref<32768xi32, #tpu.memory_space<vmem>> -> memref<2048xi32, #tpu.memory_space<vmem>>
        %dma_wait3A_683 = tpu.memref_slice %arg3[%multiple_of3A] : memref<1000000xi32, #tpu.memory_space<hbm>> -> memref<2048xi32, #tpu.memory_space<hbm>>
        %dma_wait3A_684 = arith.constant 6144 : i32
        %dma_wait3A_685 = tpu.memref_slice %arg10[%dma_wait3A_684] : memref<32768xi32, #tpu.memory_space<vmem>> -> memref<2048xi32, #tpu.memory_space<vmem>>
        %dma_wait3A_686 = tpu.memref_slice %arg3[%multiple_of3A] : memref<1000000xi32, #tpu.memory_space<hbm>> -> memref<2048xi32, #tpu.memory_space<hbm>>
        tpu.wait_dma2 semaphore(%arg13 : memref<!tpu.dma_semaphore, #tpu.memory_space<semaphore_mem>>) src(%dma_wait3A_686 : memref<2048xi32, #tpu.memory_space<hbm>>) dst(%dma_wait3A_685 : memref<2048xi32, #tpu.memory_space<vmem>>)
      } else {
      }
      %gt3A_610 = arith.constant 0 : i32
      %gt3A_611 = arith.cmpi sgt, %reduce_max3A_357, %gt3A_610 : i32
      %convert_element_type3A_612 = arith.extui %gt3A_611 : i1 to i32
      %cond3A_613 = arith.constant 0 : i32
      %cond3A_614 = arith.cmpi ne, %convert_element_type3A_612, %cond3A_613 : i32
      scf.if %cond3A_614 {
        %multiple_of3A = tpu.assume_multiple %reduce_max3A_133, 8 : i32
        %dma_wait3A = arith.constant 8192 : i32
        %dma_wait3A_682 = tpu.memref_slice %arg10[%dma_wait3A] : memref<32768xi32, #tpu.memory_space<vmem>> -> memref<2048xi32, #tpu.memory_space<vmem>>
        %dma_wait3A_683 = tpu.memref_slice %arg3[%multiple_of3A] : memref<1000000xi32, #tpu.memory_space<hbm>> -> memref<2048xi32, #tpu.memory_space<hbm>>
        %dma_wait3A_684 = arith.constant 8192 : i32
        %dma_wait3A_685 = tpu.memref_slice %arg10[%dma_wait3A_684] : memref<32768xi32, #tpu.memory_space<vmem>> -> memref<2048xi32, #tpu.memory_space<vmem>>
        %dma_wait3A_686 = tpu.memref_slice %arg3[%multiple_of3A] : memref<1000000xi32, #tpu.memory_space<hbm>> -> memref<2048xi32, #tpu.memory_space<hbm>>
        tpu.wait_dma2 semaphore(%arg13 : memref<!tpu.dma_semaphore, #tpu.memory_space<semaphore_mem>>) src(%dma_wait3A_686 : memref<2048xi32, #tpu.memory_space<hbm>>) dst(%dma_wait3A_685 : memref<2048xi32, #tpu.memory_space<vmem>>)
      } else {
      }
      %gt3A_615 = arith.constant 0 : i32
      %gt3A_616 = arith.cmpi sgt, %reduce_max3A_371, %gt3A_615 : i32
      %convert_element_type3A_617 = arith.extui %gt3A_616 : i1 to i32
      %cond3A_618 = arith.constant 0 : i32
      %cond3A_619 = arith.cmpi ne, %convert_element_type3A_617, %cond3A_618 : i32
      scf.if %cond3A_619 {
        %multiple_of3A = tpu.assume_multiple %reduce_max3A_147, 8 : i32
        %dma_wait3A = arith.constant 10240 : i32
        %dma_wait3A_682 = tpu.memref_slice %arg10[%dma_wait3A] : memref<32768xi32, #tpu.memory_space<vmem>> -> memref<2048xi32, #tpu.memory_space<vmem>>
        %dma_wait3A_683 = tpu.memref_slice %arg3[%multiple_of3A] : memref<1000000xi32, #tpu.memory_space<hbm>> -> memref<2048xi32, #tpu.memory_space<hbm>>
        %dma_wait3A_684 = arith.constant 10240 : i32
        %dma_wait3A_685 = tpu.memref_slice %arg10[%dma_wait3A_684] : memref<32768xi32, #tpu.memory_space<vmem>> -> memref<2048xi32, #tpu.memory_space<vmem>>
        %dma_wait3A_686 = tpu.memref_slice %arg3[%multiple_of3A] : memref<1000000xi32, #tpu.memory_space<hbm>> -> memref<2048xi32, #tpu.memory_space<hbm>>
        tpu.wait_dma2 semaphore(%arg13 : memref<!tpu.dma_semaphore, #tpu.memory_space<semaphore_mem>>) src(%dma_wait3A_686 : memref<2048xi32, #tpu.memory_space<hbm>>) dst(%dma_wait3A_685 : memref<2048xi32, #tpu.memory_space<vmem>>)
      } else {
      }
      %gt3A_620 = arith.constant 0 : i32
      %gt3A_621 = arith.cmpi sgt, %reduce_max3A_385, %gt3A_620 : i32
      %convert_element_type3A_622 = arith.extui %gt3A_621 : i1 to i32
      %cond3A_623 = arith.constant 0 : i32
      %cond3A_624 = arith.cmpi ne, %convert_element_type3A_622, %cond3A_623 : i32
      scf.if %cond3A_624 {
        %multiple_of3A = tpu.assume_multiple %reduce_max3A_161, 8 : i32
        %dma_wait3A = arith.constant 12288 : i32
        %dma_wait3A_682 = tpu.memref_slice %arg10[%dma_wait3A] : memref<32768xi32, #tpu.memory_space<vmem>> -> memref<2048xi32, #tpu.memory_space<vmem>>
        %dma_wait3A_683 = tpu.memref_slice %arg3[%multiple_of3A] : memref<1000000xi32, #tpu.memory_space<hbm>> -> memref<2048xi32, #tpu.memory_space<hbm>>
        %dma_wait3A_684 = arith.constant 12288 : i32
        %dma_wait3A_685 = tpu.memref_slice %arg10[%dma_wait3A_684] : memref<32768xi32, #tpu.memory_space<vmem>> -> memref<2048xi32, #tpu.memory_space<vmem>>
        %dma_wait3A_686 = tpu.memref_slice %arg3[%multiple_of3A] : memref<1000000xi32, #tpu.memory_space<hbm>> -> memref<2048xi32, #tpu.memory_space<hbm>>
        tpu.wait_dma2 semaphore(%arg13 : memref<!tpu.dma_semaphore, #tpu.memory_space<semaphore_mem>>) src(%dma_wait3A_686 : memref<2048xi32, #tpu.memory_space<hbm>>) dst(%dma_wait3A_685 : memref<2048xi32, #tpu.memory_space<vmem>>)
      } else {
      }
      %gt3A_625 = arith.constant 0 : i32
      %gt3A_626 = arith.cmpi sgt, %reduce_max3A_399, %gt3A_625 : i32
      %convert_element_type3A_627 = arith.extui %gt3A_626 : i1 to i32
      %cond3A_628 = arith.constant 0 : i32
      %cond3A_629 = arith.cmpi ne, %convert_element_type3A_627, %cond3A_628 : i32
      scf.if %cond3A_629 {
        %multiple_of3A = tpu.assume_multiple %reduce_max3A_175, 8 : i32
        %dma_wait3A = arith.constant 14336 : i32
        %dma_wait3A_682 = tpu.memref_slice %arg10[%dma_wait3A] : memref<32768xi32, #tpu.memory_space<vmem>> -> memref<2048xi32, #tpu.memory_space<vmem>>
        %dma_wait3A_683 = tpu.memref_slice %arg3[%multiple_of3A] : memref<1000000xi32, #tpu.memory_space<hbm>> -> memref<2048xi32, #tpu.memory_space<hbm>>
        %dma_wait3A_684 = arith.constant 14336 : i32
        %dma_wait3A_685 = tpu.memref_slice %arg10[%dma_wait3A_684] : memref<32768xi32, #tpu.memory_space<vmem>> -> memref<2048xi32, #tpu.memory_space<vmem>>
        %dma_wait3A_686 = tpu.memref_slice %arg3[%multiple_of3A] : memref<1000000xi32, #tpu.memory_space<hbm>> -> memref<2048xi32, #tpu.memory_space<hbm>>
        tpu.wait_dma2 semaphore(%arg13 : memref<!tpu.dma_semaphore, #tpu.memory_space<semaphore_mem>>) src(%dma_wait3A_686 : memref<2048xi32, #tpu.memory_space<hbm>>) dst(%dma_wait3A_685 : memref<2048xi32, #tpu.memory_space<vmem>>)
      } else {
      }
      %gt3A_630 = arith.constant 0 : i32
      %gt3A_631 = arith.cmpi sgt, %reduce_max3A_413, %gt3A_630 : i32
      %convert_element_type3A_632 = arith.extui %gt3A_631 : i1 to i32
      %cond3A_633 = arith.constant 0 : i32
      %cond3A_634 = arith.cmpi ne, %convert_element_type3A_632, %cond3A_633 : i32
      scf.if %cond3A_634 {
        %multiple_of3A = tpu.assume_multiple %reduce_max3A_189, 8 : i32
        %dma_wait3A = arith.constant 16384 : i32
        %dma_wait3A_682 = tpu.memref_slice %arg10[%dma_wait3A] : memref<32768xi32, #tpu.memory_space<vmem>> -> memref<2048xi32, #tpu.memory_space<vmem>>
        %dma_wait3A_683 = tpu.memref_slice %arg3[%multiple_of3A] : memref<1000000xi32, #tpu.memory_space<hbm>> -> memref<2048xi32, #tpu.memory_space<hbm>>
        %dma_wait3A_684 = arith.constant 16384 : i32
        %dma_wait3A_685 = tpu.memref_slice %arg10[%dma_wait3A_684] : memref<32768xi32, #tpu.memory_space<vmem>> -> memref<2048xi32, #tpu.memory_space<vmem>>
        %dma_wait3A_686 = tpu.memref_slice %arg3[%multiple_of3A] : memref<1000000xi32, #tpu.memory_space<hbm>> -> memref<2048xi32, #tpu.memory_space<hbm>>
        tpu.wait_dma2 semaphore(%arg13 : memref<!tpu.dma_semaphore, #tpu.memory_space<semaphore_mem>>) src(%dma_wait3A_686 : memref<2048xi32, #tpu.memory_space<hbm>>) dst(%dma_wait3A_685 : memref<2048xi32, #tpu.memory_space<vmem>>)
      } else {
      }
      %gt3A_635 = arith.constant 0 : i32
      %gt3A_636 = arith.cmpi sgt, %reduce_max3A_427, %gt3A_635 : i32
      %convert_element_type3A_637 = arith.extui %gt3A_636 : i1 to i32
      %cond3A_638 = arith.constant 0 : i32
      %cond3A_639 = arith.cmpi ne, %convert_element_type3A_637, %cond3A_638 : i32
      scf.if %cond3A_639 {
        %multiple_of3A = tpu.assume_multiple %reduce_max3A_203, 8 : i32
        %dma_wait3A = arith.constant 18432 : i32
        %dma_wait3A_682 = tpu.memref_slice %arg10[%dma_wait3A] : memref<32768xi32, #tpu.memory_space<vmem>> -> memref<2048xi32, #tpu.memory_space<vmem>>
        %dma_wait3A_683 = tpu.memref_slice %arg3[%multiple_of3A] : memref<1000000xi32, #tpu.memory_space<hbm>> -> memref<2048xi32, #tpu.memory_space<hbm>>
        %dma_wait3A_684 = arith.constant 18432 : i32
        %dma_wait3A_685 = tpu.memref_slice %arg10[%dma_wait3A_684] : memref<32768xi32, #tpu.memory_space<vmem>> -> memref<2048xi32, #tpu.memory_space<vmem>>
        %dma_wait3A_686 = tpu.memref_slice %arg3[%multiple_of3A] : memref<1000000xi32, #tpu.memory_space<hbm>> -> memref<2048xi32, #tpu.memory_space<hbm>>
        tpu.wait_dma2 semaphore(%arg13 : memref<!tpu.dma_semaphore, #tpu.memory_space<semaphore_mem>>) src(%dma_wait3A_686 : memref<2048xi32, #tpu.memory_space<hbm>>) dst(%dma_wait3A_685 : memref<2048xi32, #tpu.memory_space<vmem>>)
      } else {
      }
      %gt3A_640 = arith.constant 0 : i32
      %gt3A_641 = arith.cmpi sgt, %reduce_max3A_441, %gt3A_640 : i32
      %convert_element_type3A_642 = arith.extui %gt3A_641 : i1 to i32
      %cond3A_643 = arith.constant 0 : i32
      %cond3A_644 = arith.cmpi ne, %convert_element_type3A_642, %cond3A_643 : i32
      scf.if %cond3A_644 {
        %multiple_of3A = tpu.assume_multiple %reduce_max3A_217, 8 : i32
        %dma_wait3A = arith.constant 20480 : i32
        %dma_wait3A_682 = tpu.memref_slice %arg10[%dma_wait3A] : memref<32768xi32, #tpu.memory_space<vmem>> -> memref<2048xi32, #tpu.memory_space<vmem>>
        %dma_wait3A_683 = tpu.memref_slice %arg3[%multiple_of3A] : memref<1000000xi32, #tpu.memory_space<hbm>> -> memref<2048xi32, #tpu.memory_space<hbm>>
        %dma_wait3A_684 = arith.constant 20480 : i32
        %dma_wait3A_685 = tpu.memref_slice %arg10[%dma_wait3A_684] : memref<32768xi32, #tpu.memory_space<vmem>> -> memref<2048xi32, #tpu.memory_space<vmem>>
        %dma_wait3A_686 = tpu.memref_slice %arg3[%multiple_of3A] : memref<1000000xi32, #tpu.memory_space<hbm>> -> memref<2048xi32, #tpu.memory_space<hbm>>
        tpu.wait_dma2 semaphore(%arg13 : memref<!tpu.dma_semaphore, #tpu.memory_space<semaphore_mem>>) src(%dma_wait3A_686 : memref<2048xi32, #tpu.memory_space<hbm>>) dst(%dma_wait3A_685 : memref<2048xi32, #tpu.memory_space<vmem>>)
      } else {
      }
      %gt3A_645 = arith.constant 0 : i32
      %gt3A_646 = arith.cmpi sgt, %reduce_max3A_455, %gt3A_645 : i32
      %convert_element_type3A_647 = arith.extui %gt3A_646 : i1 to i32
      %cond3A_648 = arith.constant 0 : i32
      %cond3A_649 = arith.cmpi ne, %convert_element_type3A_647, %cond3A_648 : i32
      scf.if %cond3A_649 {
        %multiple_of3A = tpu.assume_multiple %reduce_max3A_231, 8 : i32
        %dma_wait3A = arith.constant 22528 : i32
        %dma_wait3A_682 = tpu.memref_slice %arg10[%dma_wait3A] : memref<32768xi32, #tpu.memory_space<vmem>> -> memref<2048xi32, #tpu.memory_space<vmem>>
        %dma_wait3A_683 = tpu.memref_slice %arg3[%multiple_of3A] : memref<1000000xi32, #tpu.memory_space<hbm>> -> memref<2048xi32, #tpu.memory_space<hbm>>
        %dma_wait3A_684 = arith.constant 22528 : i32
        %dma_wait3A_685 = tpu.memref_slice %arg10[%dma_wait3A_684] : memref<32768xi32, #tpu.memory_space<vmem>> -> memref<2048xi32, #tpu.memory_space<vmem>>
        %dma_wait3A_686 = tpu.memref_slice %arg3[%multiple_of3A] : memref<1000000xi32, #tpu.memory_space<hbm>> -> memref<2048xi32, #tpu.memory_space<hbm>>
        tpu.wait_dma2 semaphore(%arg13 : memref<!tpu.dma_semaphore, #tpu.memory_space<semaphore_mem>>) src(%dma_wait3A_686 : memref<2048xi32, #tpu.memory_space<hbm>>) dst(%dma_wait3A_685 : memref<2048xi32, #tpu.memory_space<vmem>>)
      } else {
      }
      %gt3A_650 = arith.constant 0 : i32
      %gt3A_651 = arith.cmpi sgt, %reduce_max3A_469, %gt3A_650 : i32
      %convert_element_type3A_652 = arith.extui %gt3A_651 : i1 to i32
      %cond3A_653 = arith.constant 0 : i32
      %cond3A_654 = arith.cmpi ne, %convert_element_type3A_652, %cond3A_653 : i32
      scf.if %cond3A_654 {
        %multiple_of3A = tpu.assume_multiple %reduce_max3A_245, 8 : i32
        %dma_wait3A = arith.constant 24576 : i32
        %dma_wait3A_682 = tpu.memref_slice %arg10[%dma_wait3A] : memref<32768xi32, #tpu.memory_space<vmem>> -> memref<2048xi32, #tpu.memory_space<vmem>>
        %dma_wait3A_683 = tpu.memref_slice %arg3[%multiple_of3A] : memref<1000000xi32, #tpu.memory_space<hbm>> -> memref<2048xi32, #tpu.memory_space<hbm>>
        %dma_wait3A_684 = arith.constant 24576 : i32
        %dma_wait3A_685 = tpu.memref_slice %arg10[%dma_wait3A_684] : memref<32768xi32, #tpu.memory_space<vmem>> -> memref<2048xi32, #tpu.memory_space<vmem>>
        %dma_wait3A_686 = tpu.memref_slice %arg3[%multiple_of3A] : memref<1000000xi32, #tpu.memory_space<hbm>> -> memref<2048xi32, #tpu.memory_space<hbm>>
        tpu.wait_dma2 semaphore(%arg13 : memref<!tpu.dma_semaphore, #tpu.memory_space<semaphore_mem>>) src(%dma_wait3A_686 : memref<2048xi32, #tpu.memory_space<hbm>>) dst(%dma_wait3A_685 : memref<2048xi32, #tpu.memory_space<vmem>>)
      } else {
      }
      %gt3A_655 = arith.constant 0 : i32
      %gt3A_656 = arith.cmpi sgt, %reduce_max3A_483, %gt3A_655 : i32
      %convert_element_type3A_657 = arith.extui %gt3A_656 : i1 to i32
      %cond3A_658 = arith.constant 0 : i32
      %cond3A_659 = arith.cmpi ne, %convert_element_type3A_657, %cond3A_658 : i32
      scf.if %cond3A_659 {
        %multiple_of3A = tpu.assume_multiple %reduce_max3A_259, 8 : i32
        %dma_wait3A = arith.constant 26624 : i32
        %dma_wait3A_682 = tpu.memref_slice %arg10[%dma_wait3A] : memref<32768xi32, #tpu.memory_space<vmem>> -> memref<2048xi32, #tpu.memory_space<vmem>>
        %dma_wait3A_683 = tpu.memref_slice %arg3[%multiple_of3A] : memref<1000000xi32, #tpu.memory_space<hbm>> -> memref<2048xi32, #tpu.memory_space<hbm>>
        %dma_wait3A_684 = arith.constant 26624 : i32
        %dma_wait3A_685 = tpu.memref_slice %arg10[%dma_wait3A_684] : memref<32768xi32, #tpu.memory_space<vmem>> -> memref<2048xi32, #tpu.memory_space<vmem>>
        %dma_wait3A_686 = tpu.memref_slice %arg3[%multiple_of3A] : memref<1000000xi32, #tpu.memory_space<hbm>> -> memref<2048xi32, #tpu.memory_space<hbm>>
        tpu.wait_dma2 semaphore(%arg13 : memref<!tpu.dma_semaphore, #tpu.memory_space<semaphore_mem>>) src(%dma_wait3A_686 : memref<2048xi32, #tpu.memory_space<hbm>>) dst(%dma_wait3A_685 : memref<2048xi32, #tpu.memory_space<vmem>>)
      } else {
      }
      %gt3A_660 = arith.constant 0 : i32
      %gt3A_661 = arith.cmpi sgt, %reduce_max3A_497, %gt3A_660 : i32
      %convert_element_type3A_662 = arith.extui %gt3A_661 : i1 to i32
      %cond3A_663 = arith.constant 0 : i32
      %cond3A_664 = arith.cmpi ne, %convert_element_type3A_662, %cond3A_663 : i32
      scf.if %cond3A_664 {
        %multiple_of3A = tpu.assume_multiple %reduce_max3A_273, 8 : i32
        %dma_wait3A = arith.constant 28672 : i32
        %dma_wait3A_682 = tpu.memref_slice %arg10[%dma_wait3A] : memref<32768xi32, #tpu.memory_space<vmem>> -> memref<2048xi32, #tpu.memory_space<vmem>>
        %dma_wait3A_683 = tpu.memref_slice %arg3[%multiple_of3A] : memref<1000000xi32, #tpu.memory_space<hbm>> -> memref<2048xi32, #tpu.memory_space<hbm>>
        %dma_wait3A_684 = arith.constant 28672 : i32
        %dma_wait3A_685 = tpu.memref_slice %arg10[%dma_wait3A_684] : memref<32768xi32, #tpu.memory_space<vmem>> -> memref<2048xi32, #tpu.memory_space<vmem>>
        %dma_wait3A_686 = tpu.memref_slice %arg3[%multiple_of3A] : memref<1000000xi32, #tpu.memory_space<hbm>> -> memref<2048xi32, #tpu.memory_space<hbm>>
        tpu.wait_dma2 semaphore(%arg13 : memref<!tpu.dma_semaphore, #tpu.memory_space<semaphore_mem>>) src(%dma_wait3A_686 : memref<2048xi32, #tpu.memory_space<hbm>>) dst(%dma_wait3A_685 : memref<2048xi32, #tpu.memory_space<vmem>>)
      } else {
      }
      %gt3A_665 = arith.constant 0 : i32
      %gt3A_666 = arith.cmpi sgt, %reduce_max3A_511, %gt3A_665 : i32
      %convert_element_type3A_667 = arith.extui %gt3A_666 : i1 to i32
      %cond3A_668 = arith.constant 0 : i32
      %cond3A_669 = arith.cmpi ne, %convert_element_type3A_667, %cond3A_668 : i32
      scf.if %cond3A_669 {
        %multiple_of3A = tpu.assume_multiple %reduce_max3A_287, 8 : i32
        %dma_wait3A = arith.constant 30720 : i32
        %dma_wait3A_682 = tpu.memref_slice %arg10[%dma_wait3A] : memref<32768xi32, #tpu.memory_space<vmem>> -> memref<2048xi32, #tpu.memory_space<vmem>>
        %dma_wait3A_683 = tpu.memref_slice %arg3[%multiple_of3A] : memref<1000000xi32, #tpu.memory_space<hbm>> -> memref<2048xi32, #tpu.memory_space<hbm>>
        %dma_wait3A_684 = arith.constant 30720 : i32
        %dma_wait3A_685 = tpu.memref_slice %arg10[%dma_wait3A_684] : memref<32768xi32, #tpu.memory_space<vmem>> -> memref<2048xi32, #tpu.memory_space<vmem>>
        %dma_wait3A_686 = tpu.memref_slice %arg3[%multiple_of3A] : memref<1000000xi32, #tpu.memory_space<hbm>> -> memref<2048xi32, #tpu.memory_space<hbm>>
        tpu.wait_dma2 semaphore(%arg13 : memref<!tpu.dma_semaphore, #tpu.memory_space<semaphore_mem>>) src(%dma_wait3A_686 : memref<2048xi32, #tpu.memory_space<hbm>>) dst(%dma_wait3A_685 : memref<2048xi32, #tpu.memory_space<vmem>>)
      } else {
      }
      %while3A_670 = arith.constant 0 : i32
      %while3A_671 = arith.constant 1024 : i32
      %while3A_672 = arith.subi %while3A_671, %while3A_670 : i32
      %while3A_673 = arith.addi %while3A_670, %while3A_672 : i32
      %while3A_674 = arith.constant 1 : i32
      %while3A_675 = arith.divsi %while3A_672, %while3A_674 : i32
      %while3A_676 = arith.muli %while3A_675, %while3A_674 : i32
      %while3A_677 = arith.addi %while3A_670, %while3A_676 : i32
      %while3A_678 = arith.constant 1 : i32
      %while3A_679:2 = scf.for %while3A_682 = %while3A_670 to %while3A_677 step %while3A_678 iter_args(%while3A_683 = %while3A_61, %while3A_684 = %while3A_62) -> (vector<16xi32>, vector<16xi32>)  : i32 {
        %sub3A_685 = arith.subi %while3A_683, %min3A_67 : vector<16xi32>
        %lt3A_686 = arith.constant 2048 : i32
        %lt3A_687 = vector.broadcast %lt3A_686 : i32 to vector<16xi32>
        %lt3A_688 = arith.cmpi slt, %sub3A_685, %lt3A_687 : vector<16xi32>
        %mul3A_689 = arith.constant 2048 : i32
        %mul3A_690 = vector.broadcast %mul3A_689 : i32 to vector<16xi32>
        %mul3A_691 = arith.muli %iota3A, %mul3A_690 : vector<16xi32>
        %min3A_692 = arith.constant 2047 : i32
        %min3A_693 = vector.broadcast %min3A_692 : i32 to vector<16xi32>
        %min3A_694 = arith.minsi %sub3A_685, %min3A_693 : vector<16xi32>
        %add3A_695 = arith.addi %mul3A_691, %min3A_694 : vector<16xi32>
        %gather3A_696 = tpu.vector_load_idx %arg10[%add3A_695] : memref<32768xi32, #tpu.memory_space<vmem>>[vector<16xi32>], vector<16xi32>,
        %ge3A = arith.constant 1000000 : i32
        %ge3A_697 = vector.broadcast %ge3A : i32 to vector<16xi32>
        %ge3A_698 = arith.cmpi sge, %while3A_683, %ge3A_697 : vector<16xi32>
        %jit3A_699 = arith.constant 2147483647 : i32
        %broadcast_in_dim3A_700 = vector.broadcast %jit3A_699 : i32 to vector<16xi32>
        %select_n3A_701 = arith.select %ge3A_698, %broadcast_in_dim3A_700, %gather3A_696 : vector<16xi1>, vector<16xi32>
        %min3A_702 = arith.constant 32767 : i32
        %min3A_703 = vector.broadcast %min3A_702 : i32 to vector<16xi32>
        %min3A_704 = arith.minsi %while3A_684, %min3A_703 : vector<16xi32>
        %gather3A_705 = tpu.vector_load_idx %arg7[%min3A_704] : memref<32768xi32, #tpu.memory_space<vmem>>[vector<16xi32>], vector<16xi32>,
        %lt3A_706 = arith.cmpi slt, %while3A_684, %mul3A_37 : vector<16xi32>
        %eq3A_707 = arith.constant 2147483647 : i32
        %eq3A_708 = vector.broadcast %eq3A_707 : i32 to vector<16xi32>
        %eq3A_709 = arith.cmpi eq, %gather3A_705, %eq3A_708 : vector<16xi32>
        %add3A_710 = arith.addi %while3A_683, %while3A_684 : vector<16xi32>
        %and3A_711 = arith.constant 1 : i32
        %and3A_712 = vector.broadcast %and3A_711 : i32 to vector<16xi32>
        %and3A_713 = arith.andi %add3A_710, %and3A_712 : vector<16xi32>
        %eq3A_714 = arith.constant 0 : i32
        %eq3A_715 = vector.broadcast %eq3A_714 : i32 to vector<16xi32>
        %eq3A_716 = arith.cmpi eq, %and3A_713, %eq3A_715 : vector<16xi32>
        %add3A_717 = arith.addi %select_n3A_701, %gather3A_705 : vector<16xi32>
        %lt3A_718 = arith.constant -2000000000 : i32
        %lt3A_719 = vector.broadcast %lt3A_718 : i32 to vector<16xi32>
        %lt3A_720 = arith.cmpi slt, %add3A_717, %lt3A_719 : vector<16xi32>
        %or3A = arith.ori %eq3A_716, %lt3A_720 : vector<16xi1>
        %and3A_721 = arith.andi %lt3A_706, %or3A : vector<16xi1>
        %and3A_722 = arith.andi %and3A_721, %lt3A_688 : vector<16xi1>
        %not3A = arith.constant dense<true> : vector<16xi1>
        %not3A_723 = arith.xori %ge3A_698, %not3A : vector<16xi1>
        %and3A_724 = arith.andi %and3A_722, %not3A_723 : vector<16xi1>
        %not3A_725 = arith.constant dense<true> : vector<16xi1>
        %not3A_726 = arith.xori %eq3A_709, %not3A_725 : vector<16xi1>
        %and3A_727 = arith.andi %and3A_724, %not3A_726 : vector<16xi1>
        %not3A_728 = arith.constant dense<true> : vector<16xi1>
        %not3A_729 = arith.xori %and3A_727, %not3A_728 : vector<16xi1>
        %and3A_730 = arith.andi %lt3A_706, %not3A_729 : vector<16xi1>
        %eq3A_731 = arith.cmpi eq, %select_n3A_701, %gather3A_705 : vector<16xi32>
        %not3A_732 = arith.constant dense<true> : vector<16xi1>
        %not3A_733 = arith.xori %eq3A_709, %not3A_732 : vector<16xi1>
        %and3A_734 = arith.andi %eq3A_731, %not3A_733 : vector<16xi1>
        %jit3A_735 = arith.constant 1000000 : i32
        %broadcast_in_dim3A_736 = vector.broadcast %jit3A_735 : i32 to vector<16xi32>
        %select_n3A_737 = arith.select %and3A_734, %while3A_683, %broadcast_in_dim3A_736 : vector<16xi1>, vector<16xi32>
        %jit3A_738 = arith.constant 0 : i32
        %broadcast_in_dim3A_739 = vector.broadcast %jit3A_738 : i32 to vector<16xi32>
        %select_n3A_740 = arith.select %and3A_730, %while3A_684, %broadcast_in_dim3A_739 : vector<16xi1>, vector<16xi32>
        tpu.vector_store_idx %arg8[%select_n3A_740], %select_n3A_737 masked %and3A_730 : memref<32768xi32, #tpu.memory_space<vmem>>[vector<16xi32>], vector<16xi32>, vector<16xi1>
        %convert_element_type3A_741 = arith.extui %and3A_727 : vector<16xi1> to vector<16xi32>
        %add3A_742 = arith.addi %while3A_683, %convert_element_type3A_741 : vector<16xi32>
        %convert_element_type3A_743 = arith.extui %and3A_730 : vector<16xi1> to vector<16xi32>
        %add3A_744 = arith.addi %while3A_684, %convert_element_type3A_743 : vector<16xi32>
        scf.yield %add3A_742, %add3A_744 : vector<16xi32>, vector<16xi32>
      }
      %while3A_680 = arith.constant 1 : i32
      %while3A_681:2 = scf.for %while3A_682 = %while3A_677 to %while3A_673 step %while3A_680 iter_args(%while3A_683 = %while3A_679#0, %while3A_684 = %while3A_679#1) -> (vector<16xi32>, vector<16xi32>)  : i32 {
        %sub3A_685 = arith.subi %while3A_683, %min3A_67 : vector<16xi32>
        %lt3A_686 = arith.constant 2048 : i32
        %lt3A_687 = vector.broadcast %lt3A_686 : i32 to vector<16xi32>
        %lt3A_688 = arith.cmpi slt, %sub3A_685, %lt3A_687 : vector<16xi32>
        %mul3A_689 = arith.constant 2048 : i32
        %mul3A_690 = vector.broadcast %mul3A_689 : i32 to vector<16xi32>
        %mul3A_691 = arith.muli %iota3A, %mul3A_690 : vector<16xi32>
        %min3A_692 = arith.constant 2047 : i32
        %min3A_693 = vector.broadcast %min3A_692 : i32 to vector<16xi32>
        %min3A_694 = arith.minsi %sub3A_685, %min3A_693 : vector<16xi32>
        %add3A_695 = arith.addi %mul3A_691, %min3A_694 : vector<16xi32>
        %gather3A_696 = tpu.vector_load_idx %arg10[%add3A_695] : memref<32768xi32, #tpu.memory_space<vmem>>[vector<16xi32>], vector<16xi32>,
        %ge3A = arith.constant 1000000 : i32
        %ge3A_697 = vector.broadcast %ge3A : i32 to vector<16xi32>
        %ge3A_698 = arith.cmpi sge, %while3A_683, %ge3A_697 : vector<16xi32>
        %jit3A_699 = arith.constant 2147483647 : i32
        %broadcast_in_dim3A_700 = vector.broadcast %jit3A_699 : i32 to vector<16xi32>
        %select_n3A_701 = arith.select %ge3A_698, %broadcast_in_dim3A_700, %gather3A_696 : vector<16xi1>, vector<16xi32>
        %min3A_702 = arith.constant 32767 : i32
        %min3A_703 = vector.broadcast %min3A_702 : i32 to vector<16xi32>
        %min3A_704 = arith.minsi %while3A_684, %min3A_703 : vector<16xi32>
        %gather3A_705 = tpu.vector_load_idx %arg7[%min3A_704] : memref<32768xi32, #tpu.memory_space<vmem>>[vector<16xi32>], vector<16xi32>,
        %lt3A_706 = arith.cmpi slt, %while3A_684, %mul3A_37 : vector<16xi32>
        %eq3A_707 = arith.constant 2147483647 : i32
        %eq3A_708 = vector.broadcast %eq3A_707 : i32 to vector<16xi32>
        %eq3A_709 = arith.cmpi eq, %gather3A_705, %eq3A_708 : vector<16xi32>
        %add3A_710 = arith.addi %while3A_683, %while3A_684 : vector<16xi32>
        %and3A_711 = arith.constant 1 : i32
        %and3A_712 = vector.broadcast %and3A_711 : i32 to vector<16xi32>
        %and3A_713 = arith.andi %add3A_710, %and3A_712 : vector<16xi32>
        %eq3A_714 = arith.constant 0 : i32
        %eq3A_715 = vector.broadcast %eq3A_714 : i32 to vector<16xi32>
        %eq3A_716 = arith.cmpi eq, %and3A_713, %eq3A_715 : vector<16xi32>
        %add3A_717 = arith.addi %select_n3A_701, %gather3A_705 : vector<16xi32>
        %lt3A_718 = arith.constant -2000000000 : i32
        %lt3A_719 = vector.broadcast %lt3A_718 : i32 to vector<16xi32>
        %lt3A_720 = arith.cmpi slt, %add3A_717, %lt3A_719 : vector<16xi32>
        %or3A = arith.ori %eq3A_716, %lt3A_720 : vector<16xi1>
        %and3A_721 = arith.andi %lt3A_706, %or3A : vector<16xi1>
        %and3A_722 = arith.andi %and3A_721, %lt3A_688 : vector<16xi1>
        %not3A = arith.constant dense<true> : vector<16xi1>
        %not3A_723 = arith.xori %ge3A_698, %not3A : vector<16xi1>
        %and3A_724 = arith.andi %and3A_722, %not3A_723 : vector<16xi1>
        %not3A_725 = arith.constant dense<true> : vector<16xi1>
        %not3A_726 = arith.xori %eq3A_709, %not3A_725 : vector<16xi1>
        %and3A_727 = arith.andi %and3A_724, %not3A_726 : vector<16xi1>
        %not3A_728 = arith.constant dense<true> : vector<16xi1>
        %not3A_729 = arith.xori %and3A_727, %not3A_728 : vector<16xi1>
        %and3A_730 = arith.andi %lt3A_706, %not3A_729 : vector<16xi1>
        %eq3A_731 = arith.cmpi eq, %select_n3A_701, %gather3A_705 : vector<16xi32>
        %not3A_732 = arith.constant dense<true> : vector<16xi1>
        %not3A_733 = arith.xori %eq3A_709, %not3A_732 : vector<16xi1>
        %and3A_734 = arith.andi %eq3A_731, %not3A_733 : vector<16xi1>
        %jit3A_735 = arith.constant 1000000 : i32
        %broadcast_in_dim3A_736 = vector.broadcast %jit3A_735 : i32 to vector<16xi32>
        %select_n3A_737 = arith.select %and3A_734, %while3A_683, %broadcast_in_dim3A_736 : vector<16xi1>, vector<16xi32>
        %jit3A_738 = arith.constant 0 : i32
        %broadcast_in_dim3A_739 = vector.broadcast %jit3A_738 : i32 to vector<16xi32>
        %select_n3A_740 = arith.select %and3A_730, %while3A_684, %broadcast_in_dim3A_739 : vector<16xi1>, vector<16xi32>
        tpu.vector_store_idx %arg8[%select_n3A_740], %select_n3A_737 masked %and3A_730 : memref<32768xi32, #tpu.memory_space<vmem>>[vector<16xi32>], vector<16xi32>, vector<16xi1>
        %convert_element_type3A_741 = arith.extui %and3A_727 : vector<16xi1> to vector<16xi32>
        %add3A_742 = arith.addi %while3A_683, %convert_element_type3A_741 : vector<16xi32>
        %convert_element_type3A_743 = arith.extui %and3A_730 : vector<16xi1> to vector<16xi32>
        %add3A_744 = arith.addi %while3A_684, %convert_element_type3A_743 : vector<16xi32>
        scf.yield %add3A_742, %add3A_744 : vector<16xi32>, vector<16xi32>
      }
      scf.yield %while3A_681#0, %while3A_681#1 : vector<16xi32>, vector<16xi32>
    }
    %while3A_39 = arith.constant 0 : i32
    %while3A_40 = arith.constant 0 : i32
    %while3A_41 = arith.constant 2048 : i32
    %while3A_42 = arith.subi %while3A_41, %while3A_40 : i32
    %while3A_43 = arith.addi %while3A_40, %while3A_42 : i32
    %while3A_44 = arith.constant 1 : i32
    %while3A_45 = arith.divsi %while3A_42, %while3A_44 : i32
    %while3A_46 = arith.muli %while3A_45, %while3A_44 : i32
    %while3A_47 = arith.addi %while3A_40, %while3A_46 : i32
    %while3A_48 = arith.constant 1 : i32
    scf.for %while3A_61 = %while3A_40 to %while3A_47 step %while3A_48  : i32 {
      %iota3A_62 = tpu.iota {dimensions = array<i32: 0>} : vector<16xi32>
      %mul3A_63 = arith.constant 16 : i32
      %mul3A_64 = arith.muli %while3A_61, %mul3A_63 : i32
      %add3A_65 = vector.broadcast %mul3A_64 : i32 to vector<16xi32>
      %add3A_66 = arith.addi %add3A_65, %iota3A_62 : vector<16xi32>
      %and3A = arith.constant 524287 : i32
      %and3A_67 = vector.broadcast %and3A : i32 to vector<16xi32>
      %and3A_68 = arith.andi %add3A_66, %and3A_67 : vector<16xi32>
      %mul3A_69 = arith.constant 16 : i32
      %mul3A_70 = arith.muli %while3A_61, %mul3A_69 : i32
      %swap3A = arith.index_cast %mul3A_70 : i32 to index
      %swap3A_71 = tpu.vector_load %arg8[%swap3A] {strides = array<i32>} : memref<32768xi32, #tpu.memory_space<vmem>>, vector<16xi32>,
      tpu.vector_store %arg8[%swap3A], %and3A_68 {strides = array<i32>} : memref<32768xi32, #tpu.memory_space<vmem>>, vector<16xi32>,
    }
    %while3A_49 = arith.constant 1 : i32
    scf.for %while3A_61 = %while3A_47 to %while3A_43 step %while3A_49  : i32 {
      %iota3A_62 = tpu.iota {dimensions = array<i32: 0>} : vector<16xi32>
      %mul3A_63 = arith.constant 16 : i32
      %mul3A_64 = arith.muli %while3A_61, %mul3A_63 : i32
      %add3A_65 = vector.broadcast %mul3A_64 : i32 to vector<16xi32>
      %add3A_66 = arith.addi %add3A_65, %iota3A_62 : vector<16xi32>
      %and3A = arith.constant 524287 : i32
      %and3A_67 = vector.broadcast %and3A : i32 to vector<16xi32>
      %and3A_68 = arith.andi %add3A_66, %and3A_67 : vector<16xi32>
      %mul3A_69 = arith.constant 16 : i32
      %mul3A_70 = arith.muli %while3A_61, %mul3A_69 : i32
      %swap3A = arith.index_cast %mul3A_70 : i32 to index
      %swap3A_71 = tpu.vector_load %arg8[%swap3A] {strides = array<i32>} : memref<32768xi32, #tpu.memory_space<vmem>>, vector<16xi32>,
      tpu.vector_store %arg8[%swap3A], %and3A_68 {strides = array<i32>} : memref<32768xi32, #tpu.memory_space<vmem>>, vector<16xi32>,
    }
    %while3A_50 = arith.constant 0 : i32
    %while3A_51 = arith.constant 0 : i32
    %while3A_52 = arith.constant 32 : i32
    %while3A_53 = arith.subi %while3A_52, %while3A_51 : i32
    %while3A_54 = arith.addi %while3A_51, %while3A_53 : i32
    %while3A_55 = arith.constant 1 : i32
    %while3A_56 = arith.divsi %while3A_53, %while3A_55 : i32
    %while3A_57 = arith.muli %while3A_56, %while3A_55 : i32
    %while3A_58 = arith.addi %while3A_51, %while3A_57 : i32
    %while3A_59 = arith.constant 1 : i32
    scf.for %while3A_61 = %while3A_51 to %while3A_58 step %while3A_59  : i32 {
      %mul3A_62 = arith.constant 8 : i32
      %mul3A_63 = arith.muli %while3A_61, %mul3A_62 : i32
      %add3A_64 = arith.constant 0 : i32
      %add3A_65 = arith.addi %mul3A_63, %add3A_64 : i32
      %mul3A_66 = arith.constant 128 : i32
      %mul3A_67 = arith.muli %add3A_65, %mul3A_66 : i32
      %dma_start3A = arith.constant 0 : i32
      %dma_start3A_68 = arith.constant 0 : i32
      %dma_start3A_69 = tpu.memref_slice %arg11[%dma_start3A, %dma_start3A_68] : memref<1024x16xf32, #tpu.memory_space<vmem>> -> memref<128x16xf32, #tpu.memory_space<vmem>>
      %dma_start3A_70 = tpu.memref_slice %arg8[%mul3A_67] : memref<32768xi32, #tpu.memory_space<vmem>> -> memref<128xi32, #tpu.memory_space<vmem>>
      %dma_start3A_71 = arith.constant 0 : i32
      %dma_start3A_72 = arith.constant 0 : i32
      %dma_start3A_73 = tpu.memref_slice %arg5[%dma_start3A_71, %dma_start3A_72] : memref<1000008x16xf32, #tpu.memory_space<hbm>> -> memref<1000008x16xf32, #tpu.memory_space<hbm>>
      tpu.enqueue_indirect_dma source(%dma_start3A_73 : memref<1000008x16xf32, #tpu.memory_space<hbm>>) target(%dma_start3A_69 : memref<128x16xf32, #tpu.memory_space<vmem>>) offsets(%dma_start3A_70 : memref<128xi32, #tpu.memory_space<vmem>>) semaphore(%arg12 : memref<!tpu.dma_semaphore, #tpu.memory_space<semaphore_mem>>)
      %add3A_74 = arith.constant 1 : i32
      %add3A_75 = arith.addi %mul3A_63, %add3A_74 : i32
      %mul3A_76 = arith.constant 128 : i32
      %mul3A_77 = arith.muli %add3A_75, %mul3A_76 : i32
      %dma_start3A_78 = arith.constant 128 : i32
      %dma_start3A_79 = arith.constant 0 : i32
      %dma_start3A_80 = tpu.memref_slice %arg11[%dma_start3A_78, %dma_start3A_79] : memref<1024x16xf32, #tpu.memory_space<vmem>> -> memref<128x16xf32, #tpu.memory_space<vmem>>
      %dma_start3A_81 = tpu.memref_slice %arg8[%mul3A_77] : memref<32768xi32, #tpu.memory_space<vmem>> -> memref<128xi32, #tpu.memory_space<vmem>>
      %dma_start3A_82 = arith.constant 0 : i32
      %dma_start3A_83 = arith.constant 0 : i32
      %dma_start3A_84 = tpu.memref_slice %arg5[%dma_start3A_82, %dma_start3A_83] : memref<1000008x16xf32, #tpu.memory_space<hbm>> -> memref<1000008x16xf32, #tpu.memory_space<hbm>>
      tpu.enqueue_indirect_dma source(%dma_start3A_84 : memref<1000008x16xf32, #tpu.memory_space<hbm>>) target(%dma_start3A_80 : memref<128x16xf32, #tpu.memory_space<vmem>>) offsets(%dma_start3A_81 : memref<128xi32, #tpu.memory_space<vmem>>) semaphore(%arg12 : memref<!tpu.dma_semaphore, #tpu.memory_space<semaphore_mem>>)
      %add3A_85 = arith.constant 2 : i32
      %add3A_86 = arith.addi %mul3A_63, %add3A_85 : i32
      %mul3A_87 = arith.constant 128 : i32
      %mul3A_88 = arith.muli %add3A_86, %mul3A_87 : i32
      %dma_start3A_89 = arith.constant 256 : i32
      %dma_start3A_90 = arith.constant 0 : i32
      %dma_start3A_91 = tpu.memref_slice %arg11[%dma_start3A_89, %dma_start3A_90] : memref<1024x16xf32, #tpu.memory_space<vmem>> -> memref<128x16xf32, #tpu.memory_space<vmem>>
      %dma_start3A_92 = tpu.memref_slice %arg8[%mul3A_88] : memref<32768xi32, #tpu.memory_space<vmem>> -> memref<128xi32, #tpu.memory_space<vmem>>
      %dma_start3A_93 = arith.constant 0 : i32
      %dma_start3A_94 = arith.constant 0 : i32
      %dma_start3A_95 = tpu.memref_slice %arg5[%dma_start3A_93, %dma_start3A_94] : memref<1000008x16xf32, #tpu.memory_space<hbm>> -> memref<1000008x16xf32, #tpu.memory_space<hbm>>
      tpu.enqueue_indirect_dma source(%dma_start3A_95 : memref<1000008x16xf32, #tpu.memory_space<hbm>>) target(%dma_start3A_91 : memref<128x16xf32, #tpu.memory_space<vmem>>) offsets(%dma_start3A_92 : memref<128xi32, #tpu.memory_space<vmem>>) semaphore(%arg12 : memref<!tpu.dma_semaphore, #tpu.memory_space<semaphore_mem>>)
      %add3A_96 = arith.constant 3 : i32
      %add3A_97 = arith.addi %mul3A_63, %add3A_96 : i32
      %mul3A_98 = arith.constant 128 : i32
      %mul3A_99 = arith.muli %add3A_97, %mul3A_98 : i32
      %dma_start3A_100 = arith.constant 384 : i32
      %dma_start3A_101 = arith.constant 0 : i32
      %dma_start3A_102 = tpu.memref_slice %arg11[%dma_start3A_100, %dma_start3A_101] : memref<1024x16xf32, #tpu.memory_space<vmem>> -> memref<128x16xf32, #tpu.memory_space<vmem>>
      %dma_start3A_103 = tpu.memref_slice %arg8[%mul3A_99] : memref<32768xi32, #tpu.memory_space<vmem>> -> memref<128xi32, #tpu.memory_space<vmem>>
      %dma_start3A_104 = arith.constant 0 : i32
      %dma_start3A_105 = arith.constant 0 : i32
      %dma_start3A_106 = tpu.memref_slice %arg5[%dma_start3A_104, %dma_start3A_105] : memref<1000008x16xf32, #tpu.memory_space<hbm>> -> memref<1000008x16xf32, #tpu.memory_space<hbm>>
      tpu.enqueue_indirect_dma source(%dma_start3A_106 : memref<1000008x16xf32, #tpu.memory_space<hbm>>) target(%dma_start3A_102 : memref<128x16xf32, #tpu.memory_space<vmem>>) offsets(%dma_start3A_103 : memref<128xi32, #tpu.memory_space<vmem>>) semaphore(%arg12 : memref<!tpu.dma_semaphore, #tpu.memory_space<semaphore_mem>>)
      %add3A_107 = arith.constant 4 : i32
      %add3A_108 = arith.addi %mul3A_63, %add3A_107 : i32
      %mul3A_109 = arith.constant 128 : i32
      %mul3A_110 = arith.muli %add3A_108, %mul3A_109 : i32
      %dma_start3A_111 = arith.constant 512 : i32
      %dma_start3A_112 = arith.constant 0 : i32
      %dma_start3A_113 = tpu.memref_slice %arg11[%dma_start3A_111, %dma_start3A_112] : memref<1024x16xf32, #tpu.memory_space<vmem>> -> memref<128x16xf32, #tpu.memory_space<vmem>>
      %dma_start3A_114 = tpu.memref_slice %arg8[%mul3A_110] : memref<32768xi32, #tpu.memory_space<vmem>> -> memref<128xi32, #tpu.memory_space<vmem>>
      %dma_start3A_115 = arith.constant 0 : i32
      %dma_start3A_116 = arith.constant 0 : i32
      %dma_start3A_117 = tpu.memref_slice %arg5[%dma_start3A_115, %dma_start3A_116] : memref<1000008x16xf32, #tpu.memory_space<hbm>> -> memref<1000008x16xf32, #tpu.memory_space<hbm>>
      tpu.enqueue_indirect_dma source(%dma_start3A_117 : memref<1000008x16xf32, #tpu.memory_space<hbm>>) target(%dma_start3A_113 : memref<128x16xf32, #tpu.memory_space<vmem>>) offsets(%dma_start3A_114 : memref<128xi32, #tpu.memory_space<vmem>>) semaphore(%arg12 : memref<!tpu.dma_semaphore, #tpu.memory_space<semaphore_mem>>)
      %add3A_118 = arith.constant 5 : i32
      %add3A_119 = arith.addi %mul3A_63, %add3A_118 : i32
      %mul3A_120 = arith.constant 128 : i32
      %mul3A_121 = arith.muli %add3A_119, %mul3A_120 : i32
      %dma_start3A_122 = arith.constant 640 : i32
      %dma_start3A_123 = arith.constant 0 : i32
      %dma_start3A_124 = tpu.memref_slice %arg11[%dma_start3A_122, %dma_start3A_123] : memref<1024x16xf32, #tpu.memory_space<vmem>> -> memref<128x16xf32, #tpu.memory_space<vmem>>
      %dma_start3A_125 = tpu.memref_slice %arg8[%mul3A_121] : memref<32768xi32, #tpu.memory_space<vmem>> -> memref<128xi32, #tpu.memory_space<vmem>>
      %dma_start3A_126 = arith.constant 0 : i32
      %dma_start3A_127 = arith.constant 0 : i32
      %dma_start3A_128 = tpu.memref_slice %arg5[%dma_start3A_126, %dma_start3A_127] : memref<1000008x16xf32, #tpu.memory_space<hbm>> -> memref<1000008x16xf32, #tpu.memory_space<hbm>>
      tpu.enqueue_indirect_dma source(%dma_start3A_128 : memref<1000008x16xf32, #tpu.memory_space<hbm>>) target(%dma_start3A_124 : memref<128x16xf32, #tpu.memory_space<vmem>>) offsets(%dma_start3A_125 : memref<128xi32, #tpu.memory_space<vmem>>) semaphore(%arg12 : memref<!tpu.dma_semaphore, #tpu.memory_space<semaphore_mem>>)
      %add3A_129 = arith.constant 6 : i32
      %add3A_130 = arith.addi %mul3A_63, %add3A_129 : i32
      %mul3A_131 = arith.constant 128 : i32
      %mul3A_132 = arith.muli %add3A_130, %mul3A_131 : i32
      %dma_start3A_133 = arith.constant 768 : i32
      %dma_start3A_134 = arith.constant 0 : i32
      %dma_start3A_135 = tpu.memref_slice %arg11[%dma_start3A_133, %dma_start3A_134] : memref<1024x16xf32, #tpu.memory_space<vmem>> -> memref<128x16xf32, #tpu.memory_space<vmem>>
      %dma_start3A_136 = tpu.memref_slice %arg8[%mul3A_132] : memref<32768xi32, #tpu.memory_space<vmem>> -> memref<128xi32, #tpu.memory_space<vmem>>
      %dma_start3A_137 = arith.constant 0 : i32
      %dma_start3A_138 = arith.constant 0 : i32
      %dma_start3A_139 = tpu.memref_slice %arg5[%dma_start3A_137, %dma_start3A_138] : memref<1000008x16xf32, #tpu.memory_space<hbm>> -> memref<1000008x16xf32, #tpu.memory_space<hbm>>
      tpu.enqueue_indirect_dma source(%dma_start3A_139 : memref<1000008x16xf32, #tpu.memory_space<hbm>>) target(%dma_start3A_135 : memref<128x16xf32, #tpu.memory_space<vmem>>) offsets(%dma_start3A_136 : memref<128xi32, #tpu.memory_space<vmem>>) semaphore(%arg12 : memref<!tpu.dma_semaphore, #tpu.memory_space<semaphore_mem>>)
      %add3A_140 = arith.constant 7 : i32
      %add3A_141 = arith.addi %mul3A_63, %add3A_140 : i32
      %mul3A_142 = arith.constant 128 : i32
      %mul3A_143 = arith.muli %add3A_141, %mul3A_142 : i32
      %dma_start3A_144 = arith.constant 896 : i32
      %dma_start3A_145 = arith.constant 0 : i32
      %dma_start3A_146 = tpu.memref_slice %arg11[%dma_start3A_144, %dma_start3A_145] : memref<1024x16xf32, #tpu.memory_space<vmem>> -> memref<128x16xf32, #tpu.memory_space<vmem>>
      %dma_start3A_147 = tpu.memref_slice %arg8[%mul3A_143] : memref<32768xi32, #tpu.memory_space<vmem>> -> memref<128xi32, #tpu.memory_space<vmem>>
      %dma_start3A_148 = arith.constant 0 : i32
      %dma_start3A_149 = arith.constant 0 : i32
      %dma_start3A_150 = tpu.memref_slice %arg5[%dma_start3A_148, %dma_start3A_149] : memref<1000008x16xf32, #tpu.memory_space<hbm>> -> memref<1000008x16xf32, #tpu.memory_space<hbm>>
      tpu.enqueue_indirect_dma source(%dma_start3A_150 : memref<1000008x16xf32, #tpu.memory_space<hbm>>) target(%dma_start3A_146 : memref<128x16xf32, #tpu.memory_space<vmem>>) offsets(%dma_start3A_147 : memref<128xi32, #tpu.memory_space<vmem>>) semaphore(%arg12 : memref<!tpu.dma_semaphore, #tpu.memory_space<semaphore_mem>>)
      %dma_wait3A = arith.constant 0 : i32
      %dma_wait3A_151 = arith.constant 0 : i32
      %dma_wait3A_152 = tpu.memref_slice %arg11[%dma_wait3A, %dma_wait3A_151] : memref<1024x16xf32, #tpu.memory_space<vmem>> -> memref<128x16xf32, #tpu.memory_space<vmem>>
      %dma_wait3A_153 = tpu.memref_slice %arg8[%mul3A_67] : memref<32768xi32, #tpu.memory_space<vmem>> -> memref<128xi32, #tpu.memory_space<vmem>>
      %dma_wait3A_154 = arith.constant 0 : i32
      %dma_wait3A_155 = arith.constant 0 : i32
      %dma_wait3A_156 = tpu.memref_slice %arg5[%dma_wait3A_154, %dma_wait3A_155] : memref<1000008x16xf32, #tpu.memory_space<hbm>> -> memref<1000008x16xf32, #tpu.memory_space<hbm>>
      tpu.wait_indirect_dma semaphore(%arg12 : memref<!tpu.dma_semaphore, #tpu.memory_space<semaphore_mem>>) src(%dma_wait3A_156 : memref<1000008x16xf32, #tpu.memory_space<hbm>>) dst(%dma_wait3A_152 : memref<128x16xf32, #tpu.memory_space<vmem>>)
      %dma_wait3A_157 = arith.constant 128 : i32
      %dma_wait3A_158 = arith.constant 0 : i32
      %dma_wait3A_159 = tpu.memref_slice %arg11[%dma_wait3A_157, %dma_wait3A_158] : memref<1024x16xf32, #tpu.memory_space<vmem>> -> memref<128x16xf32, #tpu.memory_space<vmem>>
      %dma_wait3A_160 = tpu.memref_slice %arg8[%mul3A_77] : memref<32768xi32, #tpu.memory_space<vmem>> -> memref<128xi32, #tpu.memory_space<vmem>>
      %dma_wait3A_161 = arith.constant 0 : i32
      %dma_wait3A_162 = arith.constant 0 : i32
      %dma_wait3A_163 = tpu.memref_slice %arg5[%dma_wait3A_161, %dma_wait3A_162] : memref<1000008x16xf32, #tpu.memory_space<hbm>> -> memref<1000008x16xf32, #tpu.memory_space<hbm>>
      tpu.wait_indirect_dma semaphore(%arg12 : memref<!tpu.dma_semaphore, #tpu.memory_space<semaphore_mem>>) src(%dma_wait3A_163 : memref<1000008x16xf32, #tpu.memory_space<hbm>>) dst(%dma_wait3A_159 : memref<128x16xf32, #tpu.memory_space<vmem>>)
      %dma_wait3A_164 = arith.constant 256 : i32
      %dma_wait3A_165 = arith.constant 0 : i32
      %dma_wait3A_166 = tpu.memref_slice %arg11[%dma_wait3A_164, %dma_wait3A_165] : memref<1024x16xf32, #tpu.memory_space<vmem>> -> memref<128x16xf32, #tpu.memory_space<vmem>>
      %dma_wait3A_167 = tpu.memref_slice %arg8[%mul3A_88] : memref<32768xi32, #tpu.memory_space<vmem>> -> memref<128xi32, #tpu.memory_space<vmem>>
      %dma_wait3A_168 = arith.constant 0 : i32
      %dma_wait3A_169 = arith.constant 0 : i32
      %dma_wait3A_170 = tpu.memref_slice %arg5[%dma_wait3A_168, %dma_wait3A_169] : memref<1000008x16xf32, #tpu.memory_space<hbm>> -> memref<1000008x16xf32, #tpu.memory_space<hbm>>
      tpu.wait_indirect_dma semaphore(%arg12 : memref<!tpu.dma_semaphore, #tpu.memory_space<semaphore_mem>>) src(%dma_wait3A_170 : memref<1000008x16xf32, #tpu.memory_space<hbm>>) dst(%dma_wait3A_166 : memref<128x16xf32, #tpu.memory_space<vmem>>)
      %dma_wait3A_171 = arith.constant 384 : i32
      %dma_wait3A_172 = arith.constant 0 : i32
      %dma_wait3A_173 = tpu.memref_slice %arg11[%dma_wait3A_171, %dma_wait3A_172] : memref<1024x16xf32, #tpu.memory_space<vmem>> -> memref<128x16xf32, #tpu.memory_space<vmem>>
      %dma_wait3A_174 = tpu.memref_slice %arg8[%mul3A_99] : memref<32768xi32, #tpu.memory_space<vmem>> -> memref<128xi32, #tpu.memory_space<vmem>>
      %dma_wait3A_175 = arith.constant 0 : i32
      %dma_wait3A_176 = arith.constant 0 : i32
      %dma_wait3A_177 = tpu.memref_slice %arg5[%dma_wait3A_175, %dma_wait3A_176] : memref<1000008x16xf32, #tpu.memory_space<hbm>> -> memref<1000008x16xf32, #tpu.memory_space<hbm>>
      tpu.wait_indirect_dma semaphore(%arg12 : memref<!tpu.dma_semaphore, #tpu.memory_space<semaphore_mem>>) src(%dma_wait3A_177 : memref<1000008x16xf32, #tpu.memory_space<hbm>>) dst(%dma_wait3A_173 : memref<128x16xf32, #tpu.memory_space<vmem>>)
      %dma_wait3A_178 = arith.constant 512 : i32
      %dma_wait3A_179 = arith.constant 0 : i32
      %dma_wait3A_180 = tpu.memref_slice %arg11[%dma_wait3A_178, %dma_wait3A_179] : memref<1024x16xf32, #tpu.memory_space<vmem>> -> memref<128x16xf32, #tpu.memory_space<vmem>>
      %dma_wait3A_181 = tpu.memref_slice %arg8[%mul3A_110] : memref<32768xi32, #tpu.memory_space<vmem>> -> memref<128xi32, #tpu.memory_space<vmem>>
      %dma_wait3A_182 = arith.constant 0 : i32
      %dma_wait3A_183 = arith.constant 0 : i32
      %dma_wait3A_184 = tpu.memref_slice %arg5[%dma_wait3A_182, %dma_wait3A_183] : memref<1000008x16xf32, #tpu.memory_space<hbm>> -> memref<1000008x16xf32, #tpu.memory_space<hbm>>
      tpu.wait_indirect_dma semaphore(%arg12 : memref<!tpu.dma_semaphore, #tpu.memory_space<semaphore_mem>>) src(%dma_wait3A_184 : memref<1000008x16xf32, #tpu.memory_space<hbm>>) dst(%dma_wait3A_180 : memref<128x16xf32, #tpu.memory_space<vmem>>)
      %dma_wait3A_185 = arith.constant 640 : i32
      %dma_wait3A_186 = arith.constant 0 : i32
      %dma_wait3A_187 = tpu.memref_slice %arg11[%dma_wait3A_185, %dma_wait3A_186] : memref<1024x16xf32, #tpu.memory_space<vmem>> -> memref<128x16xf32, #tpu.memory_space<vmem>>
      %dma_wait3A_188 = tpu.memref_slice %arg8[%mul3A_121] : memref<32768xi32, #tpu.memory_space<vmem>> -> memref<128xi32, #tpu.memory_space<vmem>>
      %dma_wait3A_189 = arith.constant 0 : i32
      %dma_wait3A_190 = arith.constant 0 : i32
      %dma_wait3A_191 = tpu.memref_slice %arg5[%dma_wait3A_189, %dma_wait3A_190] : memref<1000008x16xf32, #tpu.memory_space<hbm>> -> memref<1000008x16xf32, #tpu.memory_space<hbm>>
      tpu.wait_indirect_dma semaphore(%arg12 : memref<!tpu.dma_semaphore, #tpu.memory_space<semaphore_mem>>) src(%dma_wait3A_191 : memref<1000008x16xf32, #tpu.memory_space<hbm>>) dst(%dma_wait3A_187 : memref<128x16xf32, #tpu.memory_space<vmem>>)
      %dma_wait3A_192 = arith.constant 768 : i32
      %dma_wait3A_193 = arith.constant 0 : i32
      %dma_wait3A_194 = tpu.memref_slice %arg11[%dma_wait3A_192, %dma_wait3A_193] : memref<1024x16xf32, #tpu.memory_space<vmem>> -> memref<128x16xf32, #tpu.memory_space<vmem>>
      %dma_wait3A_195 = tpu.memref_slice %arg8[%mul3A_132] : memref<32768xi32, #tpu.memory_space<vmem>> -> memref<128xi32, #tpu.memory_space<vmem>>
      %dma_wait3A_196 = arith.constant 0 : i32
      %dma_wait3A_197 = arith.constant 0 : i32
      %dma_wait3A_198 = tpu.memref_slice %arg5[%dma_wait3A_196, %dma_wait3A_197] : memref<1000008x16xf32, #tpu.memory_space<hbm>> -> memref<1000008x16xf32, #tpu.memory_space<hbm>>
      tpu.wait_indirect_dma semaphore(%arg12 : memref<!tpu.dma_semaphore, #tpu.memory_space<semaphore_mem>>) src(%dma_wait3A_198 : memref<1000008x16xf32, #tpu.memory_space<hbm>>) dst(%dma_wait3A_194 : memref<128x16xf32, #tpu.memory_space<vmem>>)
      %dma_wait3A_199 = arith.constant 896 : i32
      %dma_wait3A_200 = arith.constant 0 : i32
      %dma_wait3A_201 = tpu.memref_slice %arg11[%dma_wait3A_199, %dma_wait3A_200] : memref<1024x16xf32, #tpu.memory_space<vmem>> -> memref<128x16xf32, #tpu.memory_space<vmem>>
      %dma_wait3A_202 = tpu.memref_slice %arg8[%mul3A_143] : memref<32768xi32, #tpu.memory_space<vmem>> -> memref<128xi32, #tpu.memory_space<vmem>>
      %dma_wait3A_203 = arith.constant 0 : i32
      %dma_wait3A_204 = arith.constant 0 : i32
      %dma_wait3A_205 = tpu.memref_slice %arg5[%dma_wait3A_203, %dma_wait3A_204] : memref<1000008x16xf32, #tpu.memory_space<hbm>> -> memref<1000008x16xf32, #tpu.memory_space<hbm>>
      tpu.wait_indirect_dma semaphore(%arg12 : memref<!tpu.dma_semaphore, #tpu.memory_space<semaphore_mem>>) src(%dma_wait3A_205 : memref<1000008x16xf32, #tpu.memory_space<hbm>>) dst(%dma_wait3A_201 : memref<128x16xf32, #tpu.memory_space<vmem>>)
      %mul3A_206 = arith.constant 128 : i32
      %mul3A_207 = arith.muli %mul3A_63, %mul3A_206 : i32
      %add3A_208 = arith.addi %mul3A_2, %mul3A_207 : i32
      "tpu.region"() ({
        %run_scoped3A = tpu.sem_alloc : memref<!tpu.dma_semaphore, #tpu.memory_space<semaphore_mem>>
        %dma_start3A_209 = arith.constant 0 : i32
        %dma_start3A_210 = tpu.memref_slice %arg6[%add3A_208, %dma_start3A_209] : memref<1048576x16xf32, #tpu.memory_space<hbm>> -> memref<1024x16xf32, #tpu.memory_space<hbm>>
        %dma_start3A_211 = arith.constant 0 : i32
        %dma_start3A_212 = tpu.memref_slice %arg6[%add3A_208, %dma_start3A_211] : memref<1048576x16xf32, #tpu.memory_space<hbm>> -> memref<1024x16xf32, #tpu.memory_space<hbm>>
        tpu.enqueue_dma source(%arg11 : memref<1024x16xf32, #tpu.memory_space<vmem>>) target(%dma_start3A_212 : memref<1024x16xf32, #tpu.memory_space<hbm>>) target_semaphore(%run_scoped3A : memref<!tpu.dma_semaphore, #tpu.memory_space<semaphore_mem>>)
        %dma_wait3A_213 = arith.constant 0 : i32
        %dma_wait3A_214 = tpu.memref_slice %arg6[%add3A_208, %dma_wait3A_213] : memref<1048576x16xf32, #tpu.memory_space<hbm>> -> memref<1024x16xf32, #tpu.memory_space<hbm>>
        %dma_wait3A_215 = arith.constant 0 : i32
        %dma_wait3A_216 = tpu.memref_slice %arg6[%add3A_208, %dma_wait3A_215] : memref<1048576x16xf32, #tpu.memory_space<hbm>> -> memref<1024x16xf32, #tpu.memory_space<hbm>>
        tpu.wait_dma2 semaphore(%run_scoped3A : memref<!tpu.dma_semaphore, #tpu.memory_space<semaphore_mem>>) src(%arg11 : memref<1024x16xf32, #tpu.memory_space<vmem>>) dst(%dma_wait3A_216 : memref<1024x16xf32, #tpu.memory_space<hbm>>)
        tpu.yield
      }) : () -> ()
    }
    %while3A_60 = arith.constant 1 : i32
    scf.for %while3A_61 = %while3A_58 to %while3A_54 step %while3A_60  : i32 {
      %mul3A_62 = arith.constant 8 : i32
      %mul3A_63 = arith.muli %while3A_61, %mul3A_62 : i32
      %add3A_64 = arith.constant 0 : i32
      %add3A_65 = arith.addi %mul3A_63, %add3A_64 : i32
      %mul3A_66 = arith.constant 128 : i32
      %mul3A_67 = arith.muli %add3A_65, %mul3A_66 : i32
      %dma_start3A = arith.constant 0 : i32
      %dma_start3A_68 = arith.constant 0 : i32
      %dma_start3A_69 = tpu.memref_slice %arg11[%dma_start3A, %dma_start3A_68] : memref<1024x16xf32, #tpu.memory_space<vmem>> -> memref<128x16xf32, #tpu.memory_space<vmem>>
      %dma_start3A_70 = tpu.memref_slice %arg8[%mul3A_67] : memref<32768xi32, #tpu.memory_space<vmem>> -> memref<128xi32, #tpu.memory_space<vmem>>
      %dma_start3A_71 = arith.constant 0 : i32
      %dma_start3A_72 = arith.constant 0 : i32
      %dma_start3A_73 = tpu.memref_slice %arg5[%dma_start3A_71, %dma_start3A_72] : memref<1000008x16xf32, #tpu.memory_space<hbm>> -> memref<1000008x16xf32, #tpu.memory_space<hbm>>
      tpu.enqueue_indirect_dma source(%dma_start3A_73 : memref<1000008x16xf32, #tpu.memory_space<hbm>>) target(%dma_start3A_69 : memref<128x16xf32, #tpu.memory_space<vmem>>) offsets(%dma_start3A_70 : memref<128xi32, #tpu.memory_space<vmem>>) semaphore(%arg12 : memref<!tpu.dma_semaphore, #tpu.memory_space<semaphore_mem>>)
      %add3A_74 = arith.constant 1 : i32
      %add3A_75 = arith.addi %mul3A_63, %add3A_74 : i32
      %mul3A_76 = arith.constant 128 : i32
      %mul3A_77 = arith.muli %add3A_75, %mul3A_76 : i32
      %dma_start3A_78 = arith.constant 128 : i32
      %dma_start3A_79 = arith.constant 0 : i32
      %dma_start3A_80 = tpu.memref_slice %arg11[%dma_start3A_78, %dma_start3A_79] : memref<1024x16xf32, #tpu.memory_space<vmem>> -> memref<128x16xf32, #tpu.memory_space<vmem>>
      %dma_start3A_81 = tpu.memref_slice %arg8[%mul3A_77] : memref<32768xi32, #tpu.memory_space<vmem>> -> memref<128xi32, #tpu.memory_space<vmem>>
      %dma_start3A_82 = arith.constant 0 : i32
      %dma_start3A_83 = arith.constant 0 : i32
      %dma_start3A_84 = tpu.memref_slice %arg5[%dma_start3A_82, %dma_start3A_83] : memref<1000008x16xf32, #tpu.memory_space<hbm>> -> memref<1000008x16xf32, #tpu.memory_space<hbm>>
      tpu.enqueue_indirect_dma source(%dma_start3A_84 : memref<1000008x16xf32, #tpu.memory_space<hbm>>) target(%dma_start3A_80 : memref<128x16xf32, #tpu.memory_space<vmem>>) offsets(%dma_start3A_81 : memref<128xi32, #tpu.memory_space<vmem>>) semaphore(%arg12 : memref<!tpu.dma_semaphore, #tpu.memory_space<semaphore_mem>>)
      %add3A_85 = arith.constant 2 : i32
      %add3A_86 = arith.addi %mul3A_63, %add3A_85 : i32
      %mul3A_87 = arith.constant 128 : i32
      %mul3A_88 = arith.muli %add3A_86, %mul3A_87 : i32
      %dma_start3A_89 = arith.constant 256 : i32
      %dma_start3A_90 = arith.constant 0 : i32
      %dma_start3A_91 = tpu.memref_slice %arg11[%dma_start3A_89, %dma_start3A_90] : memref<1024x16xf32, #tpu.memory_space<vmem>> -> memref<128x16xf32, #tpu.memory_space<vmem>>
      %dma_start3A_92 = tpu.memref_slice %arg8[%mul3A_88] : memref<32768xi32, #tpu.memory_space<vmem>> -> memref<128xi32, #tpu.memory_space<vmem>>
      %dma_start3A_93 = arith.constant 0 : i32
      %dma_start3A_94 = arith.constant 0 : i32
      %dma_start3A_95 = tpu.memref_slice %arg5[%dma_start3A_93, %dma_start3A_94] : memref<1000008x16xf32, #tpu.memory_space<hbm>> -> memref<1000008x16xf32, #tpu.memory_space<hbm>>
      tpu.enqueue_indirect_dma source(%dma_start3A_95 : memref<1000008x16xf32, #tpu.memory_space<hbm>>) target(%dma_start3A_91 : memref<128x16xf32, #tpu.memory_space<vmem>>) offsets(%dma_start3A_92 : memref<128xi32, #tpu.memory_space<vmem>>) semaphore(%arg12 : memref<!tpu.dma_semaphore, #tpu.memory_space<semaphore_mem>>)
      %add3A_96 = arith.constant 3 : i32
      %add3A_97 = arith.addi %mul3A_63, %add3A_96 : i32
      %mul3A_98 = arith.constant 128 : i32
      %mul3A_99 = arith.muli %add3A_97, %mul3A_98 : i32
      %dma_start3A_100 = arith.constant 384 : i32
      %dma_start3A_101 = arith.constant 0 : i32
      %dma_start3A_102 = tpu.memref_slice %arg11[%dma_start3A_100, %dma_start3A_101] : memref<1024x16xf32, #tpu.memory_space<vmem>> -> memref<128x16xf32, #tpu.memory_space<vmem>>
      %dma_start3A_103 = tpu.memref_slice %arg8[%mul3A_99] : memref<32768xi32, #tpu.memory_space<vmem>> -> memref<128xi32, #tpu.memory_space<vmem>>
      %dma_start3A_104 = arith.constant 0 : i32
      %dma_start3A_105 = arith.constant 0 : i32
      %dma_start3A_106 = tpu.memref_slice %arg5[%dma_start3A_104, %dma_start3A_105] : memref<1000008x16xf32, #tpu.memory_space<hbm>> -> memref<1000008x16xf32, #tpu.memory_space<hbm>>
      tpu.enqueue_indirect_dma source(%dma_start3A_106 : memref<1000008x16xf32, #tpu.memory_space<hbm>>) target(%dma_start3A_102 : memref<128x16xf32, #tpu.memory_space<vmem>>) offsets(%dma_start3A_103 : memref<128xi32, #tpu.memory_space<vmem>>) semaphore(%arg12 : memref<!tpu.dma_semaphore, #tpu.memory_space<semaphore_mem>>)
      %add3A_107 = arith.constant 4 : i32
      %add3A_108 = arith.addi %mul3A_63, %add3A_107 : i32
      %mul3A_109 = arith.constant 128 : i32
      %mul3A_110 = arith.muli %add3A_108, %mul3A_109 : i32
      %dma_start3A_111 = arith.constant 512 : i32
      %dma_start3A_112 = arith.constant 0 : i32
      %dma_start3A_113 = tpu.memref_slice %arg11[%dma_start3A_111, %dma_start3A_112] : memref<1024x16xf32, #tpu.memory_space<vmem>> -> memref<128x16xf32, #tpu.memory_space<vmem>>
      %dma_start3A_114 = tpu.memref_slice %arg8[%mul3A_110] : memref<32768xi32, #tpu.memory_space<vmem>> -> memref<128xi32, #tpu.memory_space<vmem>>
      %dma_start3A_115 = arith.constant 0 : i32
      %dma_start3A_116 = arith.constant 0 : i32
      %dma_start3A_117 = tpu.memref_slice %arg5[%dma_start3A_115, %dma_start3A_116] : memref<1000008x16xf32, #tpu.memory_space<hbm>> -> memref<1000008x16xf32, #tpu.memory_space<hbm>>
      tpu.enqueue_indirect_dma source(%dma_start3A_117 : memref<1000008x16xf32, #tpu.memory_space<hbm>>) target(%dma_start3A_113 : memref<128x16xf32, #tpu.memory_space<vmem>>) offsets(%dma_start3A_114 : memref<128xi32, #tpu.memory_space<vmem>>) semaphore(%arg12 : memref<!tpu.dma_semaphore, #tpu.memory_space<semaphore_mem>>)
      %add3A_118 = arith.constant 5 : i32
      %add3A_119 = arith.addi %mul3A_63, %add3A_118 : i32
      %mul3A_120 = arith.constant 128 : i32
      %mul3A_121 = arith.muli %add3A_119, %mul3A_120 : i32
      %dma_start3A_122 = arith.constant 640 : i32
      %dma_start3A_123 = arith.constant 0 : i32
      %dma_start3A_124 = tpu.memref_slice %arg11[%dma_start3A_122, %dma_start3A_123] : memref<1024x16xf32, #tpu.memory_space<vmem>> -> memref<128x16xf32, #tpu.memory_space<vmem>>
      %dma_start3A_125 = tpu.memref_slice %arg8[%mul3A_121] : memref<32768xi32, #tpu.memory_space<vmem>> -> memref<128xi32, #tpu.memory_space<vmem>>
      %dma_start3A_126 = arith.constant 0 : i32
      %dma_start3A_127 = arith.constant 0 : i32
      %dma_start3A_128 = tpu.memref_slice %arg5[%dma_start3A_126, %dma_start3A_127] : memref<1000008x16xf32, #tpu.memory_space<hbm>> -> memref<1000008x16xf32, #tpu.memory_space<hbm>>
      tpu.enqueue_indirect_dma source(%dma_start3A_128 : memref<1000008x16xf32, #tpu.memory_space<hbm>>) target(%dma_start3A_124 : memref<128x16xf32, #tpu.memory_space<vmem>>) offsets(%dma_start3A_125 : memref<128xi32, #tpu.memory_space<vmem>>) semaphore(%arg12 : memref<!tpu.dma_semaphore, #tpu.memory_space<semaphore_mem>>)
      %add3A_129 = arith.constant 6 : i32
      %add3A_130 = arith.addi %mul3A_63, %add3A_129 : i32
      %mul3A_131 = arith.constant 128 : i32
      %mul3A_132 = arith.muli %add3A_130, %mul3A_131 : i32
      %dma_start3A_133 = arith.constant 768 : i32
      %dma_start3A_134 = arith.constant 0 : i32
      %dma_start3A_135 = tpu.memref_slice %arg11[%dma_start3A_133, %dma_start3A_134] : memref<1024x16xf32, #tpu.memory_space<vmem>> -> memref<128x16xf32, #tpu.memory_space<vmem>>
      %dma_start3A_136 = tpu.memref_slice %arg8[%mul3A_132] : memref<32768xi32, #tpu.memory_space<vmem>> -> memref<128xi32, #tpu.memory_space<vmem>>
      %dma_start3A_137 = arith.constant 0 : i32
      %dma_start3A_138 = arith.constant 0 : i32
      %dma_start3A_139 = tpu.memref_slice %arg5[%dma_start3A_137, %dma_start3A_138] : memref<1000008x16xf32, #tpu.memory_space<hbm>> -> memref<1000008x16xf32, #tpu.memory_space<hbm>>
      tpu.enqueue_indirect_dma source(%dma_start3A_139 : memref<1000008x16xf32, #tpu.memory_space<hbm>>) target(%dma_start3A_135 : memref<128x16xf32, #tpu.memory_space<vmem>>) offsets(%dma_start3A_136 : memref<128xi32, #tpu.memory_space<vmem>>) semaphore(%arg12 : memref<!tpu.dma_semaphore, #tpu.memory_space<semaphore_mem>>)
      %add3A_140 = arith.constant 7 : i32
      %add3A_141 = arith.addi %mul3A_63, %add3A_140 : i32
      %mul3A_142 = arith.constant 128 : i32
      %mul3A_143 = arith.muli %add3A_141, %mul3A_142 : i32
      %dma_start3A_144 = arith.constant 896 : i32
      %dma_start3A_145 = arith.constant 0 : i32
      %dma_start3A_146 = tpu.memref_slice %arg11[%dma_start3A_144, %dma_start3A_145] : memref<1024x16xf32, #tpu.memory_space<vmem>> -> memref<128x16xf32, #tpu.memory_space<vmem>>
      %dma_start3A_147 = tpu.memref_slice %arg8[%mul3A_143] : memref<32768xi32, #tpu.memory_space<vmem>> -> memref<128xi32, #tpu.memory_space<vmem>>
      %dma_start3A_148 = arith.constant 0 : i32
      %dma_start3A_149 = arith.constant 0 : i32
      %dma_start3A_150 = tpu.memref_slice %arg5[%dma_start3A_148, %dma_start3A_149] : memref<1000008x16xf32, #tpu.memory_space<hbm>> -> memref<1000008x16xf32, #tpu.memory_space<hbm>>
      tpu.enqueue_indirect_dma source(%dma_start3A_150 : memref<1000008x16xf32, #tpu.memory_space<hbm>>) target(%dma_start3A_146 : memref<128x16xf32, #tpu.memory_space<vmem>>) offsets(%dma_start3A_147 : memref<128xi32, #tpu.memory_space<vmem>>) semaphore(%arg12 : memref<!tpu.dma_semaphore, #tpu.memory_space<semaphore_mem>>)
      %dma_wait3A = arith.constant 0 : i32
      %dma_wait3A_151 = arith.constant 0 : i32
      %dma_wait3A_152 = tpu.memref_slice %arg11[%dma_wait3A, %dma_wait3A_151] : memref<1024x16xf32, #tpu.memory_space<vmem>> -> memref<128x16xf32, #tpu.memory_space<vmem>>
      %dma_wait3A_153 = tpu.memref_slice %arg8[%mul3A_67] : memref<32768xi32, #tpu.memory_space<vmem>> -> memref<128xi32, #tpu.memory_space<vmem>>
      %dma_wait3A_154 = arith.constant 0 : i32
      %dma_wait3A_155 = arith.constant 0 : i32
      %dma_wait3A_156 = tpu.memref_slice %arg5[%dma_wait3A_154, %dma_wait3A_155] : memref<1000008x16xf32, #tpu.memory_space<hbm>> -> memref<1000008x16xf32, #tpu.memory_space<hbm>>
      tpu.wait_indirect_dma semaphore(%arg12 : memref<!tpu.dma_semaphore, #tpu.memory_space<semaphore_mem>>) src(%dma_wait3A_156 : memref<1000008x16xf32, #tpu.memory_space<hbm>>) dst(%dma_wait3A_152 : memref<128x16xf32, #tpu.memory_space<vmem>>)
      %dma_wait3A_157 = arith.constant 128 : i32
      %dma_wait3A_158 = arith.constant 0 : i32
      %dma_wait3A_159 = tpu.memref_slice %arg11[%dma_wait3A_157, %dma_wait3A_158] : memref<1024x16xf32, #tpu.memory_space<vmem>> -> memref<128x16xf32, #tpu.memory_space<vmem>>
      %dma_wait3A_160 = tpu.memref_slice %arg8[%mul3A_77] : memref<32768xi32, #tpu.memory_space<vmem>> -> memref<128xi32, #tpu.memory_space<vmem>>
      %dma_wait3A_161 = arith.constant 0 : i32
      %dma_wait3A_162 = arith.constant 0 : i32
      %dma_wait3A_163 = tpu.memref_slice %arg5[%dma_wait3A_161, %dma_wait3A_162] : memref<1000008x16xf32, #tpu.memory_space<hbm>> -> memref<1000008x16xf32, #tpu.memory_space<hbm>>
      tpu.wait_indirect_dma semaphore(%arg12 : memref<!tpu.dma_semaphore, #tpu.memory_space<semaphore_mem>>) src(%dma_wait3A_163 : memref<1000008x16xf32, #tpu.memory_space<hbm>>) dst(%dma_wait3A_159 : memref<128x16xf32, #tpu.memory_space<vmem>>)
      %dma_wait3A_164 = arith.constant 256 : i32
      %dma_wait3A_165 = arith.constant 0 : i32
      %dma_wait3A_166 = tpu.memref_slice %arg11[%dma_wait3A_164, %dma_wait3A_165] : memref<1024x16xf32, #tpu.memory_space<vmem>> -> memref<128x16xf32, #tpu.memory_space<vmem>>
      %dma_wait3A_167 = tpu.memref_slice %arg8[%mul3A_88] : memref<32768xi32, #tpu.memory_space<vmem>> -> memref<128xi32, #tpu.memory_space<vmem>>
      %dma_wait3A_168 = arith.constant 0 : i32
      %dma_wait3A_169 = arith.constant 0 : i32
      %dma_wait3A_170 = tpu.memref_slice %arg5[%dma_wait3A_168, %dma_wait3A_169] : memref<1000008x16xf32, #tpu.memory_space<hbm>> -> memref<1000008x16xf32, #tpu.memory_space<hbm>>
      tpu.wait_indirect_dma semaphore(%arg12 : memref<!tpu.dma_semaphore, #tpu.memory_space<semaphore_mem>>) src(%dma_wait3A_170 : memref<1000008x16xf32, #tpu.memory_space<hbm>>) dst(%dma_wait3A_166 : memref<128x16xf32, #tpu.memory_space<vmem>>)
      %dma_wait3A_171 = arith.constant 384 : i32
      %dma_wait3A_172 = arith.constant 0 : i32
      %dma_wait3A_173 = tpu.memref_slice %arg11[%dma_wait3A_171, %dma_wait3A_172] : memref<1024x16xf32, #tpu.memory_space<vmem>> -> memref<128x16xf32, #tpu.memory_space<vmem>>
      %dma_wait3A_174 = tpu.memref_slice %arg8[%mul3A_99] : memref<32768xi32, #tpu.memory_space<vmem>> -> memref<128xi32, #tpu.memory_space<vmem>>
      %dma_wait3A_175 = arith.constant 0 : i32
      %dma_wait3A_176 = arith.constant 0 : i32
      %dma_wait3A_177 = tpu.memref_slice %arg5[%dma_wait3A_175, %dma_wait3A_176] : memref<1000008x16xf32, #tpu.memory_space<hbm>> -> memref<1000008x16xf32, #tpu.memory_space<hbm>>
      tpu.wait_indirect_dma semaphore(%arg12 : memref<!tpu.dma_semaphore, #tpu.memory_space<semaphore_mem>>) src(%dma_wait3A_177 : memref<1000008x16xf32, #tpu.memory_space<hbm>>) dst(%dma_wait3A_173 : memref<128x16xf32, #tpu.memory_space<vmem>>)
      %dma_wait3A_178 = arith.constant 512 : i32
      %dma_wait3A_179 = arith.constant 0 : i32
      %dma_wait3A_180 = tpu.memref_slice %arg11[%dma_wait3A_178, %dma_wait3A_179] : memref<1024x16xf32, #tpu.memory_space<vmem>> -> memref<128x16xf32, #tpu.memory_space<vmem>>
      %dma_wait3A_181 = tpu.memref_slice %arg8[%mul3A_110] : memref<32768xi32, #tpu.memory_space<vmem>> -> memref<128xi32, #tpu.memory_space<vmem>>
      %dma_wait3A_182 = arith.constant 0 : i32
      %dma_wait3A_183 = arith.constant 0 : i32
      %dma_wait3A_184 = tpu.memref_slice %arg5[%dma_wait3A_182, %dma_wait3A_183] : memref<1000008x16xf32, #tpu.memory_space<hbm>> -> memref<1000008x16xf32, #tpu.memory_space<hbm>>
      tpu.wait_indirect_dma semaphore(%arg12 : memref<!tpu.dma_semaphore, #tpu.memory_space<semaphore_mem>>) src(%dma_wait3A_184 : memref<1000008x16xf32, #tpu.memory_space<hbm>>) dst(%dma_wait3A_180 : memref<128x16xf32, #tpu.memory_space<vmem>>)
      %dma_wait3A_185 = arith.constant 640 : i32
      %dma_wait3A_186 = arith.constant 0 : i32
      %dma_wait3A_187 = tpu.memref_slice %arg11[%dma_wait3A_185, %dma_wait3A_186] : memref<1024x16xf32, #tpu.memory_space<vmem>> -> memref<128x16xf32, #tpu.memory_space<vmem>>
      %dma_wait3A_188 = tpu.memref_slice %arg8[%mul3A_121] : memref<32768xi32, #tpu.memory_space<vmem>> -> memref<128xi32, #tpu.memory_space<vmem>>
      %dma_wait3A_189 = arith.constant 0 : i32
      %dma_wait3A_190 = arith.constant 0 : i32
      %dma_wait3A_191 = tpu.memref_slice %arg5[%dma_wait3A_189, %dma_wait3A_190] : memref<1000008x16xf32, #tpu.memory_space<hbm>> -> memref<1000008x16xf32, #tpu.memory_space<hbm>>
      tpu.wait_indirect_dma semaphore(%arg12 : memref<!tpu.dma_semaphore, #tpu.memory_space<semaphore_mem>>) src(%dma_wait3A_191 : memref<1000008x16xf32, #tpu.memory_space<hbm>>) dst(%dma_wait3A_187 : memref<128x16xf32, #tpu.memory_space<vmem>>)
      %dma_wait3A_192 = arith.constant 768 : i32
      %dma_wait3A_193 = arith.constant 0 : i32
      %dma_wait3A_194 = tpu.memref_slice %arg11[%dma_wait3A_192, %dma_wait3A_193] : memref<1024x16xf32, #tpu.memory_space<vmem>> -> memref<128x16xf32, #tpu.memory_space<vmem>>
      %dma_wait3A_195 = tpu.memref_slice %arg8[%mul3A_132] : memref<32768xi32, #tpu.memory_space<vmem>> -> memref<128xi32, #tpu.memory_space<vmem>>
      %dma_wait3A_196 = arith.constant 0 : i32
      %dma_wait3A_197 = arith.constant 0 : i32
      %dma_wait3A_198 = tpu.memref_slice %arg5[%dma_wait3A_196, %dma_wait3A_197] : memref<1000008x16xf32, #tpu.memory_space<hbm>> -> memref<1000008x16xf32, #tpu.memory_space<hbm>>
      tpu.wait_indirect_dma semaphore(%arg12 : memref<!tpu.dma_semaphore, #tpu.memory_space<semaphore_mem>>) src(%dma_wait3A_198 : memref<1000008x16xf32, #tpu.memory_space<hbm>>) dst(%dma_wait3A_194 : memref<128x16xf32, #tpu.memory_space<vmem>>)
      %dma_wait3A_199 = arith.constant 896 : i32
      %dma_wait3A_200 = arith.constant 0 : i32
      %dma_wait3A_201 = tpu.memref_slice %arg11[%dma_wait3A_199, %dma_wait3A_200] : memref<1024x16xf32, #tpu.memory_space<vmem>> -> memref<128x16xf32, #tpu.memory_space<vmem>>
      %dma_wait3A_202 = tpu.memref_slice %arg8[%mul3A_143] : memref<32768xi32, #tpu.memory_space<vmem>> -> memref<128xi32, #tpu.memory_space<vmem>>
      %dma_wait3A_203 = arith.constant 0 : i32
      %dma_wait3A_204 = arith.constant 0 : i32
      %dma_wait3A_205 = tpu.memref_slice %arg5[%dma_wait3A_203, %dma_wait3A_204] : memref<1000008x16xf32, #tpu.memory_space<hbm>> -> memref<1000008x16xf32, #tpu.memory_space<hbm>>
      tpu.wait_indirect_dma semaphore(%arg12 : memref<!tpu.dma_semaphore, #tpu.memory_space<semaphore_mem>>) src(%dma_wait3A_205 : memref<1000008x16xf32, #tpu.memory_space<hbm>>) dst(%dma_wait3A_201 : memref<128x16xf32, #tpu.memory_space<vmem>>)
      %mul3A_206 = arith.constant 128 : i32
      %mul3A_207 = arith.muli %mul3A_63, %mul3A_206 : i32
      %add3A_208 = arith.addi %mul3A_2, %mul3A_207 : i32
      "tpu.region"() ({
        %run_scoped3A = tpu.sem_alloc : memref<!tpu.dma_semaphore, #tpu.memory_space<semaphore_mem>>
        %dma_start3A_209 = arith.constant 0 : i32
        %dma_start3A_210 = tpu.memref_slice %arg6[%add3A_208, %dma_start3A_209] : memref<1048576x16xf32, #tpu.memory_space<hbm>> -> memref<1024x16xf32, #tpu.memory_space<hbm>>
        %dma_start3A_211 = arith.constant 0 : i32
        %dma_start3A_212 = tpu.memref_slice %arg6[%add3A_208, %dma_start3A_211] : memref<1048576x16xf32, #tpu.memory_space<hbm>> -> memref<1024x16xf32, #tpu.memory_space<hbm>>
        tpu.enqueue_dma source(%arg11 : memref<1024x16xf32, #tpu.memory_space<vmem>>) target(%dma_start3A_212 : memref<1024x16xf32, #tpu.memory_space<hbm>>) target_semaphore(%run_scoped3A : memref<!tpu.dma_semaphore, #tpu.memory_space<semaphore_mem>>)
        %dma_wait3A_213 = arith.constant 0 : i32
        %dma_wait3A_214 = tpu.memref_slice %arg6[%add3A_208, %dma_wait3A_213] : memref<1048576x16xf32, #tpu.memory_space<hbm>> -> memref<1024x16xf32, #tpu.memory_space<hbm>>
        %dma_wait3A_215 = arith.constant 0 : i32
        %dma_wait3A_216 = tpu.memref_slice %arg6[%add3A_208, %dma_wait3A_215] : memref<1048576x16xf32, #tpu.memory_space<hbm>> -> memref<1024x16xf32, #tpu.memory_space<hbm>>
        tpu.wait_dma2 semaphore(%run_scoped3A : memref<!tpu.dma_semaphore, #tpu.memory_space<semaphore_mem>>) src(%arg11 : memref<1024x16xf32, #tpu.memory_space<vmem>>) dst(%dma_wait3A_216 : memref<1024x16xf32, #tpu.memory_space<hbm>>)
        tpu.yield
      }) : () -> ()
    }
    return
  }
}

module attributes {stable_mosaic.version = 14 : i64} {
  func.func @_zt_pool_body(%arg0: i32, %arg1: memref<16x8192xf32, #tpu.memory_space<vmem>>, %arg2: memref<16x16xf32, #tpu.memory_space<vmem>>, %arg3: memref<8192x16xf32, #tpu.memory_space<vmem>>, %arg4: memref<16x1xf32, #tpu.memory_space<vmem>>, %arg5: memref<16x1xf32, #tpu.memory_space<vmem>>) attributes {dimension_semantics = [#tpu.dimension_semantics<arbitrary>], iteration_bounds = array<i64: 123>, scalar_prefetch = 0 : i64, scratch_operands = 1 : i64, tpu.core_type = #tpu.core_type<tc>, window_params = [{transform_indices = @transform_0, window_bounds = array<i64: 16, 8192>}, {transform_indices = @transform_1, window_bounds = array<i64: 16, 16>}, {transform_indices = @transform_2, window_bounds = array<i64: 8192, 16>}, {transform_indices = @transform_3, window_bounds = array<i64: 16, 1>}]} {
    %get3A = arith.constant 0 : index
    %get3A_0 = arith.constant 0 : index
    %get3A_1 = vector.load %arg1[%get3A, %get3A_0] : memref<16x8192xf32, #tpu.memory_space<vmem>>, vector<16x8192xf32>
    %eq3A = arith.constant 122 : i32
    %eq3A_2 = arith.cmpi eq, %arg0, %eq3A : i32
    %convert_element_type3A = arith.extui %eq3A_2 : i1 to i32
    %cond3A = arith.constant 0 : i32
    %cond3A_3 = arith.cmpi ne, %convert_element_type3A, %cond3A : i32
    %cond3A_4 = scf.if %cond3A_3 -> (vector<16x8192xf32>) {
      %mul3A = arith.constant 8192 : i32
      %mul3A_29 = arith.muli %arg0, %mul3A : i32
      %iota3A = tpu.iota {dimensions = array<i32: 1>} : vector<16x8192xi32>
      %add3A = vector.broadcast %mul3A_29 : i32 to vector<16x8192xi32>
      %add3A_30 = arith.addi %add3A, %iota3A : vector<16x8192xi32>
      %lt3A = arith.constant 1000000 : i32
      %lt3A_31 = vector.broadcast %lt3A : i32 to vector<16x8192xi32>
      %lt3A_32 = arith.cmpi slt, %add3A_30, %lt3A_31 : vector<16x8192xi32>
      %jit3A = arith.constant 0.000000e+00 : f64
      %convert_element_type3A_33 = arith.truncf %jit3A : f64 to f32
      %broadcast_in_dim3A_34 = vector.broadcast %convert_element_type3A_33 : f32 to vector<16x8192xf32>
      %select_n3A = arith.select %lt3A_32, %get3A_1, %broadcast_in_dim3A_34 : vector<16x8192xi1>, vector<16x8192xf32>
      scf.yield %select_n3A : vector<16x8192xf32>
    } else {
      scf.yield %get3A_1 : vector<16x8192xf32>
    }
    %get3A_5 = arith.constant 0 : index
    %get3A_6 = arith.constant 0 : index
    %get3A_7 = vector.load %arg2[%get3A_5, %get3A_6] : memref<16x16xf32, #tpu.memory_space<vmem>>, vector<16x16xf32>
    %dot_general3A = arith.constant dense<0.000000e+00> : vector<8192x16xf32>
    %dot_general3A_8 = tpu.matmul %cond3A_4, %get3A_7, %dot_general3A {dimension_numbers = #tpu.dot_dimension_numbers<[0], [0], [1], [1], [0, 1, 1, 1], [], []>, transpose_lhs_hint = false} : vector<16x8192xf32>, vector<16x16xf32>, vector<8192x16xf32> -> vector<8192x16xf32>
    %swap3A = arith.constant 0 : index
    %swap3A_9 = arith.constant 0 : index
    %swap3A_10 = vector.load %arg3[%swap3A, %swap3A_9] : memref<8192x16xf32, #tpu.memory_space<vmem>>, vector<8192x16xf32>
    tpu.vector_store %arg3[%swap3A, %swap3A_9], %dot_general3A_8 {strides = array<i32>} : memref<8192x16xf32, #tpu.memory_space<vmem>>, vector<8192x16xf32>,
    %broadcast_in_dim3A = arith.constant 1.000000e+00 : f32
    %broadcast_in_dim3A_11 = vector.broadcast %broadcast_in_dim3A : f32 to vector<8192x1xf32>
    %dot_general3A_12 = arith.constant dense<0.000000e+00> : vector<16x1xf32>
    %dot_general3A_13 = tpu.matmul %cond3A_4, %broadcast_in_dim3A_11, %dot_general3A_12 {dimension_numbers = #tpu.dot_dimension_numbers<[1], [0], [0], [1], [0, 0, 1, 1], [], []>, transpose_lhs_hint = false} : vector<16x8192xf32>, vector<8192x1xf32>, vector<16x1xf32> -> vector<16x1xf32>
    %eq3A_14 = arith.constant 0 : i32
    %eq3A_15 = arith.cmpi eq, %arg0, %eq3A_14 : i32
    %convert_element_type3A_16 = arith.extui %eq3A_15 : i1 to i32
    %cond3A_17 = arith.constant 0 : i32
    %cond3A_18 = arith.cmpi ne, %convert_element_type3A_16, %cond3A_17 : i32
    scf.if %cond3A_18 {
      %swap3A_29 = arith.constant 0 : index
      %swap3A_30 = arith.constant 0 : index
      %swap3A_31 = vector.load %arg5[%swap3A_29, %swap3A_30] : memref<16x1xf32, #tpu.memory_space<vmem>>, vector<16x1xf32>
      tpu.vector_store %arg5[%swap3A_29, %swap3A_30], %dot_general3A_13 {strides = array<i32>} : memref<16x1xf32, #tpu.memory_space<vmem>>, vector<16x1xf32>,
    } else {
    }
    %gt3A = arith.constant 0 : i32
    %gt3A_19 = arith.cmpi sgt, %arg0, %gt3A : i32
    %convert_element_type3A_20 = arith.extui %gt3A_19 : i1 to i32
    %cond3A_21 = arith.constant 0 : i32
    %cond3A_22 = arith.cmpi ne, %convert_element_type3A_20, %cond3A_21 : i32
    scf.if %cond3A_22 {
      %get3A_29 = arith.constant 0 : index
      %get3A_30 = arith.constant 0 : index
      %get3A_31 = vector.load %arg5[%get3A_29, %get3A_30] : memref<16x1xf32, #tpu.memory_space<vmem>>, vector<16x1xf32>
      %add3A = arith.addf %get3A_31, %dot_general3A_13 : vector<16x1xf32>
      %swap3A_32 = arith.constant 0 : index
      %swap3A_33 = arith.constant 0 : index
      %swap3A_34 = vector.load %arg5[%swap3A_32, %swap3A_33] : memref<16x1xf32, #tpu.memory_space<vmem>>, vector<16x1xf32>
      tpu.vector_store %arg5[%swap3A_32, %swap3A_33], %add3A {strides = array<i32>} : memref<16x1xf32, #tpu.memory_space<vmem>>, vector<16x1xf32>,
    } else {
    }
    %get3A_23 = arith.constant 0 : index
    %get3A_24 = arith.constant 0 : index
    %get3A_25 = vector.load %arg5[%get3A_23, %get3A_24] : memref<16x1xf32, #tpu.memory_space<vmem>>, vector<16x1xf32>
    %swap3A_26 = arith.constant 0 : index
    %swap3A_27 = arith.constant 0 : index
    %swap3A_28 = vector.load %arg4[%swap3A_26, %swap3A_27] : memref<16x1xf32, #tpu.memory_space<vmem>>, vector<16x1xf32>
    tpu.vector_store %arg4[%swap3A_26, %swap3A_27], %get3A_25 {strides = array<i32>} : memref<16x1xf32, #tpu.memory_space<vmem>>, vector<16x1xf32>,
    return
  }
  func.func @transform_0(%arg0: i32) -> (i32, i32) {
    %mul3A = arith.constant 0 : i32
    %mul3A_0 = arith.muli %arg0, %mul3A : i32
    %c0_i32 = arith.constant 0 : i32
    return %mul3A_0, %arg0 : i32, i32
  }
  func.func @transform_1(%arg0: i32) -> (i32, i32) {
    %mul3A = arith.constant 0 : i32
    %mul3A_0 = arith.muli %arg0, %mul3A : i32
    %mul3A_1 = arith.constant 0 : i32
    %mul3A_2 = arith.muli %arg0, %mul3A_1 : i32
    %c0_i32 = arith.constant 0 : i32
    return %mul3A_0, %mul3A_2 : i32, i32
  }
  func.func @transform_2(%arg0: i32) -> (i32, i32) {
    %mul3A = arith.constant 0 : i32
    %mul3A_0 = arith.muli %arg0, %mul3A : i32
    %c0_i32 = arith.constant 0 : i32
    return %arg0, %mul3A_0 : i32, i32
  }
  func.func @transform_3(%arg0: i32) -> (i32, i32) {
    %mul3A = arith.constant 0 : i32
    %mul3A_0 = arith.muli %arg0, %mul3A : i32
    %mul3A_1 = arith.constant 0 : i32
    %mul3A_2 = arith.muli %arg0, %mul3A_1 : i32
    %c0_i32 = arith.constant 0 : i32
    return %mul3A_0, %mul3A_2 : i32, i32
  }
}

module attributes {stable_mosaic.version = 14 : i64} {
  func.func @_out_body(%arg0: i32, %arg1: memref<8192x16xf32, #tpu.memory_space<vmem>>, %arg2: memref<16x1xf32, #tpu.memory_space<vmem>>, %arg3: memref<16x16xf32, #tpu.memory_space<vmem>>, %arg4: memref<2x1xf32, #tpu.memory_space<vmem>>, %arg5: memref<16x8192xf32, #tpu.memory_space<vmem>>) attributes {dimension_semantics = [#tpu.dimension_semantics<arbitrary>], iteration_bounds = array<i64: 123>, scalar_prefetch = 0 : i64, scratch_operands = 0 : i64, tpu.core_type = #tpu.core_type<tc>, window_params = [{transform_indices = @transform_0, window_bounds = array<i64: 8192, 16>}, {transform_indices = @transform_1, window_bounds = array<i64: 16, 1>}, {transform_indices = @transform_2, window_bounds = array<i64: 16, 16>}, {transform_indices = @transform_3, window_bounds = array<i64: 2, 1>}, {transform_indices = @transform_4, window_bounds = array<i64: 16, 8192>}]} {
    %get3A = arith.constant 0 : index
    %get3A_0 = arith.constant 0 : index
    %get3A_1 = vector.load %arg1[%get3A, %get3A_0] : memref<8192x16xf32, #tpu.memory_space<vmem>>, vector<8192x16xf32>
    %iota3A = tpu.iota {dimensions = array<i32: 0>} : vector<16x16xi32>
    %iota3A_2 = tpu.iota {dimensions = array<i32: 1>} : vector<16x16xi32>
    %eq3A = arith.cmpi eq, %iota3A, %iota3A_2 : vector<16x16xi32>
    %convert_element_type3A = arith.extui %eq3A : vector<16x16xi1> to vector<16x16xi32>
    %convert_element_type3A_3 = arith.sitofp %convert_element_type3A : vector<16x16xi32> to vector<16x16xf32>
    %dot_general3A = arith.constant dense<0.000000e+00> : vector<16x8192xf32>
    %dot_general3A_4 = tpu.matmul %convert_element_type3A_3, %get3A_1, %dot_general3A {dimension_numbers = #tpu.dot_dimension_numbers<[0], [1], [1], [0], [0, 1, 1, 0], [], []>, transpose_lhs_hint = false} : vector<16x16xf32>, vector<8192x16xf32>, vector<16x8192xf32> -> vector<16x8192xf32>
    %get3A_5 = arith.constant 0 : index
    %get3A_6 = arith.constant 0 : index
    %get3A_7 = vector.load %arg3[%get3A_5, %get3A_6] : memref<16x16xf32, #tpu.memory_space<vmem>>, vector<16x16xf32>
    %get3A_8 = arith.constant 0 : index
    %get3A_9 = arith.constant 0 : index
    %get3A_10 = vector.load %arg2[%get3A_8, %get3A_9] : memref<16x1xf32, #tpu.memory_space<vmem>>, vector<16x1xf32>
    %dot_general3A_11 = arith.constant dense<0.000000e+00> : vector<16x1xf32>
    %dot_general3A_12 = tpu.matmul %get3A_7, %get3A_10, %dot_general3A_11 {dimension_numbers = #tpu.dot_dimension_numbers<[0], [0], [1], [1], [0, 1, 1, 1], [], []>, transpose_lhs_hint = false} : vector<16x16xf32>, vector<16x1xf32>, vector<16x1xf32> -> vector<16x1xf32>
    %add3A = vector.broadcast %dot_general3A_12 : vector<16x1xf32> to vector<16x8192xf32>
    %add3A_13 = arith.addf %dot_general3A_4, %add3A : vector<16x8192xf32>
    %get3A_14 = arith.constant 0 : index
    %get3A_15 = arith.constant 0 : index
    %get3A_16 = vector.load %arg4[%get3A_14, %get3A_15] : memref<2x1xf32, #tpu.memory_space<vmem>>, vector<2x1xf32>
    %reduce_sum3A = vector.shape_cast %get3A_16 : vector<2x1xf32> to vector<1x2x1xf32>
    %reduce_sum3A_17 = arith.constant dense<0.000000e+00> : vector<1xf32>
    %reduce_sum3A_18 = vector.multi_reduction <add>, %reduce_sum3A, %reduce_sum3A_17 [1, 2] : vector<1x2x1xf32> to vector<1xf32>
    %reduce_sum3A_19 = vector.shape_cast %reduce_sum3A_18 : vector<1xf32> to vector<1x1x1xf32>
    %reduce_sum3A_20 = vector.extract %reduce_sum3A_19[0, 0, 0] : f32 from vector<1x1x1xf32>
    %add3A_21 = vector.broadcast %reduce_sum3A_20 : f32 to vector<16x8192xf32>
    %add3A_22 = arith.addf %add3A_13, %add3A_21 : vector<16x8192xf32>
    %swap3A = arith.constant 0 : index
    %swap3A_23 = arith.constant 0 : index
    %swap3A_24 = vector.load %arg5[%swap3A, %swap3A_23] : memref<16x8192xf32, #tpu.memory_space<vmem>>, vector<16x8192xf32>
    tpu.vector_store %arg5[%swap3A, %swap3A_23], %add3A_22 {strides = array<i32>} : memref<16x8192xf32, #tpu.memory_space<vmem>>, vector<16x8192xf32>,
    return
  }
  func.func @transform_0(%arg0: i32) -> (i32, i32) {
    %mul3A = arith.constant 0 : i32
    %mul3A_0 = arith.muli %arg0, %mul3A : i32
    %c0_i32 = arith.constant 0 : i32
    return %arg0, %mul3A_0 : i32, i32
  }
  func.func @transform_1(%arg0: i32) -> (i32, i32) {
    %mul3A = arith.constant 0 : i32
    %mul3A_0 = arith.muli %arg0, %mul3A : i32
    %mul3A_1 = arith.constant 0 : i32
    %mul3A_2 = arith.muli %arg0, %mul3A_1 : i32
    %c0_i32 = arith.constant 0 : i32
    return %mul3A_0, %mul3A_2 : i32, i32
  }
  func.func @transform_2(%arg0: i32) -> (i32, i32) {
    %mul3A = arith.constant 0 : i32
    %mul3A_0 = arith.muli %arg0, %mul3A : i32
    %mul3A_1 = arith.constant 0 : i32
    %mul3A_2 = arith.muli %arg0, %mul3A_1 : i32
    %c0_i32 = arith.constant 0 : i32
    return %mul3A_0, %mul3A_2 : i32, i32
  }
  func.func @transform_3(%arg0: i32) -> (i32, i32) {
    %mul3A = arith.constant 0 : i32
    %mul3A_0 = arith.muli %arg0, %mul3A : i32
    %mul3A_1 = arith.constant 0 : i32
    %mul3A_2 = arith.muli %arg0, %mul3A_1 : i32
    %c0_i32 = arith.constant 0 : i32
    return %mul3A_0, %mul3A_2 : i32, i32
  }
  func.func @transform_4(%arg0: i32) -> (i32, i32) {
    %mul3A = arith.constant 0 : i32
    %mul3A_0 = arith.muli %arg0, %mul3A : i32
    %c0_i32 = arith.constant 0 : i32
    return %mul3A_0, %arg0 : i32, i32
  }
}

</mosaic_0001>

<sc_bundles>
// kernel: kernel.5.cloned.1.call-start
scs
__scs_entry_jumppad:
0x0: {  	(pc) =	sbr.rel $0x88, $3  }
0x1: {  	(tag) =	ssettag $0x0;
	lr =	simm.s32 $0x1  }
0x2: {  	[smem:$0x3F9C] =	sst lr;
	_ =	strace $0xD0000000  }
0x3: {  	_ = 	snop  }
0x4: {  	_ = 	snop  }
0x5: {  	_ = 	snop  }
0x6: {  	_ = 	snop  }
0x7: {  	_ = 	snop  }
__scs_overlays_trampoline_lowered:
0x8: {  	[smem:$0x3FAB] =	sst s0  }
0x9: {  	[smem:$0x3FAC] =	sst s1  }
0xa: {  	[smem:$0x3FAD] =	sst s2  }
0xb: {  	[smem:$0x3FAE] =	sst s3  }
0xc: {  	[smem:$0x3FAF] =	sst s4  }
0xd: {  	[smem:$0x3FB0] =	sst s5  }
0xe: {  	[smem:$0x3FB1] =	sst s6  }
0xf: {  	[smem:$0x3FB2] =	sst s7  }
0x10: {  	[smem:$0x3FB3] =	sst s8  }
0x11: {  	[smem:$0x3FB4] =	sst s9;
	s0 =	simm.s32 @!p0 $0x0  }
0x12: {  	s1 =	sld [smem:$0x3F9A];
	s0 =	simm.s32 @p0 $0x1  }
0x13: {  	[smem:$0x3FB5] =	sst s0;
	s0 =	simm.s32 @!p1 $0x0  }
0x14: {  	s2 =	sld [smem:$0x3F99];
	s0 =	simm.s32 @p1 $0x1  }
0x15: {  	[smem:$0x3FB6] =	sst s0;
	s0 =	simm.s32 @!p2 $0x0  }
0x16: {  	s3 =	sld [smem:$0x3FDB];
	s0 =	simm.s32 @p2 $0x1  }
0x17: {  	s4 =	simm.s32 $0x1BF5;
	[smem:$0x3FB8] =	sst s0  }
0x18: {  	s0 =	sld [smem:$0x3F9B];
	_ =	swait.ge [sflag:s4], $0x0  }
0x19: {  	s7 =	sld [smem:$0x3F9C]  }
0x1a: {  	s8 =	sadd.s32 $0xFFFFE003, lr  }
0x1b: {  	s9 =	sadd.s32 $0xFFFFFEF7, lr;
	s5 =	simm.s32 $0xFFFFFFFF;
	p2 =	slt.u32 s8, $0xFFFFF086  }
0x1c: {  	p1 =	slt.u32 s9, $0xF7A;
	s5 =	simm.s32 @!p2 $0x0  }
0x1d: {  	s5 =	simm.s32 @p1 $0x1;
	p0 =	seq.s32 s7, s2  }
0x1e: {  	s7 =	smul.u32 @!p0 $0xF7A, s2;
	p2 =	seq.s32 @!p0 s5, $0x0  }
0x1f: {  	s9 =	smul.u32 $0xF7A, s1;
	s8 =	simm.s32 @!p0 $0x1BF5;
	p2 =	por !p2, p0  }
0x20: {  	[sflag:s8] =	ssyncset.s32 @!p0 $0xFFFFF086;
	s6 =	sadd.s32 @!p0 s3, s7;
	s7 =	simm.s32 @!p0 $0x108  }
0x21: {  	s3 =	sadd.s32 s3, s9;
	s6 =	sadd.s32 @!p0 $0x88, s6;
	s7 =	simm.s32 @p2 $0x1082  }
0x22: {  	[simem:s7], [sflag:s8] =	dma.local @!p0 [hbm:s6], $0xF7A  }
0x23: {  	s9 =	sor.u32 $0xD0000000, s2;
	s6 =	simm.s32 $0x108;
	_ =	swait.ge @!p0 [sflag:s8], $0x0  }
0x24: {  	s3 =	sadd.s32 $0x88, s3;
	s6 =	simm.s32 @!p1 $0x1082;
	[sflag:s4] =	ssyncset.s32 $0xFFFFF086  }
0x25: {  	[simem:s6], [sflag:s4] =	dma.local [hbm:s3], $0xF7A  }
0x26: {  	[smem:$0x3F9C] =	sst s1;
	(tag) =	ssettag s2;
	_ =	strace s9  }
0x27: {  	s1 =	sld [smem:$0x3FAC]  }
0x28: {  	s2 =	sld [smem:$0x3FAD]  }
0x29: {  	s4 =	sld [smem:$0x3FAF]  }
0x2a: {  	p0 =	seq.s32 s5, $0x0;
	s5 =	sld [smem:$0x3FB0]  }
0x2b: {  	s6 =	sld [smem:$0x3FB1]  }
0x2c: {  	s7 =	sld [smem:$0x3FB2]  }
0x2d: {  	s3 =	simm.s32 $0x108;
	s8 =	sld [smem:$0x3FB3]  }
0x2e: {  	s3 =	simm.s32 @!p0 $0x1082;
	s9 =	sld [smem:$0x3FB4]  }
0x2f: {  	lr =	sadd.s32 s0, s3;
	s0 =	sld [smem:$0x3FAB]  }
0x30: {  	s3 =	sld [smem:$0x3FAE]  }
0x31: {  	[smem:$0x3FB7] =	sst s10  }
0x32: {  	s10 =	sld [smem:$0x3FB5];
	_ =	sdelay $0x3  }
0x33: {  	p0 =	seq.s32 s10, $0x1;
	s10 =	sld [smem:$0x3FB7];
	_ =	sdelay $0x3  }
0x34: {  	[smem:$0x3FB7] =	sst s10  }
0x35: {  	s10 =	sld [smem:$0x3FB6];
	_ =	sdelay $0x3  }
0x36: {  	p1 =	seq.s32 s10, $0x1;
	s10 =	sld [smem:$0x3FB7];
	_ =	sdelay $0x3  }
0x37: {  	[smem:$0x3FB7] =	sst s10  }
0x38: {  	s10 =	sld [smem:$0x3FB8]  }
0x39: {  	_ = 	snop;
	(pc) =	sbr.ind lr, $3  }
0x3a: {  	_ = 	snop  }
0x3b: {  	_ = 	snop  }
0x3c: {  	p2 =	seq.s32 s10, $0x1;
	s10 =	sld [smem:$0x3FB7]  }
0x3d: {  	_ =	shalt  }
0x3e: {  	_ =	shalt  }
0x3f: {  	_ =	shalt  }
0x40: {  	_ =	shalt  }
0x41: {  	_ =	shalt  }
0x42: {  	_ =	shalt  }
0x43: {  	_ =	shalt  }
0x44: {  	_ =	shalt  }
0x45: {  	_ =	shalt  }
0x46: {  	_ =	shalt  }
0x47: {  	_ =	shalt  }
0x48: {  	_ =	shalt  }
0x49: {  	_ =	shalt  }
0x4a: {  	_ =	shalt  }
0x4b: {  	_ =	shalt  }
0x4c: {  	_ =	shalt  }
0x4d: {  	_ =	shalt  }
0x4e: {  	_ =	shalt  }
0x4f: {  	_ =	shalt  }
0x50: {  	_ =	shalt  }
0x51: {  	_ =	shalt  }
0x52: {  	_ =	shalt  }
0x53: {  	_ =	shalt  }
0x54: {  	_ =	shalt  }
0x55: {  	_ =	shalt  }
0x56: {  	_ =	shalt  }
0x57: {  	_ =	shalt  }
0x58: {  	_ =	shalt  }
0x59: {  	_ =	shalt  }
0x5a: {  	_ =	shalt  }
0x5b: {  	_ =	shalt  }
0x5c: {  	_ =	shalt  }
0x5d: {  	_ =	shalt  }
0x5e: {  	_ =	shalt  }
0x5f: {  	_ =	shalt  }
0x60: {  	_ =	shalt  }
0x61: {  	_ =	shalt  }
0x62: {  	_ =	shalt  }
0x63: {  	_ =	shalt  }
0x64: {  	_ =	shalt  }
0x65: {  	_ =	shalt  }
0x66: {  	_ =	shalt  }
0x67: {  	_ =	shalt  }
0x68: {  	_ =	shalt  }
0x69: {  	_ =	shalt  }
0x6a: {  	_ =	shalt  }
0x6b: {  	_ =	shalt  }
0x6c: {  	_ =	shalt  }
0x6d: {  	_ =	shalt  }
0x6e: {  	_ =	shalt  }
0x6f: {  	_ =	shalt  }
0x70: {  	_ =	shalt  }
0x71: {  	_ =	shalt  }
0x72: {  	_ =	shalt  }
0x73: {  	_ =	shalt  }
0x74: {  	_ =	shalt  }
0x75: {  	_ =	shalt  }
0x76: {  	_ =	shalt  }
0x77: {  	_ =	shalt  }
0x78: {  	_ =	shalt  }
0x79: {  	_ =	shalt  }
0x7a: {  	_ =	shalt  }
0x7b: {  	_ =	shalt  }
0x7c: {  	_ =	shalt  }
0x7d: {  	_ =	shalt  }
0x7e: {  	_ =	shalt  }
0x7f: {  	_ =	shalt  }
0x80: {  	_ =	shalt  }
0x81: {  	_ =	shalt  }
0x82: {  	_ =	shalt  }
0x83: {  	_ =	shalt  }
0x84: {  	_ =	shalt  }
0x85: {  	_ =	shalt  }
0x86: {  	_ =	shalt  }
0x87: {  	_ =	shalt  }
.Lfunc_end0:
.L_simem_size_0:
called_computation_lowered:
.L_overlay_start_0:
0x88: {  	s2 =	sld [smem:$0x3FD9]  }
0x89: {  	s3 =	sld [smem:$0x3FFE];
	_ =	sdelay $0x1  }
0x8a: {  	s1 =	srdreg.scid  }
0x8b: {  	s0 =	sand.u32 $0x1, s1  }
0x8c: {  	s17 =	sshll.u32 s0, $0xA;
	s2 =	sadd.s32 s3, s2  }
0x8d: {  	s2 =	sadd.s32 s2, s17  }
0x8e: {  	[smem:$0x3FC3] =	sst s2  }
0x8f: {  	_ = 	snop  }
0x90: {  	s2 =	sld [smem:$0x3FD0];
	(tm) =	ssettm $0x1  }
0x91: {  	s18 =	sld [smem:$0x3FFB];
	_ =	sdelay $0x3  }
0x92: {  	_ =	strace s18  }
0x93: {  	s3 =	sld [smem:$0x3FFC];
	_ =	sdelay $0x3  }
0x94: {  	_ =	strace s3  }
0x95: {  	s3 =	sld [smem:$0x3FFD];
	_ =	sdelay $0x3  }
0x96: {  	_ =	strace s3  }
0x97: {  	_ =	strace $0x8FFFFFFF  }
0x98: {  	s19 =	sld [smem:$0x3FDB];
	_ =	sdelay $0x1  }
0x99: {  	s4 =	simm.s32 $_scs_section_size  }
0x9a: {  	s5 =	simm.s32 $_size__tile_overlayer_lowered;
	s6 =	simm.s32 $_tile_overlayer_lowered  }
0x9b: {  	s22 =	simm.s32 $0x1BFF;
	s21 =	sshll.u32 s6, $0x1;
	s3 =	sadd.s32 s4, s19  }
0x9c: {  	s7 =	simm.s32 $0x0;
	s20 =	sshll.u32 s5, $0x1;
	s5 =	sadd.s32 s21, s3  }
0x9d: {  	[timem:s7], [sflag:s22] =	dma.local [hbm:s5], s20  }
0x9e: {  	_ =	swait.ge [sflag:s22], s20  }
0x9f: {  	s4 =	ssub.s32 $0x0, s20;
	[sflag:s22] =	ssyncset.done $0x0  }
0xa0: {  	[sflag:s22] =	ssyncadd.s32 s4;
	_ =	sdelay $0x1  }
0xa1: {  	s23 =	simm.s32 $0x1B8B  }
0xa2: {  	_ =	swait.ge [sflag:s23], $0x1  }
0xa3: {  	[sflag:s23] =	ssyncset.done $0x0  }
0xa4: {  	s25 =	simm.s32 $0x1B8E;
	s24 =	sld [smem:$0x3FFE];
	[sflag:s23] =	ssyncadd.s32 $0xFFFFFFFF  }
0xa5: {  	s26 =	simm.s32 $execute0_lowered;
	[smem:$0x3FD2] =	sst s25  }
0xa6: {  	s5 =	sshll.u32 s26, $0x1;
	_ =	strace $0x80000046;
	[dreg:$0x1] =	wrdreg $0xFFFFFFFF  }
0xa7: {  	s28 =	simm.s32 $_size_execute0_lowered;
	s3 =	sadd.s32 s3, s5;
	[dreg:$0x0] =	wrdreg $0x0  }
0xa8: {  	s5 =	sshll.u32 s28, $0x1;
	[dreg:$0x2] =	wrdreg s3  }
0xa9: {  	[dreg:$0x3] =	wrdreg s5  }
0xaa: {  	[dreg:$0x4] =	wrdreg $0xC0  }
0xab: {  	_ =	task [dreg:s7], $0x5FFFF  }
0xac: {  	[dreg:$0x1] =	wrdreg $0xFFFFFFFF  }
0xad: {  	[dreg:$0x0] =	wrdreg $0x60  }
0xae: {  	[dreg:$0x2] =	wrdreg s24  }
0xaf: {  	[dreg:$0x3] =	wrdreg s2  }
0xb0: {  	[dreg:$0x4] =	wrdreg $0x9  }
0xb1: {  	_ =	task.clear_ibuf [dreg:s7], $0x5FFFF;
	_ =	strace $0x90000046  }
0xb2: {  	s29 =	simm.s32 $0x9;
	_ =	strace $0x80000048  }
0xb3: {  	_ =	swait.ge [sflag:s29], $0x1  }
0xb4: {  	[sflag:s29] =	ssyncadd.s32 $0xFFFFFFFF  }
0xb5: {  	_ =	strace $0x90000048  }
0xb6: {  	_ =	sfence  }
0xb7: {  	s30 =	sld [smem:$0x0];
	_ =	sdelay $0x2  }
0xb8: {  	s31 =	sshll.u32 s1, $0xD;
	s1 =	sshrl.u32 s1, $0x2  }
0xb9: {  	s3 =	sand.u32 $0x4000, s31;
	s1 =	sadd.s32 s1, s30  }
0xba: {  	s0 =	sor.u32 s3, s0;
	s1 =	sshll.u32 s1, $0x11  }
0xbb: {  	s0 =	sor.u32 s1, s0  }
0xbc: {  	s0 =	sadd.s32 $0x8F2B, s0  }
0xbd: {  	[sflag:s0] =	ssyncadd.remote.s32 $0x1  }
0xbe: {  	_ =	sfence.sel $0xFFFF  }
0xbf: {  	[dreg:$0x0] =	wrdreg $0xFFFFFFFF;
	(pc) =	sbr.abs _section_cstart, $3  }
0xc0: {  	[dreg:$0x1] =	wrdreg $0xFFFFFFFF  }
0xc1: {  	_ =	task.clear_ibuf [dreg:s7], $0x2FFFF;
	_ =	strace $0x9FFFFFFF  }
0xc2: {  	(tm) =	ssettm $0x7FFFFFFF  }
0xc3: {  	_ =	shalt  }
tec
execute0_lowered:
.L_overlay_start_1:
0x0: {  	(tag) =	ssettag $0x1  }
0x1: {  	s0 =	rddreg [dreg:$0x0];
	s2 =	simm.s32 $0x0  }
0x2: {  	[smem:$0x7FF] =	sst s2  }
0x3: {  	s1 =	rddreg [dreg:$0x1];
	v0 =	vimm.s32 $0x80000001;
	_ =	strace $0x80000047  }
0x4: {  	(xrf0) =	vmax.scan.msk.u32 $0xffff, v0;
	_ =	sdelay $0x5  }
0x5: {  	v0, _, _ =	vpop (xrf0)  }
0x6: {  	(v2sf) =	vpush v0, $0xF;
	_ =	sdelay $0x4  }
0x7: {  	s3 =	srdreg.scid;
	s6 =	stileid.u32  }
0x8: {  	s9 =	simm.s32 $0x3;
	s11 =	simm.s32 $0x11E88;
	s12 =	simm.s32 $0x8000  }
0x9: {  	s13 =	simm.s32 $0x80;
	s14 =	simm.s32 $0x19E88;
	s29 =	simm.s32 $0x1A688  }
0xa: {  	s16 =	simm.s32 $0x1AE88;
	s17 =	simm.s32 $0x1B688;
	s18 =	simm.s32 $0x1BE88  }
0xb: {  	s19 =	simm.s32 $0x1C688;
	s20 =	simm.s32 $0x1CE88;
	s3 =	sand.u32 $0x1, s3  }
0xc: {  	s4 =	sshll.u32 s6, $0x10;
	s25 =	sadd.s32 $0x1600, s0;
	s7 =	sadd.s32 $0x20000, s0  }
0xd: {  	s6 =	sshll.u32 s6, $0x11;
	s5 =	sshll.u32 s3, $0xF;
	[dreg:$0x3] =	wrdreg s25  }
0xe: {  	s26 =	ssub.s32 $0x2, s3;
	[dreg:$0x4] =	wrdreg s7;
	s4 =	sor.u32 s5, s4  }
0xf: {  	s3 =	sshll.u32 s3, $0x10;
	s28 =	sshrl.u32 s26, $0x1;
	s4 =	sshrl.u32 s4, $0x3  }
0x10: {  	v2 =	vimm.s32 $0xF44;
	s5 =	ssub.s32 s26, s28;
	s4 =	sadd.s32 s4, s0;
	s0 =	sadd.s32 s6, s0  }
0x11: {  	v3 =	vimm.s32 $0x0;
	v4 =	vimm.s32 $0x1E88;
	vm5 =	vcmask $0x171C;
	s31 =	smax.u32 s5, $0x1;
	s0 =	sadd.s32 s3, s0;
	s30 =	spop (v2sf)  }
0x12: {  	vm6 =	vcmask $0x1B20;
	vm7 =	vcmask $0x1F24;
	vm8 =	vcmask $0x2328;
	[dreg:$0x6] =	wrdreg s31;
	s0 =	sadd.s32 $0x40400, s0;
	p0 =	sgt.u32 s30, $0x80000000  }
0x13: {  	vm9 =	vcmask $0x272C;
	vm10 =	vcmask $0x2B30;
	vm11 =	vcmask $0x2F34;
	s4 =	sadd.s32 $0x20400, s4;
	[dreg:$0x7] =	wrdreg s0;
	s0 =	simm.s32 @!p0 $0x0  }
0x14: {  	vm12 =	vcmask $0x3338;
	vm13 =	vcmask $0x373C;
	s21 =	simm.s32 $0x1D688;
	[dreg:$0x5] =	wrdreg s4;
	v0 =	vlaneseq.u32;
	s0 =	simm.s32 @p0 $0x1  }
0x15: {  	vm14 =	vmmov $0x7fff;
	vm15 =	vmmov $0x1;
	s22 =	simm.s32 $0x1;
	s3 =	simm.s32 $0x0;
	v1 =	vmul.u32 $0x800, v0;
	[smem:$0x7FD] =	sst s0  }
.LBB2_1:
0x16: {  	[dreg:$0x8] =	wrdreg s3  }
0x17: {  	s0 =	rddreg [dreg:$0x5]  }
0x18: {  	[tilespmem:s2], [sflag:$0x3] =	stream.linear.gather [hbm4b:s0+s2], $0x8000, $0x38;
	[tilespmem:$0x1DE88] =	vst v63  }
0x19: {  	_ =	swait.ge [sflag:s9], $0x8000  }
0x1a: {  	[sflag:s9] =	ssyncset.done $0x0  }
0x1b: {  	s30 =	simm.s32 $0x10000;
	s28 =	rddreg [dreg:$0x4];
	[sflag:s9] =	ssyncadd.s32 $0xFFFF8000  }
0x1c: {  	[tilespmem:s30], [sflag:$0x3] =	stream.linear.gather [hbm4b:s28+s2], $0x1E88, $0x38;
	[tilespmem:$0x1DE88] =	vst v63  }
0x1d: {  	_ =	swait.ge [sflag:s9], $0x1E88  }
0x1e: {  	s31 =	sld [smem:$0x7FD];
	_ =	sdelay $0x2  }
0x1f: {  	p0 =	seq.s32 s31, $0x1  }
.Ltmp0:
0x20: {  	_ = 	snop;
	(pc) =	sbr.rel @!p0 .LBB2_2-.Ltmp0, $3  }
0x21: {  	_ =	sdelay $0x1  }
0x22: {  	[sflag:s9] =	ssyncset.done $0x0  }
0x23: {  	[sflag:s9] =	ssyncadd.s32 $0xFFFFE178  }
0x24: {  	_ =	sdelay $0x3  }
0x25: {  	v5 =	vld.idx.msk [tilespmem:v1+s2+$0x0], $0xffff;
	s0 =	simm.s32 $0x10000  }
0x26: {  	v6 =	vld.idx.msk [tilespmem:v2+s0+$0x0], $0xffff  }
0x27: {  	v7 =	vld.idx.msk [tilespmem:v2+s0+$0x0], $0xffff;
	_ =	sdelay $0x4  }
0x28: {  	vm0 =	vlt.s32 v6, v5;
	vm1 =	vlt.s32 v7, v5  }
0x29: {  	vm0 =	vmor vm1, vm0  }
0x2a: {  	v6 =	vsel vm0, $0xF44, v4  }
0x2b: {  	v7 =	vsel vm0, $0xF45, v3;
	v8 =	vadd.s32 $0xFFFFFFFF, v6  }
0x2c: {  	v8 =	vadd.s32 v8, v7  }
0x2d: {  	v8 =	vadd.s32 $0x1, v8  }
0x2e: {  	v8 =	vshrl.u32 v8, $0x1;
	_ =	sdelay $0x4  }
0x2f: {  	v9 =	vld.idx.msk [tilespmem:v8+s0+$0x0], $0xffff;
	_ =	sdelay $0x4  }
0x30: {  	vm0 =	vlt.s32 v9, v5;
	v9 =	vor.u32 $0x1, v8  }
0x31: {  	v7 =	vsel vm0, v9, v7;
	v6 =	vsel vm0, v8, v6  }
0x32: {  	v8 =	vadd.s32 v7, v6  }
0x33: {  	v8 =	vshrl.u32 v8, $0x1;
	_ =	sdelay $0x4  }
0x34: {  	v9 =	vld.idx.msk [tilespmem:v8+s0+$0x0], $0xffff;
	_ =	sdelay $0x4  }
0x35: {  	vm0 =	vlt.s32 v9, v5;
	v9 =	vadd.s32 $0x1, v8  }
0x36: {  	v7 =	vsel vm0, v9, v7;
	v6 =	vsel vm0, v8, v6  }
0x37: {  	v8 =	vxor.u32 v7, v6  }
0x38: {  	v9 =	vand.u32 v7, v6;
	v8 =	vshrl.u32 v8, $0x1  }
0x39: {  	v8 =	vadd.s32 v8, v9;
	_ =	sdelay $0x4  }
0x3a: {  	v9 =	vld.idx.msk [tilespmem:v8+s0+$0x0], $0xffff;
	_ =	sdelay $0x4  }
0x3b: {  	vm0 =	vlt.s32 v9, v5;
	v9 =	vadd.s32 $0x1, v8  }
0x3c: {  	v7 =	vsel vm0, v9, v7;
	v6 =	vsel vm0, v8, v6  }
0x3d: {  	v8 =	vxor.u32 v7, v6  }
0x3e: {  	v9 =	vand.u32 v7, v6;
	v8 =	vshrl.u32 v8, $0x1  }
0x3f: {  	v8 =	vadd.s32 v8, v9;
	_ =	sdelay $0x4  }
0x40: {  	v9 =	vld.idx.msk [tilespmem:v8+s0+$0x0], $0xffff;
	_ =	sdelay $0x4  }
0x41: {  	vm0 =	vlt.s32 v9, v5;
	v9 =	vadd.s32 $0x1, v8  }
0x42: {  	v7 =	vsel vm0, v9, v7;
	v6 =	vsel vm0, v8, v6  }
0x43: {  	v8 =	vadd.s32 v7, v6  }
0x44: {  	v8 =	vshrl.u32 v8, $0x1;
	_ =	sdelay $0x4  }
0x45: {  	v9 =	vld.idx.msk [tilespmem:v8+s0+$0x0], $0xffff;
	_ =	sdelay $0x4  }
0x46: {  	vm0 =	vlt.s32 v9, v5;
	v9 =	vadd.s32 $0x1, v8  }
0x47: {  	v7 =	vsel vm0, v9, v7;
	v6 =	vsel vm0, v8, v6  }
0x48: {  	v8 =	vadd.s32 v7, v6  }
0x49: {  	v8 =	vshrl.u32 v8, $0x1;
	_ =	sdelay $0x4  }
0x4a: {  	v9 =	vld.idx.msk [tilespmem:v8+s0+$0x0], $0xffff;
	_ =	sdelay $0x4  }
0x4b: {  	vm0 =	vlt.s32 v9, v5;
	v9 =	vadd.s32 $0x1, v8  }
0x4c: {  	v7 =	vsel vm0, v9, v7;
	v6 =	vsel vm0, v8, v6  }
0x4d: {  	v8 =	vadd.s32 v7, v6  }
0x4e: {  	v8 =	vshrl.u32 v8, $0x1;
	_ =	sdelay $0x4  }
0x4f: {  	v9 =	vld.idx.msk [tilespmem:v8+s0+$0x0], $0xffff;
	_ =	sdelay $0x4  }
0x50: {  	vm0 =	vlt.s32 v9, v5;
	v9 =	vadd.s32 $0x1, v8  }
0x51: {  	v7 =	vsel vm0, v9, v7;
	v6 =	vsel vm0, v8, v6  }
0x52: {  	v8 =	vadd.s32 v7, v6  }
0x53: {  	v8 =	vshrl.u32 v8, $0x1;
	_ =	sdelay $0x4  }
0x54: {  	v9 =	vld.idx.msk [tilespmem:v8+s0+$0x0], $0xffff;
	_ =	sdelay $0x4  }
0x55: {  	vm0 =	vlt.s32 v9, v5;
	v9 =	vadd.s32 $0x1, v8  }
0x56: {  	v7 =	vsel vm0, v9, v7;
	v6 =	vsel vm0, v8, v6  }
0x57: {  	v8 =	vadd.s32 v7, v6  }
0x58: {  	v8 =	vshrl.u32 v8, $0x1;
	_ =	sdelay $0x4  }
0x59: {  	v9 =	vld.idx.msk [tilespmem:v8+s0+$0x0], $0xffff;
	_ =	sdelay $0x4  }
0x5a: {  	vm0 =	vlt.s32 v9, v5;
	v9 =	vadd.s32 $0x1, v8  }
0x5b: {  	v7 =	vsel vm0, v9, v7;
	v6 =	vsel vm0, v8, v6  }
0x5c: {  	v6 =	vadd.s32 v7, v6  }
0x5d: {  	v6 =	vshrl.u32 v6, $0x1;
	_ =	sdelay $0x4  }
0x5e: {  	v8 =	vld.idx.msk [tilespmem:v6+s0+$0x0], $0xffff;
	_ =	sdelay $0x4  }
0x5f: {  	vm0 =	vlt.s32 v8, v5;
	v5 =	vadd.s32 $0x1, v6;
	v6 =	vmax.u32 v7, $0x1  }
0x60: {  	v5 =	vsel vm0, v5, v6  }
0x61: {  	v5 =	vshll.u32 v5, $0x7  }
0x62: {  	v5 =	vmin.u32 v5, $0xF42C0  }
0x63: {  	v8 =	vimm.s32 $0x1;
	v6 =	vmov v1;
	v7 =	vadd.s32 $0xFFFFFF80, v5  }
.LBB2_10:
0x64: {  	v5 =	vand.u32 $0xFFFFFFF8, v7  }
0x65: {  	vm0 =	vlt.s32 v5, $0xF3A40  }
0x66: {  	v5 =	vnsel vm0, $0xF3A40, v5;
	vm0 =	vcmask $0x308  }
0x67: {  	vm1 =	vcmask $0x70C;
	v9 =	vsel vm0, $0x0, v5  }
0x68: {  	vm2 =	vcmask $0xB10;
	v10 =	vsel vm1, $0x0, v5;
	v9 =	vxor.u32 $0x80000000, v9  }
0x69: {  	vm3 =	vcmask $0xF14;
	(xrf0) =	vmax.scan.msk.u32 $0xffff, v9;
	v9 =	vxor.u32 $0x80000000, v10;
	v10 =	vsel vm2, $0x0, v5  }
0x6a: {  	vm4 =	vcmask $0x1318;
	(xrf0) =	vmax.scan.msk.u32 $0xffff, v9;
	v9 =	vxor.u32 $0x80000000, v10;
	v10 =	vsel vm3, $0x0, v5  }
0x6b: {  	(xrf0) =	vmax.scan.msk.u32 $0xffff, v9;
	v9 =	vxor.u32 $0x80000000, v10;
	v10 =	vsel vm4, $0x0, v5  }
0x6c: {  	(xrf0) =	vmax.scan.msk.u32 $0xffff, v9;
	v9 =	vxor.u32 $0x80000000, v10;
	v10 =	vsel vm5, $0x0, v5  }
0x6d: {  	(xrf0) =	vmax.scan.msk.u32 $0xffff, v9;
	v9 =	vxor.u32 $0x80000000, v10;
	v10 =	vsel vm6, $0x0, v5  }
0x6e: {  	(xrf0) =	vmax.scan.msk.u32 $0xffff, v9;
	v9 =	vxor.u32 $0x80000000, v10;
	v10 =	vsel vm7, $0x0, v5  }
0x6f: {  	v11, _, _ =	vpop (xrf0);
	(xrf0) =	vmax.scan.msk.u32 $0xffff, v9;
	v9 =	vxor.u32 $0x80000000, v10;
	v10 =	vsel vm8, $0x0, v5  }
0x70: {  	(v2sf) =	vpush v11, $0xF;
	v11, _, _ =	vpop (xrf0);
	(xrf0) =	vmax.scan.msk.u32 $0xffff, v9;
	v9 =	vxor.u32 $0x80000000, v10;
	v10 =	vsel vm9, $0x0, v5  }
0x71: {  	(v2sf) =	vpush v11, $0xF;
	v11, _, _ =	vpop (xrf0);
	(xrf0) =	vmax.scan.msk.u32 $0xffff, v9;
	v9 =	vxor.u32 $0x80000000, v10;
	v10 =	vsel vm10, $0x0, v5  }
0x72: {  	(v2sf) =	vpush v11, $0xF;
	v11, _, _ =	vpop (xrf0);
	(xrf0) =	vmax.scan.msk.u32 $0xffff, v9;
	v9 =	vxor.u32 $0x80000000, v10;
	v10 =	vsel vm11, $0x0, v5  }
0x73: {  	(v2sf) =	vpush v11, $0xF;
	v11, _, _ =	vpop (xrf0);
	(xrf0) =	vmax.scan.msk.u32 $0xffff, v9;
	v9 =	vxor.u32 $0x80000000, v10;
	v10 =	vsel vm12, $0x0, v5  }
0x74: {  	(v2sf) =	vpush v11, $0xF;
	v11, _, _ =	vpop (xrf0);
	(xrf0) =	vmax.scan.msk.u32 $0xffff, v9;
	v9 =	vxor.u32 $0x80000000, v10;
	v10 =	vsel vm13, $0x0, v5  }
0x75: {  	(v2sf) =	vpush v11, $0xF;
	v11, _, _ =	vpop (xrf0);
	(xrf0) =	vmax.scan.msk.u32 $0xffff, v9;
	v9 =	vxor.u32 $0x80000000, v10;
	v10 =	vsel vm14, $0x0, v5  }
0x76: {  	(v2sf) =	vpush v11, $0xF;
	v11, _, _ =	vpop (xrf0);
	(xrf0) =	vmax.scan.msk.u32 $0xffff, v9;
	v9 =	vxor.u32 $0x80000000, v10;
	v10 =	vnsel vm15, $0x0, v8  }
0x77: {  	(v2sf) =	vpush v11, $0xF;
	v11, _, _ =	vpop (xrf0);
	(xrf0) =	vmax.scan.msk.u32 $0xffff, v9;
	v9 =	vor.u32 $0x80000000, v10;
	_ =	sdelay $0x1  }
0x78: {  	(v2sf) =	vpush v11, $0xF;
	v10, _, _ =	vpop (xrf0);
	(xrf0) =	vmax.scan.msk.u32 $0xffff, v9  }
0x79: {  	(v2sf) =	vpush v10, $0xF;
	v9, _, _ =	vpop (xrf0)  }
0x7a: {  	(v2sf) =	vpush v9, $0xF;
	v9, _, _ =	vpop (xrf0)  }
0x7b: {  	(v2sf) =	vpush v9, $0xF;
	v9, _, _ =	vpop (xrf0)  }
0x7c: {  	(v2sf) =	vpush v9, $0xF;
	v9, _, _ =	vpop (xrf0)  }
0x7d: {  	(v2sf) =	vpush v9, $0xF;
	v9, _, _ =	vpop (xrf0)  }
0x7e: {  	(v2sf) =	vpush v9, $0xF;
	v9, _, _ =	vpop (xrf0)  }
0x7f: {  	s0 =	spop (v2sf);
	(v2sf) =	vpush v9, $0xF  }
0x80: {  	s15 =	spop (v2sf)  }
0x81: {  	v9 =	vsel vm0, $0x0, v8;
	s23 =	spop (v2sf)  }
0x82: {  	v10 =	vsel vm1, $0x0, v8;
	v9 =	vor.u32 $0x80000000, v9;
	s24 =	spop (v2sf)  }
0x83: {  	(xrf0) =	vmax.scan.msk.u32 $0xffff, v9;
	v9 =	vor.u32 $0x80000000, v10;
	v10 =	vsel vm2, $0x0, v8;
	s25 =	spop (v2sf)  }
0x84: {  	(xrf0) =	vmax.scan.msk.u32 $0xffff, v9;
	v9 =	vor.u32 $0x80000000, v10;
	v10 =	vsel vm3, $0x0, v8;
	s26 =	spop (v2sf)  }
0x85: {  	(xrf0) =	vmax.scan.msk.u32 $0xffff, v9;
	v9 =	vor.u32 $0x80000000, v10;
	v10 =	vsel vm4, $0x0, v8;
	s28 =	spop (v2sf)  }
0x86: {  	(xrf0) =	vmax.scan.msk.u32 $0xffff, v9;
	v9 =	vor.u32 $0x80000000, v10;
	v10 =	vsel vm5, $0x0, v8;
	s30 =	spop (v2sf)  }
0x87: {  	(xrf0) =	vmax.scan.msk.u32 $0xffff, v9;
	v9 =	vor.u32 $0x80000000, v10;
	s31 =	spop (v2sf)  }
0x88: {  	(xrf0) =	vmax.scan.msk.u32 $0xffff, v9;
	v9 =	vsel vm6, $0x0, v8;
	s3 =	spop (v2sf)  }
0x89: {  	v11 =	vsel vm7, $0x0, v8;
	v10, _, _ =	vpop (xrf0);
	v9 =	vor.u32 $0x80000000, v9;
	s4 =	spop (v2sf)  }
0x8a: {  	(v2sf) =	vpush v10, $0xF;
	v10, _, _ =	vpop (xrf0);
	(xrf0) =	vmax.scan.msk.u32 $0xffff, v9;
	v9 =	vor.u32 $0x80000000, v11;
	v11 =	vsel vm8, $0x0, v8;
	s5 =	spop (v2sf)  }
0x8b: {  	(v2sf) =	vpush v10, $0xF;
	v10, _, _ =	vpop (xrf0);
	(xrf0) =	vmax.scan.msk.u32 $0xffff, v9;
	v9 =	vor.u32 $0x80000000, v11;
	v11 =	vsel vm9, $0x0, v8;
	s6 =	spop (v2sf)  }
0x8c: {  	(v2sf) =	vpush v10, $0xF;
	v10, _, _ =	vpop (xrf0);
	(xrf0) =	vmax.scan.msk.u32 $0xffff, v9;
	v9 =	vor.u32 $0x80000000, v11;
	v11 =	vsel vm10, $0x0, v8;
	s7 =	spop (v2sf)  }
0x8d: {  	(v2sf) =	vpush v10, $0xF;
	v10, _, _ =	vpop (xrf0);
	(xrf0) =	vmax.scan.msk.u32 $0xffff, v9;
	v9 =	vor.u32 $0x80000000, v11;
	v11 =	vsel vm11, $0x0, v8;
	s8 =	spop (v2sf)  }
0x8e: {  	(xrf0) =	vmax.scan.msk.u32 $0xffff, v9;
	v9 =	vor.u32 $0x80000000, v11;
	v11 =	vsel vm12, $0x0, v8;
	s10 =	spop (v2sf);
	(v2sf) =	vpush v10, $0xF;
	v10, _, _ =	vpop (xrf0)  }
0x8f: {  	(v2sf) =	vpush v10, $0xF;
	v10 =	vsel vm13, $0x0, v8  }
0x90: {  	(xrf0) =	vmax.scan.msk.u32 $0xffff, v9;
	v9 =	vor.u32 $0x80000000, v11;
	p0 =	slt.u32 s10, $0x80000001  }
0x91: {  	v11, _, _ =	vpop (xrf0);
	(xrf0) =	vmax.scan.msk.u32 $0xffff, v9;
	v8 =	vsel vm14, $0x0, v8;
	v9 =	vor.u32 $0x80000000, v10;
	vm0 =	vmmov @!p0 $0x1  }
0x92: {  	(v2sf) =	vpush v11, $0xF;
	v8 =	vor.u32 $0x80000000, v8;
	v10, _, _ =	vpop (xrf0);
	(xrf0) =	vmax.scan.msk.u32 $0xffff, v9;
	v9 =	vnsel @!p0 vm0, $0x0, v5  }
0x93: {  	(v2sf) =	vpush v10, $0xF;
	v10, _, _ =	vpop (xrf0);
	(xrf0) =	vmax.scan.msk.u32 $0xffff, v8;
	v8 =	vxor.u32 @!p0 $0x80000000, v9;
	_ =	sdelay $0x1  }
0x94: {  	(v2sf) =	vpush v10, $0xF;
	v9, _, _ =	vpop (xrf0);
	(xrf0) =	vmax.scan.msk.u32 @!p0 $0xffff, v8  }
0x95: {  	v8, _, _ =	vpop (xrf0);
	(v2sf) =	vpush v9, $0xF  }
0x96: {  	v9, _, _ =	vpop (xrf0);
	(v2sf) =	vpush v8, $0xF  }
0x97: {  	v8, _, _ =	vpop (xrf0);
	(v2sf) =	vpush v9, $0xF  }
0x98: {  	v9, _, _ =	vpop (xrf0);
	(v2sf) =	vpush v8, $0xF  }
0x99: {  	v8, _, _ =	vpop (xrf0);
	(v2sf) =	vpush v9, $0xF  }
0x9a: {  	[dreg:$0x17] =	wrdreg s0;
	(v2sf) =	vpush v8, $0xF;
	v8, _, _ =	vpop @!p0 (xrf0)  }
0x9b: {  	[dreg:$0x11] =	wrdreg s28;
	s28 =	spop (v2sf);
	(v2sf) =	vpush @!p0 v8, $0xF  }
0x9c: {  	[dreg:$0x12] =	wrdreg s26;
	s26 =	spop (v2sf)  }
0x9d: {  	[dreg:$0x13] =	wrdreg s25;
	s25 =	spop (v2sf)  }
0x9e: {  	[dreg:$0x14] =	wrdreg s24;
	s24 =	spop (v2sf)  }
0x9f: {  	[dreg:$0xa] =	wrdreg s7;
	s7 =	spop (v2sf)  }
0xa0: {  	[dreg:$0x9] =	wrdreg s8;
	s8 =	spop (v2sf)  }
0xa1: {  	[dreg:$0x16] =	wrdreg s15;
	s10 =	spop (v2sf)  }
0xa2: {  	[dreg:$0xf] =	wrdreg s31;
	s0 =	simm.s32 @!p0 $0x0;
	s31 =	spop (v2sf)  }
0xa3: {  	[dreg:$0x10] =	wrdreg s30;
	s0 =	simm.s32 @p0 $0x1;
	s30 =	spop (v2sf)  }
0xa4: {  	[smem:$0x7F3] =	sst s0;
	s0 =	spop (v2sf)  }
0xa5: {  	[dreg:$0xd] =	wrdreg s4;
	s4 =	spop (v2sf)  }
0xa6: {  	[dreg:$0xe] =	wrdreg s3;
	s3 =	spop (v2sf)  }
0xa7: {  	[dreg:$0xc] =	wrdreg s5;
	s5 =	spop (v2sf)  }
0xa8: {  	[dreg:$0x15] =	wrdreg s23;
	s15 =	spop (v2sf)  }
0xa9: {  	[dreg:$0xb] =	wrdreg s6;
	s23 =	spop (v2sf)  }
0xaa: {  	[dreg:$0x1a] =	wrdreg s5;
	s6 =	spop @!p0 (v2sf)  }
0xab: {  	[dreg:$0x19] =	wrdreg s15;
	s6 =	sshrl.u32 @!p0 s6, $0x3  }
0xac: {  	s5 =	simm.s32 @!p0 $0x11E88;
	s15 =	rddreg [dreg:$0x3];
	s6 =	sxor.u32 @!p0 $0x10000000, s6  }
0xad: {  	[dreg:$0x18] =	wrdreg s23;
	s23 =	simm.s32 @!p0 $0x0;
	s6 =	sadd.s32 @!p0 s15, s6  }
0xae: {  	[tilespmem:s5], [sflag:$0x2] =	stream.linear.gather @!p0 [hbm4b:s6+s23], $0x800, $0x38;
	[tilespmem:$0x1DE88] =	vst v63  }
0xaf: {  	p0 =	slt.u32 s28, $0x80000001  }
0xb0: {  	s5 =	simm.s32 @!p0 $0x0  }
0xb1: {  	s5 =	simm.s32 @p0 $0x1  }
0xb2: {  	[smem:$0x7F4] =	sst s5  }
0xb3: {  	s5 =	rddreg [dreg:$0x17]  }
0xb4: {  	s5 =	sshrl.u32 @!p0 s5, $0x3  }
0xb5: {  	s5 =	sxor.u32 @!p0 $0x10000000, s5  }
0xb6: {  	s6 =	simm.s32 @!p0 $0x0;
	s23 =	simm.s32 @!p0 $0x12688;
	s5 =	sadd.s32 @!p0 s15, s5  }
0xb7: {  	[tilespmem:s23], [sflag:$0x2] =	stream.linear.gather @!p0 [hbm4b:s5+s6], $0x800, $0x38;
	[tilespmem:$0x1DE88] =	vst v63  }
0xb8: {  	p0 =	slt.u32 s26, $0x80000001  }
0xb9: {  	s5 =	simm.s32 @!p0 $0x0  }
0xba: {  	s5 =	simm.s32 @p0 $0x1  }
0xbb: {  	[smem:$0x7F5] =	sst s5  }
0xbc: {  	s5 =	rddreg [dreg:$0x16]  }
0xbd: {  	s5 =	sshrl.u32 @!p0 s5, $0x3  }
0xbe: {  	s5 =	sxor.u32 @!p0 $0x10000000, s5  }
0xbf: {  	s6 =	simm.s32 @!p0 $0x0;
	s23 =	simm.s32 @!p0 $0x12E88;
	s5 =	sadd.s32 @!p0 s15, s5  }
0xc0: {  	[tilespmem:s23], [sflag:$0x2] =	stream.linear.gather @!p0 [hbm4b:s5+s6], $0x800, $0x38;
	[tilespmem:$0x1DE88] =	vst v63  }
0xc1: {  	p0 =	slt.u32 s25, $0x80000001  }
0xc2: {  	s5 =	simm.s32 @!p0 $0x0  }
0xc3: {  	s5 =	simm.s32 @p0 $0x1  }
0xc4: {  	[smem:$0x7F6] =	sst s5  }
0xc5: {  	s5 =	rddreg [dreg:$0x15]  }
0xc6: {  	s5 =	sshrl.u32 @!p0 s5, $0x3  }
0xc7: {  	s5 =	sxor.u32 @!p0 $0x10000000, s5  }
0xc8: {  	s6 =	simm.s32 @!p0 $0x0;
	s23 =	simm.s32 @!p0 $0x13688;
	s5 =	sadd.s32 @!p0 s15, s5  }
0xc9: {  	[tilespmem:s23], [sflag:$0x2] =	stream.linear.gather @!p0 [hbm4b:s5+s6], $0x800, $0x38;
	[tilespmem:$0x1DE88] =	vst v63  }
0xca: {  	p0 =	slt.u32 s24, $0x80000001  }
0xcb: {  	s5 =	simm.s32 @!p0 $0x0  }
0xcc: {  	s5 =	simm.s32 @p0 $0x1  }
0xcd: {  	[smem:$0x7F7] =	sst s5  }
0xce: {  	s5 =	rddreg [dreg:$0x14]  }
0xcf: {  	s5 =	sshrl.u32 @!p0 s5, $0x3  }
0xd0: {  	s5 =	sxor.u32 @!p0 $0x10000000, s5  }
0xd1: {  	s6 =	simm.s32 @!p0 $0x0;
	s23 =	simm.s32 @!p0 $0x13E88;
	s5 =	sadd.s32 @!p0 s15, s5  }
0xd2: {  	[tilespmem:s23], [sflag:$0x2] =	stream.linear.gather @!p0 [hbm4b:s5+s6], $0x800, $0x38;
	[tilespmem:$0x1DE88] =	vst v63  }
0xd3: {  	p0 =	slt.u32 s7, $0x80000001  }
0xd4: {  	s5 =	simm.s32 @!p0 $0x0  }
0xd5: {  	s5 =	simm.s32 @p0 $0x1  }
0xd6: {  	[smem:$0x7F8] =	sst s5  }
0xd7: {  	s5 =	rddreg [dreg:$0x13]  }
0xd8: {  	s5 =	sshrl.u32 @!p0 s5, $0x3  }
0xd9: {  	s5 =	sxor.u32 @!p0 $0x10000000, s5  }
0xda: {  	s6 =	simm.s32 @!p0 $0x0;
	s7 =	simm.s32 @!p0 $0x14688;
	s5 =	sadd.s32 @!p0 s15, s5  }
0xdb: {  	[tilespmem:s7], [sflag:$0x2] =	stream.linear.gather @!p0 [hbm4b:s5+s6], $0x800, $0x38;
	[tilespmem:$0x1DE88] =	vst v63  }
0xdc: {  	p0 =	slt.u32 s8, $0x80000001  }
0xdd: {  	s5 =	simm.s32 @!p0 $0x0  }
0xde: {  	s5 =	simm.s32 @p0 $0x1  }
0xdf: {  	[smem:$0x7F9] =	sst s5  }
0xe0: {  	s5 =	rddreg [dreg:$0x12]  }
0xe1: {  	s5 =	sshrl.u32 @!p0 s5, $0x3  }
0xe2: {  	s5 =	sxor.u32 @!p0 $0x10000000, s5  }
0xe3: {  	s6 =	simm.s32 @!p0 $0x0;
	s7 =	simm.s32 @!p0 $0x14E88;
	s5 =	sadd.s32 @!p0 s15, s5  }
0xe4: {  	[tilespmem:s7], [sflag:$0x2] =	stream.linear.gather @!p0 [hbm4b:s5+s6], $0x800, $0x38;
	[tilespmem:$0x1DE88] =	vst v63  }
0xe5: {  	p0 =	slt.u32 s10, $0x80000001  }
0xe6: {  	s5 =	simm.s32 @!p0 $0x0  }
0xe7: {  	s5 =	simm.s32 @p0 $0x1  }
0xe8: {  	[smem:$0x7FA] =	sst s5  }
0xe9: {  	s5 =	rddreg [dreg:$0x11]  }
0xea: {  	s5 =	sshrl.u32 @!p0 s5, $0x3  }
0xeb: {  	s5 =	sxor.u32 @!p0 $0x10000000, s5  }
0xec: {  	s6 =	simm.s32 @!p0 $0x0;
	s7 =	simm.s32 @!p0 $0x15688;
	s5 =	sadd.s32 @!p0 s15, s5  }
0xed: {  	[tilespmem:s7], [sflag:$0x2] =	stream.linear.gather @!p0 [hbm4b:s5+s6], $0x800, $0x38;
	[tilespmem:$0x1DE88] =	vst v63  }
0xee: {  	p0 =	slt.u32 s31, $0x80000001  }
0xef: {  	s5 =	simm.s32 @!p0 $0x0  }
0xf0: {  	s5 =	simm.s32 @p0 $0x1  }
0xf1: {  	[smem:$0x7FB] =	sst s5  }
0xf2: {  	s5 =	rddreg [dreg:$0x10]  }
0xf3: {  	s5 =	sshrl.u32 @!p0 s5, $0x3  }
0xf4: {  	s5 =	sxor.u32 @!p0 $0x10000000, s5  }
0xf5: {  	s6 =	simm.s32 @!p0 $0x0;
	s7 =	simm.s32 @!p0 $0x15E88;
	s5 =	sadd.s32 @!p0 s15, s5  }
0xf6: {  	[tilespmem:s7], [sflag:$0x2] =	stream.linear.gather @!p0 [hbm4b:s5+s6], $0x800, $0x38;
	[tilespmem:$0x1DE88] =	vst v63  }
0xf7: {  	p0 =	slt.u32 s30, $0x80000001  }
0xf8: {  	s5 =	simm.s32 @!p0 $0x0  }
0xf9: {  	s5 =	simm.s32 @p0 $0x1  }
0xfa: {  	[smem:$0x7FC] =	sst s5  }
0xfb: {  	s5 =	rddreg [dreg:$0xf]  }
0xfc: {  	p6 =	slt.u32 s0, $0x80000001;
	s0 =	rddreg [dreg:$0xe];
	s5 =	sshrl.u32 @!p0 s5, $0x3  }
0xfd: {  	p5 =	slt.u32 s4, $0x80000001;
	p4 =	slt.u32 s3, $0x80000001;
	s5 =	sxor.u32 @!p0 $0x10000000, s5  }
0xfe: {  	s6 =	simm.s32 @!p0 $0x0;
	s7 =	simm.s32 @!p0 $0x16688;
	s5 =	sadd.s32 @!p0 s15, s5  }
0xff: {  	[tilespmem:s7], [sflag:$0x2] =	stream.linear.gather @!p0 [hbm4b:s5+s6], $0x800, $0x38;
	[tilespmem:$0x1DE88] =	vst v63  }
0x100: {  	s5 =	sshrl.u32 @!p6 s0, $0x3;
	s6 =	simm.s32 @!p6 $0x0;
	s0 =	rddreg [dreg:$0xd]  }
0x101: {  	s7 =	simm.s32 @!p6 $0x16E88;
	s5 =	sxor.u32 @!p6 $0x10000000, s5;
	s4 =	sshrl.u32 @!p5 s0, $0x3  }
0x102: {  	s0 =	rddreg [dreg:$0xc];
	s5 =	sadd.s32 @!p6 s15, s5;
	s4 =	sxor.u32 @!p5 $0x10000000, s4  }
0x103: {  	[tilespmem:s7], [sflag:$0x2] =	stream.linear.gather @!p6 [hbm4b:s5+s6], $0x800, $0x38;
	[tilespmem:$0x1DE88] =	vst v63  }
0x104: {  	s0 =	sshrl.u32 @!p4 s0, $0x3;
	s4 =	sadd.s32 @!p5 s15, s4  }
0x105: {  	s5 =	simm.s32 @!p5 $0x0;
	s6 =	simm.s32 @!p5 $0x17688;
	s0 =	sxor.u32 @!p4 $0x10000000, s0  }
0x106: {  	[tilespmem:s6], [sflag:$0x2] =	stream.linear.gather @!p5 [hbm4b:s4+s5], $0x800, $0x38;
	[tilespmem:$0x1DE88] =	vst v63  }
0x107: {  	s0 =	sadd.s32 @!p4 s15, s0;
	s4 =	simm.s32 @!p4 $0x0;
	s5 =	simm.s32 @!p4 $0x17E88  }
0x108: {  	[tilespmem:s5], [sflag:$0x2] =	stream.linear.gather @!p4 [hbm4b:s0+s4], $0x800, $0x38;
	[tilespmem:$0x1DE88] =	vst v63  }
0x109: {  	s5 =	rddreg [dreg:$0x1a]  }
0x10a: {  	s0 =	rddreg [dreg:$0xb];
	p2 =	slt.u32 s5, $0x80000001  }
0x10b: {  	s0 =	sshrl.u32 @!p2 s0, $0x3  }
0x10c: {  	s6 =	rddreg [dreg:$0x19];
	s0 =	sxor.u32 @!p2 $0x10000000, s0  }
0x10d: {  	s3 =	simm.s32 @!p2 $0x0;
	s4 =	simm.s32 @!p2 $0x18688;
	s0 =	sadd.s32 @!p2 s15, s0  }
0x10e: {  	[tilespmem:s4], [sflag:$0x2] =	stream.linear.gather @!p2 [hbm4b:s0+s3], $0x800, $0x38;
	[tilespmem:$0x1DE88] =	vst v63  }
0x10f: {  	p3 =	slt.u32 s6, $0x80000001;
	s0 =	rddreg [dreg:$0xa]  }
0x110: {  	s8 =	sld [smem:$0x7F3];
	s0 =	sshrl.u32 @!p3 s0, $0x3  }
0x111: {  	s7 =	rddreg [dreg:$0x18];
	s0 =	sxor.u32 @!p3 $0x10000000, s0  }
0x112: {  	s3 =	simm.s32 @!p3 $0x0;
	s4 =	simm.s32 @!p3 $0x18E88;
	s0 =	sadd.s32 @!p3 s15, s0  }
0x113: {  	[tilespmem:s4], [sflag:$0x2] =	stream.linear.gather @!p3 [hbm4b:s0+s3], $0x800, $0x38;
	[tilespmem:$0x1DE88] =	vst v63  }
0x114: {  	p1 =	slt.u32 s7, $0x80000001;
	s0 =	rddreg [dreg:$0x9]  }
0x115: {  	s0 =	sshrl.u32 @!p1 s0, $0x3  }
0x116: {  	p0 =	seq.s32 s8, $0x1;
	s0 =	sxor.u32 @!p1 $0x10000000, s0  }
0x117: {  	s3 =	simm.s32 @!p1 $0x0;
	s4 =	simm.s32 @!p1 $0x19688;
	s0 =	sadd.s32 @!p1 s15, s0  }
0x118: {  	[tilespmem:s4], [sflag:$0x2] =	stream.linear.gather @!p1 [hbm4b:s0+s3], $0x800, $0x38;
	[tilespmem:$0x1DE88] =	vst v63  }
0x119: {  	s0 =	simm.s32 @!p0 $0x2  }
0x11a: {  	_ =	swait.ge @!p0 [sflag:s0], $0x800  }
0x11b: {  	s10 =	sld [smem:$0x7F4];
	_ =	sdelay $0x1  }
0x11c: {  	[sflag:s0] =	ssyncset.done @!p0 $0x0  }
0x11d: {  	[sflag:s0] =	ssyncadd.s32 @!p0 $0xFFFFF800;
	p0 =	seq.s32 s10, $0x1  }
0x11e: {  	s0 =	simm.s32 @!p0 $0x2  }
0x11f: {  	_ =	swait.ge @!p0 [sflag:s0], $0x800  }
0x120: {  	s15 =	sld [smem:$0x7F5];
	_ =	sdelay $0x1  }
0x121: {  	[sflag:s0] =	ssyncset.done @!p0 $0x0  }
0x122: {  	[sflag:s0] =	ssyncadd.s32 @!p0 $0xFFFFF800;
	p0 =	seq.s32 s15, $0x1  }
0x123: {  	s0 =	simm.s32 @!p0 $0x2  }
0x124: {  	_ =	swait.ge @!p0 [sflag:s0], $0x800  }
0x125: {  	s23 =	sld [smem:$0x7F6];
	_ =	sdelay $0x1  }
0x126: {  	[sflag:s0] =	ssyncset.done @!p0 $0x0  }
0x127: {  	[sflag:s0] =	ssyncadd.s32 @!p0 $0xFFFFF800;
	p0 =	seq.s32 s23, $0x1  }
0x128: {  	s0 =	simm.s32 @!p0 $0x2  }
0x129: {  	_ =	swait.ge @!p0 [sflag:s0], $0x800  }
0x12a: {  	s24 =	sld [smem:$0x7F7];
	_ =	sdelay $0x1  }
0x12b: {  	[sflag:s0] =	ssyncset.done @!p0 $0x0  }
0x12c: {  	[sflag:s0] =	ssyncadd.s32 @!p0 $0xFFFFF800;
	p0 =	seq.s32 s24, $0x1  }
0x12d: {  	s0 =	simm.s32 @!p0 $0x2  }
0x12e: {  	_ =	swait.ge @!p0 [sflag:s0], $0x800  }
0x12f: {  	s25 =	sld [smem:$0x7F8];
	_ =	sdelay $0x1  }
0x130: {  	[sflag:s0] =	ssyncset.done @!p0 $0x0  }
0x131: {  	[sflag:s0] =	ssyncadd.s32 @!p0 $0xFFFFF800;
	p0 =	seq.s32 s25, $0x1  }
0x132: {  	s0 =	simm.s32 @!p0 $0x2  }
0x133: {  	_ =	swait.ge @!p0 [sflag:s0], $0x800  }
0x134: {  	s26 =	sld [smem:$0x7F9];
	_ =	sdelay $0x1  }
0x135: {  	[sflag:s0] =	ssyncset.done @!p0 $0x0  }
0x136: {  	[sflag:s0] =	ssyncadd.s32 @!p0 $0xFFFFF800;
	p0 =	seq.s32 s26, $0x1  }
0x137: {  	s0 =	simm.s32 @!p0 $0x2  }
0x138: {  	_ =	swait.ge @!p0 [sflag:s0], $0x800  }
0x139: {  	s28 =	sld [smem:$0x7FA];
	_ =	sdelay $0x1  }
0x13a: {  	[sflag:s0] =	ssyncset.done @!p0 $0x0  }
0x13b: {  	[sflag:s0] =	ssyncadd.s32 @!p0 $0xFFFFF800;
	p0 =	seq.s32 s28, $0x1  }
0x13c: {  	s0 =	simm.s32 @!p0 $0x2  }
0x13d: {  	_ =	swait.ge @!p0 [sflag:s0], $0x800  }
0x13e: {  	s30 =	sld [smem:$0x7FB];
	_ =	sdelay $0x1  }
0x13f: {  	[sflag:s0] =	ssyncset.done @!p0 $0x0  }
0x140: {  	[sflag:s0] =	ssyncadd.s32 @!p0 $0xFFFFF800;
	p0 =	seq.s32 s30, $0x1  }
0x141: {  	s0 =	simm.s32 @!p0 $0x2  }
0x142: {  	_ =	swait.ge @!p0 [sflag:s0], $0x800  }
0x143: {  	s31 =	sld [smem:$0x7FC];
	_ =	sdelay $0x1  }
0x144: {  	[sflag:s0] =	ssyncset.done @!p0 $0x0  }
0x145: {  	[sflag:s0] =	ssyncadd.s32 @!p0 $0xFFFFF800;
	p0 =	seq.s32 s31, $0x1  }
0x146: {  	s0 =	simm.s32 @!p0 $0x2  }
0x147: {  	_ =	swait.ge @!p0 [sflag:s0], $0x800  }
0x148: {  	[sflag:s0] =	ssyncset.done @!p0 $0x0  }
0x149: {  	[sflag:s0] =	ssyncadd.s32 @!p0 $0xFFFFF800;
	s0 =	simm.s32 @!p6 $0x2  }
0x14a: {  	_ =	swait.ge @!p6 [sflag:s0], $0x800  }
0x14b: {  	[sflag:s0] =	ssyncset.done @!p6 $0x0  }
0x14c: {  	[sflag:s0] =	ssyncadd.s32 @!p6 $0xFFFFF800;
	s0 =	simm.s32 @!p5 $0x2  }
0x14d: {  	_ =	swait.ge @!p5 [sflag:s0], $0x800  }
0x14e: {  	[sflag:s0] =	ssyncset.done @!p5 $0x0  }
0x14f: {  	[sflag:s0] =	ssyncadd.s32 @!p5 $0xFFFFF800;
	s0 =	simm.s32 @!p4 $0x2  }
0x150: {  	_ =	swait.ge @!p4 [sflag:s0], $0x800  }
0x151: {  	[sflag:s0] =	ssyncset.done @!p4 $0x0  }
0x152: {  	[sflag:s0] =	ssyncadd.s32 @!p4 $0xFFFFF800;
	s0 =	simm.s32 @!p2 $0x2  }
0x153: {  	_ =	swait.ge @!p2 [sflag:s0], $0x800  }
0x154: {  	v8 =	vsub.s32 v7, v5;
	[sflag:s0] =	ssyncset.done @!p2 $0x0  }
0x155: {  	vm0 =	vlt.s32 v8, $0x7FF;
	[sflag:s0] =	ssyncadd.s32 @!p2 $0xFFFFF800;
	s0 =	simm.s32 @!p3 $0x2  }
0x156: {  	v9 =	vnsel vm0, $0x7FF, v8;
	_ =	swait.ge @!p3 [sflag:s0], $0x800  }
0x157: {  	vm0 =	vlt.s32 v6, $0x7FFF;
	v9 =	vadd.s32 v1, v9;
	[sflag:s0] =	ssyncset.done @!p3 $0x0  }
0x158: {  	v10 =	vnsel vm0, $0x7FFF, v6;
	[sflag:s0] =	ssyncadd.s32 @!p3 $0xFFFFF800;
	s0 =	simm.s32 @!p1 $0x2  }
0x159: {  	_ =	swait.ge @!p1 [sflag:s0], $0x800  }
0x15a: {  	[sflag:s0] =	ssyncset.done @!p1 $0x0  }
0x15b: {  	[sflag:s0] =	ssyncadd.s32 @!p1 $0xFFFFF800  }
0x15c: {  	v9 =	vld.idx.msk [tilespmem:v9+s11+$0x0], $0xffff  }
0x15d: {  	v10 =	vld.idx.msk [tilespmem:v10+s2+$0x0], $0xffff;
	_ =	sdelay $0x2  }
0x15e: {  	vm0 =	vlt.s32 v7, $0xF4240  }
0x15f: {  	v11 =	vadd.s32 v7, v6;
	v12 =	vnsel vm0, $0x7FFFFFFF, v9  }
0x160: {  	v9 =	vand.u32 $0x1, v11;
	v11 =	vadd.s32 v10, v12  }
0x161: {  	vm1 =	veq.s32 v9, $0x0;
	vm2 =	vlt.s32 v11, $0x88CA6C00  }
0x162: {  	vm3 =	vlt.s32 v8, $0x800;
	v8 =	vadd.s32 $0x800, v1;
	vm1 =	vmor vm1, vm2  }
0x163: {  	vm2 =	vlt.s32 v6, v8;
	vm1 =	vmand vm3, vm1  }
0x164: {  	vm1 =	vmand vm2, vm1  }
0x165: {  	vm3 =	vne.s32 v10, $0x7FFFFFFF;
	vm0 =	vmand vm0, vm1  }
0x166: {  	vm0 =	vmand vm3, vm0  }
0x167: {  	v9 =	vsel vm0, $0x1, v3;
	vm0 =	vmxor vm2, vm0  }
0x168: {  	vm1 =	veq.s32 v12, v10;
	v13 =	vsel vm0, $0x1, v3  }
0x169: {  	v9 =	vadd.s32 v9, v7;
	v10 =	vadd.s32 v13, v6;
	v13 =	vnsel vm0, $0x0, v6  }
0x16a: {  	vm1 =	vmand vm1, vm3;
	v11 =	vsub.s32 v9, v5  }
0x16b: {  	v15 =	vnsel vm1, $0xF4240, v7;
	vm2 =	vlt.s32 v11, $0x7FF  }
0x16c: {  	v7 =	vadd.s32 v9, v10;
	v14 =	vnsel vm2, $0x7FF, v11;
	vm2 =	vlt.s32 v10, $0x7FFF  }
0x16d: {  	s0 =	simm.s32 $0x3FE;
	v6 =	vmovc v9;
	v7 =	vand.u32 $0x1, v7;
	v12 =	vnsel vm2, $0x7FFF, v10;
	v14 =	vadd.s32 v1, v14  }
.LBB2_11:
0x16e: {  	p0 =	seq.s32 s0, $0x1;
	s0 =	sadd.s32 $0xFFFFFFFF, s0;
	[tilespmem:v13+s12+$0x0] =	vst.idx.msk vm0, v15;
	_ =	sdelay $0x3  }
0x16f: {  	v13 =	vld.idx.msk [tilespmem:v14+s11+$0x0], $0xffff  }
0x170: {  	v12 =	vld.idx.msk [tilespmem:v12+s2+$0x0], $0xffff;
	_ =	sdelay $0x3  }
0x171: {  	vm0 =	vlt.s32 v9, $0xF4240  }
0x172: {  	v13 =	vnsel vm0, $0x7FFFFFFF, v13  }
0x173: {  	v14 =	vadd.s32 v12, v13;
	vm1 =	veq.s32 v13, v12  }
0x174: {  	vm2 =	veq.s32 v7, $0x0;
	vm3 =	vlt.s32 v14, $0x88CA6C00  }
0x175: {  	vm4 =	vlt.s32 v11, $0x800;
	v7 =	vadd.s32 $0x800, v1;
	vm2 =	vmor vm2, vm3  }
0x176: {  	vm3 =	vlt.s32 v10, v7;
	vm2 =	vmand vm4, vm2  }
0x177: {  	vm2 =	vmand vm3, vm2  }
0x178: {  	vm4 =	vne.s32 v12, $0x7FFFFFFF;
	vm0 =	vmand vm0, vm2  }
0x179: {  	vm1 =	vmand vm1, vm4;
	vm2 =	vmand vm4, vm0  }
0x17a: {  	vm0 =	vmxor vm3, vm2;
	v7 =	vsel vm2, $0x1, v3  }
.Ltmp1:
0x17b: {  	v13 =	vnsel vm0, $0x0, v10;
	v9 =	vadd.s32 v7, v9;
	v7 =	vsel vm0, $0x1, v3;
	(pc) =	sbr.rel @!p0 .LBB2_11-.Ltmp1, $4  }
0x17c: {  	v11 =	vsub.s32 v9, v5;
	v10 =	vadd.s32 v7, v10  }
0x17d: {  	vm2 =	vlt.s32 v11, $0x7FF;
	vm3 =	vlt.s32 v10, $0x7FFF;
	v7 =	vadd.s32 v9, v10  }
0x17e: {  	v14 =	vnsel vm2, $0x7FF, v11;
	v12 =	vnsel vm3, $0x7FFF, v10;
	v7 =	vand.u32 $0x1, v7  }
0x17f: {  	v15 =	vnsel vm1, $0xF4240, v6;
	v6 =	vmov v9;
	v14 =	vadd.s32 v1, v14  }
0x180: {  	_ =	sdelay $0x4  }
0x181: {  	[tilespmem:v13+s12+$0x0] =	vst.idx.msk vm0, v15  }
0x182: {  	v5 =	vld.idx.msk [tilespmem:v14+s11+$0x0], $0xffff  }
0x183: {  	v12 =	vld.idx.msk [tilespmem:v12+s2+$0x0], $0xffff;
	_ =	sdelay $0x2  }
0x184: {  	vm0 =	vlt.s32 v9, $0xF4240  }
0x185: {  	v5 =	vnsel vm0, $0x7FFFFFFF, v5  }
0x186: {  	v61 =	vadd.s32 v12, v5  }
0x187: {  	vm1 =	veq.s32 v7, $0x0;
	vm2 =	vlt.s32 v61, $0x88CA6C00  }
0x188: {  	vm3 =	vlt.s32 v11, $0x800;
	vm1 =	vmor vm1, vm2  }
0x189: {  	vm2 =	vlt.s32 v10, v8;
	vm1 =	vmand vm3, vm1  }
0x18a: {  	vm1 =	vmand vm2, vm1  }
0x18b: {  	vm3 =	vne.s32 v12, $0x7FFFFFFF;
	vm0 =	vmand vm0, vm1  }
0x18c: {  	vm0 =	vmand vm3, vm0  }
0x18d: {  	vm1 =	vmxor vm2, vm0  }
0x18e: {  	v11 =	vnsel vm1, $0x0, v10;
	_ =	sdelay $0x1  }
0x18f: {  	vm2 =	veq.s32 v5, v12  }
0x190: {  	vm2 =	vmand vm2, vm3  }
0x191: {  	v5 =	vsel vm0, $0x1, v3;
	v62 =	vsel vm1, $0x1, v3;
	v63 =	vnsel vm2, $0xF4240, v6  }
0x192: {  	v7 =	vadd.s32 v5, v9;
	v6 =	vadd.s32 v62, v10;
	[tilespmem:v11+s12+$0x0] =	vst.idx.msk vm1, v63  }
0x193: {  	vm0 =	vlt.s32 v6, v8  }
0x194: {  	v8 =	vsel vm0, $0x1, v3  }
0x195: {  	v5 =	vor.u32 $0x80000000, v8  }
0x196: {  	(xrf0) =	vmax.scan.msk.u32 $0xffff, v5;
	_ =	sdelay $0x5  }
0x197: {  	v5, _, _ =	vpop (xrf0)  }
0x198: {  	(v2sf) =	vpush v5, $0xF;
	_ =	sdelay $0xe  }
0x199: {  	s0 =	spop (v2sf)  }
0x19a: {  	p0 =	slt.u32 s0, $0x80000001  }
.Ltmp2:
0x19b: {  	_ = 	snop;
	(pc) =	sbr.rel @!p0 .LBB2_10-.Ltmp2, $1  }
0x19c: {  	_ =	sdelay $0x3  }
.LBB2_2:
0x19d: {  	s3 =	simm.s32 $0x0  }
0x19e: {  	s0 =	simm.s32 $0x8000;
	v5 =	vor.u32 s3, v0  }
0x19f: {  	s3 =	simm.s32 $0x10;
	[tilespmem:s0+$0x0] =	vst v5  }
.LBB2_3:
0x1a0: {  	p0 =	sne.s32 s3, $0x7FF0  }
.Ltmp3:
0x1a1: {  	_ = 	snop;
	(pc) =	sbr.rel @p0 .LBB2_3-.Ltmp3, $3  }
0x1a2: {  	_ =	sdelay $0x1  }
0x1a3: {  	v5 =	vor.u32 s3, v0;
	s3 =	sadd.s32 $0x10, s3;
	s0 =	sadd.s32 $0x10, s0  }
0x1a4: {  	[tilespmem:s0+$0x0] =	vst v5  }
0x1a5: {  	s0 =	simm.s32 $0x8000  }
0x1a6: {  	[tilespmem:s14], [sflag:$0x1] =	stream.indirect.gather [hbm4b:s1+s13], $0x10, s0, s13, $0xb8;
	[tilespmem:$0x1DE88] =	vst v63  }
0x1a7: {  	s15 =	simm.s32 $0x8080  }
0x1a8: {  	[tilespmem:s29], [sflag:$0x1] =	stream.indirect.gather [hbm4b:s1+s13], $0x10, s15, s13, $0xb8;
	[tilespmem:$0x1DE88] =	vst v63  }
0x1a9: {  	s23 =	simm.s32 $0x8100  }
0x1aa: {  	[tilespmem:s16], [sflag:$0x1] =	stream.indirect.gather [hbm4b:s1+s13], $0x10, s23, s13, $0xb8;
	[tilespmem:$0x1DE88] =	vst v63  }
0x1ab: {  	s24 =	simm.s32 $0x8180  }
0x1ac: {  	[tilespmem:s17], [sflag:$0x1] =	stream.indirect.gather [hbm4b:s1+s13], $0x10, s24, s13, $0xb8;
	[tilespmem:$0x1DE88] =	vst v63  }
0x1ad: {  	s25 =	simm.s32 $0x8200  }
0x1ae: {  	[tilespmem:s18], [sflag:$0x1] =	stream.indirect.gather [hbm4b:s1+s13], $0x10, s25, s13, $0xb8;
	[tilespmem:$0x1DE88] =	vst v63  }
0x1af: {  	s26 =	simm.s32 $0x8280  }
0x1b0: {  	[tilespmem:s19], [sflag:$0x1] =	stream.indirect.gather [hbm4b:s1+s13], $0x10, s26, s13, $0xb8;
	[tilespmem:$0x1DE88] =	vst v63  }
0x1b1: {  	s28 =	simm.s32 $0x8300  }
0x1b2: {  	[tilespmem:s20], [sflag:$0x1] =	stream.indirect.gather [hbm4b:s1+s13], $0x10, s28, s13, $0xb8;
	[tilespmem:$0x1DE88] =	vst v63  }
0x1b3: {  	s30 =	simm.s32 $0x8380  }
0x1b4: {  	[tilespmem:s21], [sflag:$0x1] =	stream.indirect.gather [hbm4b:s1+s13], $0x10, s30, s13, $0xb8;
	[tilespmem:$0x1DE88] =	vst v63  }
0x1b5: {  	_ =	swait.ge [sflag:s22], $0x800  }
0x1b6: {  	[sflag:s22] =	ssyncset.done $0x0  }
0x1b7: {  	[sflag:s22] =	ssyncadd.s32 $0xFFFFF800  }
0x1b8: {  	_ =	swait.ge [sflag:s22], $0x800  }
0x1b9: {  	[sflag:s22] =	ssyncset.done $0x0  }
0x1ba: {  	[sflag:s22] =	ssyncadd.s32 $0xFFFFF800  }
0x1bb: {  	_ =	swait.ge [sflag:s22], $0x800  }
0x1bc: {  	[sflag:s22] =	ssyncset.done $0x0  }
0x1bd: {  	[sflag:s22] =	ssyncadd.s32 $0xFFFFF800  }
0x1be: {  	_ =	swait.ge [sflag:s22], $0x800  }
0x1bf: {  	[sflag:s22] =	ssyncset.done $0x0  }
0x1c0: {  	[sflag:s22] =	ssyncadd.s32 $0xFFFFF800  }
0x1c1: {  	_ =	swait.ge [sflag:s22], $0x800  }
0x1c2: {  	[sflag:s22] =	ssyncset.done $0x0  }
0x1c3: {  	[sflag:s22] =	ssyncadd.s32 $0xFFFFF800  }
0x1c4: {  	_ =	swait.ge [sflag:s22], $0x800  }
0x1c5: {  	[sflag:s22] =	ssyncset.done $0x0  }
0x1c6: {  	[sflag:s22] =	ssyncadd.s32 $0xFFFFF800  }
0x1c7: {  	_ =	swait.ge [sflag:s22], $0x800  }
0x1c8: {  	[sflag:s22] =	ssyncset.done $0x0  }
0x1c9: {  	[sflag:s22] =	ssyncadd.s32 $0xFFFFF800  }
0x1ca: {  	_ =	swait.ge [sflag:s22], $0x800  }
0x1cb: {  	[sflag:s22] =	ssyncset.done $0x0  }
0x1cc: {  	s31 =	rddreg [dreg:$0x7];
	[sflag:s22] =	ssyncadd.s32 $0xFFFFF800  }
0x1cd: {  	[hbm4b:s31+s2] =	stream.linear.scatter [tilespmem:s14], [sflag:$0x3], $0x4000, $0x38;
	[tilespmem:$0x1DE88] =	vst v63  }
0x1ce: {  	s6 =	simm.s32 $0x2000;
	_ =	swait.ge [sflag:s9], $0x4000  }
0x1cf: {  	s4 =	simm.s32 $0x400;
	s0 =	sadd.s32 $0x800, s31;
	[sflag:s9] =	ssyncset.done $0x0  }
.LBB2_5:
0x1d0: {  	s7 =	sadd.s32 $0x8000, s4  }
0x1d1: {  	[sflag:s9] =	ssyncadd.s32 $0xFFFFC000;
	s5 =	smov.u32 s6;
	s3 =	sadd.s32 $0x1000, s6  }
0x1d2: {  	[tilespmem:s14], [sflag:$0x1] =	stream.indirect.gather [hbm4b:s1+s13], $0x10, s7, s13, $0xb8;
	[tilespmem:$0x1DE88] =	vst v63  }
0x1d3: {  	p0 =	sne.s32 s6, $0x1F000;
	s6 =	sadd.s32 $0x8080, s4  }
0x1d4: {  	[tilespmem:s29], [sflag:$0x1] =	stream.indirect.gather [hbm4b:s1+s13], $0x10, s6, s13, $0xb8;
	[tilespmem:$0x1DE88] =	vst v63  }
0x1d5: {  	s6 =	sadd.s32 $0x8100, s4  }
0x1d6: {  	[tilespmem:s16], [sflag:$0x1] =	stream.indirect.gather [hbm4b:s1+s13], $0x10, s6, s13, $0xb8;
	[tilespmem:$0x1DE88] =	vst v63  }
0x1d7: {  	s6 =	sadd.s32 $0x8180, s4  }
0x1d8: {  	[tilespmem:s17], [sflag:$0x1] =	stream.indirect.gather [hbm4b:s1+s13], $0x10, s6, s13, $0xb8;
	[tilespmem:$0x1DE88] =	vst v63  }
0x1d9: {  	s6 =	sadd.s32 $0x8200, s4  }
0x1da: {  	[tilespmem:s18], [sflag:$0x1] =	stream.indirect.gather [hbm4b:s1+s13], $0x10, s6, s13, $0xb8;
	[tilespmem:$0x1DE88] =	vst v63  }
0x1db: {  	s6 =	sadd.s32 $0x8280, s4  }
0x1dc: {  	[tilespmem:s19], [sflag:$0x1] =	stream.indirect.gather [hbm4b:s1+s13], $0x10, s6, s13, $0xb8;
	[tilespmem:$0x1DE88] =	vst v63  }
0x1dd: {  	s6 =	sadd.s32 $0x8300, s4  }
0x1de: {  	[tilespmem:s20], [sflag:$0x1] =	stream.indirect.gather [hbm4b:s1+s13], $0x10, s6, s13, $0xb8;
	[tilespmem:$0x1DE88] =	vst v63  }
0x1df: {  	s4 =	sadd.s32 $0x8380, s4  }
0x1e0: {  	[tilespmem:s21], [sflag:$0x1] =	stream.indirect.gather [hbm4b:s1+s13], $0x10, s4, s13, $0xb8;
	[tilespmem:$0x1DE88] =	vst v63  }
0x1e1: {  	_ =	swait.ge [sflag:s22], $0x800  }
0x1e2: {  	[sflag:s22] =	ssyncset.done $0x0  }
0x1e3: {  	[sflag:s22] =	ssyncadd.s32 $0xFFFFF800  }
0x1e4: {  	_ =	swait.ge [sflag:s22], $0x800  }
0x1e5: {  	[sflag:s22] =	ssyncset.done $0x0  }
0x1e6: {  	[sflag:s22] =	ssyncadd.s32 $0xFFFFF800  }
0x1e7: {  	_ =	swait.ge [sflag:s22], $0x800  }
0x1e8: {  	[sflag:s22] =	ssyncset.done $0x0  }
0x1e9: {  	[sflag:s22] =	ssyncadd.s32 $0xFFFFF800  }
0x1ea: {  	_ =	swait.ge [sflag:s22], $0x800  }
0x1eb: {  	[sflag:s22] =	ssyncset.done $0x0  }
0x1ec: {  	[sflag:s22] =	ssyncadd.s32 $0xFFFFF800  }
0x1ed: {  	_ =	swait.ge [sflag:s22], $0x800  }
0x1ee: {  	[sflag:s22] =	ssyncset.done $0x0  }
0x1ef: {  	[sflag:s22] =	ssyncadd.s32 $0xFFFFF800  }
0x1f0: {  	_ =	swait.ge [sflag:s22], $0x800  }
0x1f1: {  	[sflag:s22] =	ssyncset.done $0x0  }
0x1f2: {  	[sflag:s22] =	ssyncadd.s32 $0xFFFFF800  }
0x1f3: {  	_ =	swait.ge [sflag:s22], $0x800  }
0x1f4: {  	[sflag:s22] =	ssyncset.done $0x0  }
0x1f5: {  	[sflag:s22] =	ssyncadd.s32 $0xFFFFF800  }
0x1f6: {  	_ =	swait.ge [sflag:s22], $0x800  }
.Ltmp4:
0x1f7: {  	[sflag:s22] =	ssyncset.done $0x0;
	(pc) =	sbr.rel @p0 .LBB2_5-.Ltmp4, $4  }
0x1f8: {  	[sflag:s22] =	ssyncadd.s32 $0xFFFFF800  }
0x1f9: {  	[hbm4b:s0+s2] =	stream.linear.scatter [tilespmem:s14], [sflag:$0x3], $0x4000, $0x38;
	[tilespmem:$0x1DE88] =	vst v63  }
0x1fa: {  	s6 =	smov.u32 s3;
	_ =	swait.ge [sflag:s9], $0x4000  }
0x1fb: {  	s4 =	sshra.s32 s5, $0x2;
	s0 =	sadd.s32 $0x800, s0;
	[sflag:s9] =	ssyncset.done $0x0  }
0x1fc: {  	s3 =	sadd.s32 $0x8000, s4;
	[sflag:s9] =	ssyncadd.s32 $0xFFFFC000  }
0x1fd: {  	[tilespmem:s14], [sflag:$0x1] =	stream.indirect.gather [hbm4b:s1+s13], $0x10, s3, s13, $0xb8;
	[tilespmem:$0x1DE88] =	vst v63  }
0x1fe: {  	s10 =	sadd.s32 $0x8080, s4  }
0x1ff: {  	[tilespmem:s29], [sflag:$0x1] =	stream.indirect.gather [hbm4b:s1+s13], $0x10, s10, s13, $0xb8;
	[tilespmem:$0x1DE88] =	vst v63  }
0x200: {  	s15 =	sadd.s32 $0x8100, s4  }
0x201: {  	[tilespmem:s16], [sflag:$0x1] =	stream.indirect.gather [hbm4b:s1+s13], $0x10, s15, s13, $0xb8;
	[tilespmem:$0x1DE88] =	vst v63  }
0x202: {  	s23 =	sadd.s32 $0x8180, s4  }
0x203: {  	[tilespmem:s17], [sflag:$0x1] =	stream.indirect.gather [hbm4b:s1+s13], $0x10, s23, s13, $0xb8;
	[tilespmem:$0x1DE88] =	vst v63  }
0x204: {  	s24 =	sadd.s32 $0x8200, s4  }
0x205: {  	[tilespmem:s18], [sflag:$0x1] =	stream.indirect.gather [hbm4b:s1+s13], $0x10, s24, s13, $0xb8;
	[tilespmem:$0x1DE88] =	vst v63  }
0x206: {  	s25 =	sadd.s32 $0x8280, s4  }
0x207: {  	[tilespmem:s19], [sflag:$0x1] =	stream.indirect.gather [hbm4b:s1+s13], $0x10, s25, s13, $0xb8;
	[tilespmem:$0x1DE88] =	vst v63  }
0x208: {  	s26 =	sadd.s32 $0x8300, s4  }
0x209: {  	[tilespmem:s20], [sflag:$0x1] =	stream.indirect.gather [hbm4b:s1+s13], $0x10, s26, s13, $0xb8;
	[tilespmem:$0x1DE88] =	vst v63  }
0x20a: {  	s28 =	sadd.s32 $0x8380, s4  }
0x20b: {  	[tilespmem:s21], [sflag:$0x1] =	stream.indirect.gather [hbm4b:s1+s13], $0x10, s28, s13, $0xb8;
	[tilespmem:$0x1DE88] =	vst v63  }
0x20c: {  	_ =	swait.ge [sflag:s22], $0x800  }
0x20d: {  	[sflag:s22] =	ssyncset.done $0x0  }
0x20e: {  	[sflag:s22] =	ssyncadd.s32 $0xFFFFF800  }
0x20f: {  	_ =	swait.ge [sflag:s22], $0x800  }
0x210: {  	[sflag:s22] =	ssyncset.done $0x0  }
0x211: {  	[sflag:s22] =	ssyncadd.s32 $0xFFFFF800  }
0x212: {  	_ =	swait.ge [sflag:s22], $0x800  }
0x213: {  	[sflag:s22] =	ssyncset.done $0x0  }
0x214: {  	[sflag:s22] =	ssyncadd.s32 $0xFFFFF800  }
0x215: {  	_ =	swait.ge [sflag:s22], $0x800  }
0x216: {  	[sflag:s22] =	ssyncset.done $0x0  }
0x217: {  	[sflag:s22] =	ssyncadd.s32 $0xFFFFF800  }
0x218: {  	_ =	swait.ge [sflag:s22], $0x800  }
0x219: {  	[sflag:s22] =	ssyncset.done $0x0  }
0x21a: {  	[sflag:s22] =	ssyncadd.s32 $0xFFFFF800  }
0x21b: {  	_ =	swait.ge [sflag:s22], $0x800  }
0x21c: {  	[sflag:s22] =	ssyncset.done $0x0  }
0x21d: {  	[sflag:s22] =	ssyncadd.s32 $0xFFFFF800  }
0x21e: {  	_ =	swait.ge [sflag:s22], $0x800  }
0x21f: {  	[sflag:s22] =	ssyncset.done $0x0  }
0x220: {  	[sflag:s22] =	ssyncadd.s32 $0xFFFFF800  }
0x221: {  	_ =	swait.ge [sflag:s22], $0x800  }
0x222: {  	[sflag:s22] =	ssyncset.done $0x0  }
0x223: {  	[sflag:s22] =	ssyncadd.s32 $0xFFFFF800  }
0x224: {  	[hbm4b:s0+s2] =	stream.linear.scatter [tilespmem:s14], [sflag:$0x3], $0x4000, $0x38;
	[tilespmem:$0x1DE88] =	vst v63  }
0x225: {  	_ =	swait.ge [sflag:s9], $0x4000  }
0x226: {  	s30 =	rddreg [dreg:$0x8]  }
0x227: {  	s31 =	rddreg [dreg:$0x6];
	s3 =	sadd.s32 $0x1, s30  }
0x228: {  	p0 =	sne.s32 s3, s31  }
.Ltmp5:
0x229: {  	_ = 	snop;
	(pc) =	sbr.rel @p0 .LBB2_1-.Ltmp5, $3  }
0x22a: {  	_ =	sdelay $0x1  }
0x22b: {  	[sflag:s9] =	ssyncset.done $0x0  }
0x22c: {  	[sflag:s9] =	ssyncadd.s32 $0xFFFFC000  }
0x22d: {  	_ =	sfence.sel $0x180000  }
0x22e: {  	[bflag:$0x0] =	sbarrier.arrive $0xFFFF  }
0x22f: {  	_ =	strace $0x90000047  }
0x230: {  	s0 =	stileid.u32;
	[bflag:$0x2] =	sbarrier.arrive $0xFFFF  }
0x231: {  	p0 =	sne.s32 s0, $0x0;
	s0 =	rddreg [dreg:$0x2]  }
0x232: {  	s0 =	sadd.s32 @!p0 $0x100000, s0  }
0x233: {  	[sflag:s0] =	ssyncadd.tile.s32 @!p0 $0x1;
	_ =	shalt  }
.Lfunc_end2:
_tile_overlayer_lowered:
.L_overlay_start_2:
0x234: {  	(tag) =	ssettag $0x2  }
0x235: {  	s0 =	rddreg [dreg:$0x0];
	s2 =	stileid.u32  }
0x236: {  	s1 =	rddreg [dreg:$0x1];
	p0 =	sne.s32 s2, $0x0  }
0x237: {  	s3 =	rddreg [dreg:$0x2];
	[bflag:$0x3] =	sbarrier.arrive $0xFFFF;
	s2 =	simm.s32 @!p0 $0x1C03  }
0x238: {  	[timem:s3], [sflag:s2] =	dma.local @!p0 [hbm:s0], s1  }
0x239: {  	s0 =	simm.s32 @!p0 $0x3  }
0x23a: {  	_ =	swait.ge @!p0 [sflag:s0], s1  }
0x23b: {  	s1 =	ssub.s32 @!p0 $0x0, s1;
	[sflag:s0] =	ssyncset.done @!p0 $0x0  }
0x23c: {  	[sflag:s0] =	ssyncadd.s32 @!p0 s1  }
0x23d: {  	[bflag:$0x3] =	sbarrier.arrive $0xFFFF  }
0x23e: {  	_ =	shalt  }

</sc_bundles>
